<compile_context>
chip_gen: v7x
topology: tpu7x:2x2x1
jax: 0.10.2.dev20260603
libtpu: 0.0.44.dev20260713+nightly
codegen_flags: <defaults>
</compile_context>

<pallas_src>
import functools

import jax
import jax.numpy as jnp
from jax import lax
from jax.experimental import pallas as pl
from jax.experimental.pallas import tpu as pltpu
from jax.experimental.pallas import tpu_sc as plsc

N = 10000
E = 320000
D_IN = 128
D_H = 96
D_OUT = 64
EPS = 1e-5

NC = 2
NS = 16
NW = NC * NS
C = 128
NCHUNK = 80
EPW = NCHUNK * C
E_PAD = NW * EPW
N_PAD = 10240
RPT = N_PAD // NS
NP_AGG = 10016
RPT_AGG = NP_AGG // NS


def _mesh():
    return plsc.VectorSubcoreMesh(core_axis_name="c", subcore_axis_name="s")


def _sc_deg(dst3, ones_c, zeros_rpt):

    @functools.partial(
        pl.kernel,
        mesh=_mesh(),
        compiler_params=pltpu.CompilerParams(use_tc_tiling_on_sc=False),
        out_type=jax.ShapeDtypeStruct((NC, N_PAD), jnp.float32),
        scratch_types=[
            pltpu.VMEM((NCHUNK, C), jnp.int32),
            pltpu.VMEM((C,), jnp.float32),
            pltpu.VMEM((RPT,), jnp.float32),
            pltpu.VMEM_SHARED((N_PAD,), jnp.float32),
        ],
    )
    def k(dst_h, ones_h, zeros_h, out_h, dst_v, ones_v, bounce_v, acc_sh):
        cid = lax.axis_index("c")
        sid = lax.axis_index("s")
        wid = sid * NC + cid
        pltpu.sync_copy(ones_h, ones_v)
        pltpu.sync_copy(zeros_h, bounce_v)
        pltpu.sync_copy(bounce_v, acc_sh.at[pl.ds(sid * RPT, RPT)])
        pltpu.sync_copy(dst_h.at[wid], dst_v)
        plsc.subcore_barrier()

        def body(j, carry):
            pltpu.sync_copy(ones_v, acc_sh.at[dst_v.at[j]], add=True)
            return carry

        lax.fori_loop(0, NCHUNK, body, 0)
        plsc.subcore_barrier()
        pltpu.sync_copy(acc_sh.at[pl.ds(sid * RPT, RPT)], bounce_v)
        pltpu.sync_copy(bounce_v, out_h.at[cid, pl.ds(sid * RPT, RPT)])

    return k(dst3, ones_c, zeros_rpt)


def _sc_agg(h, src3, dst3, zeros_blk, d):

    @functools.partial(
        pl.kernel,
        mesh=_mesh(),
        compiler_params=pltpu.CompilerParams(use_tc_tiling_on_sc=False),
        out_type=jax.ShapeDtypeStruct((NC, NP_AGG, d), jnp.float32),
        scratch_types=[
            pltpu.VMEM((NCHUNK, C), jnp.int32),
            pltpu.VMEM((NCHUNK, C), jnp.int32),
            [pltpu.VMEM((C, d), jnp.float32)] * 4,
            pltpu.VMEM_SHARED((NP_AGG, d), jnp.float32),
            [pltpu.SemaphoreType.DMA] * 4,
            [pltpu.SemaphoreType.DMA] * 4,
        ],
    )
    def k(h_h, src_h, dst_h, zeros_h, out_h,
          src_v, dst_v, gb, acc_sh, sg, ss):
        cid = lax.axis_index("c")
        sid = lax.axis_index("s")
        wid = sid * NC + cid
        pltpu.sync_copy(zeros_h, acc_sh.at[pl.ds(sid * RPT_AGG, RPT_AGG)])
        pltpu.sync_copy(src_h.at[wid], src_v)
        pltpu.sync_copy(dst_h.at[wid], dst_v)
        plsc.subcore_barrier()

        def gather(c, slot):
            pltpu.async_copy(h_h.at[src_v.at[c]], gb[slot], sg[slot])

        def wait_gather(c, slot):
            pltpu.make_async_copy(h_h.at[src_v.at[c]], gb[slot], sg[slot]).wait()

        def scatter(j, slot):
            pltpu.async_copy(gb[slot], acc_sh.at[dst_v.at[j]], ss[slot], add=True)

        def wait_scatter(j, slot):
            pltpu.make_async_copy(gb[slot], acc_sh.at[dst_v.at[j]], ss[slot]).wait()

        gather(0, 0)
        gather(1, 1)
        for k_ in range(4):
            if k_ >= 2:
                wait_scatter(k_ - 2, k_ - 2)
            gather(k_ + 2, (k_ + 2) % 4)
            wait_gather(k_, k_)
            scatter(k_, k_)

        def body(g, carry):
            b = g * 4
            for k_ in range(4):
                wait_scatter(b + k_ - 2, (k_ + 2) % 4)
                gather(b + k_ + 2, (k_ + 2) % 4)
                wait_gather(b + k_, k_)
                scatter(b + k_, k_)
            return carry

        lax.fori_loop(1, NCHUNK // 4 - 1, body, 0)
        b = NCHUNK - 4
        for k_ in range(4):
            wait_scatter(b + k_ - 2, (k_ + 2) % 4)
            if k_ < 2:
                gather(b + k_ + 2, (k_ + 2) % 4)
            wait_gather(b + k_, k_)
            scatter(b + k_, k_)
        wait_scatter(NCHUNK - 2, 2)
        wait_scatter(NCHUNK - 1, 3)
        plsc.subcore_barrier()
        pltpu.sync_copy(acc_sh.at[pl.ds(sid * RPT_AGG, RPT_AGG)],
                        out_h.at[cid, pl.ds(sid * RPT_AGG, RPT_AGG)])

    return k(h, src3, dst3, zeros_blk)


C2 = 112
NCHUNK2 = 90
E_PAD2 = NW * NCHUNK2 * C2


def _sc_agg2sp(h, src3, dst3, zeros_blk):
    d = D_OUT
    TR = N // NS

    @functools.partial(
        pl.kernel,
        mesh=_mesh(),
        compiler_params=pltpu.CompilerParams(use_tc_tiling_on_sc=False),
        out_type=jax.ShapeDtypeStruct((NC, NP_AGG, d), jnp.float32),
        scratch_types=[
            pltpu.VMEM((NCHUNK2, C2), jnp.int32),
            pltpu.VMEM((NCHUNK2, C2), jnp.int32),
            [pltpu.VMEM((C2, d), jnp.float32)] * 4,
            pltpu.VMEM_SHARED((N, d), jnp.float32),
            pltpu.VMEM_SHARED((NP_AGG, d), jnp.float32),
            [pltpu.SemaphoreType.DMA] * 4,
            [pltpu.SemaphoreType.DMA] * 4,
        ],
    )
    def k(h_h, src_h, dst_h, zeros_h, out_h,
          src_v, dst_v, gb, tab_sh, acc_sh, sg, ss):
        cid = lax.axis_index("c")
        sid = lax.axis_index("s")
        wid = sid * NC + cid
        pltpu.sync_copy(h_h.at[pl.ds(sid * TR, TR)], tab_sh.at[pl.ds(sid * TR, TR)])
        pltpu.sync_copy(zeros_h, acc_sh.at[pl.ds(sid * RPT_AGG, RPT_AGG)])
        pltpu.sync_copy(src_h.at[wid], src_v)
        pltpu.sync_copy(dst_h.at[wid], dst_v)
        plsc.subcore_barrier()

        def gather(c, slot):
            pltpu.async_copy(tab_sh.at[src_v.at[c]], gb[slot], sg[slot])

        def wait_gather(c, slot):
            pltpu.make_async_copy(tab_sh.at[src_v.at[c]], gb[slot], sg[slot]).wait()

        def scatter(j, slot):
            pltpu.async_copy(gb[slot], acc_sh.at[dst_v.at[j]], ss[slot], add=True)

        def wait_scatter(j, slot):
            pltpu.make_async_copy(gb[slot], acc_sh.at[dst_v.at[j]], ss[slot]).wait()

        gather(0, 0)
        gather(1, 1)
        for k_ in range(4):
            if k_ >= 2:
                wait_scatter(k_ - 2, k_ - 2)
            gather(k_ + 2, (k_ + 2) % 4)
            wait_gather(k_, k_)
            scatter(k_, k_)

        def body(g, carry):
            b = g * 4
            for k_ in range(4):
                wait_scatter(b + k_ - 2, (k_ + 2) % 4)
                gather(b + k_ + 2, (k_ + 2) % 4)
                wait_gather(b + k_, k_)
                scatter(b + k_, k_)
            return carry

        lax.fori_loop(1, NCHUNK2 // 4, body, 0)
        wait_scatter(NCHUNK2 - 4, 2)
        wait_gather(NCHUNK2 - 2, 0)
        scatter(NCHUNK2 - 2, 0)
        wait_scatter(NCHUNK2 - 3, 3)
        wait_gather(NCHUNK2 - 1, 1)
        scatter(NCHUNK2 - 1, 1)
        wait_scatter(NCHUNK2 - 2, 0)
        wait_scatter(NCHUNK2 - 1, 1)
        plsc.subcore_barrier()
        pltpu.sync_copy(acc_sh.at[pl.ds(sid * RPT_AGG, RPT_AGG)],
                        out_h.at[cid, pl.ds(sid * RPT_AGG, RPT_AGG)])

    return k(h, src3, dst3, zeros_blk)


def _tc1a(x, bn_gamma, bn_beta, W1):

    def body(x_ref, g_ref, b_ref, w_ref, h_ref):
        xv = x_ref[...]
        mean = jnp.mean(xv, axis=0, keepdims=True)
        xc = xv - mean
        var = jnp.mean(xc * xc, axis=0, keepdims=True)
        xn = xc * lax.rsqrt(var + EPS) * g_ref[...] + b_ref[...]
        h_ref[...] = jnp.dot(xn, w_ref[...].T, preferred_element_type=jnp.float32)

    return pl.pallas_call(
        body,
        out_shape=jax.ShapeDtypeStruct((N, D_H), jnp.float32),
    )(x, bn_gamma, bn_beta, W1)


def _tc1b(h1, degT):

    def body(h_ref, deg_ref, hp_ref, dis_ref):
        deg = deg_ref[:, 0:1] + deg_ref[:, 1:2] + 1.0
        dis = lax.rsqrt(deg)
        hp_ref[...] = h_ref[...] * dis
        dis_ref[...] = dis

    return pl.pallas_call(
        body,
        out_shape=(
            jax.ShapeDtypeStruct((N, D_H), jnp.float32),
            jax.ShapeDtypeStruct((N, 1), jnp.float32),
        ),
    )(h1, degT)


def _tc2(A1, h1p, dis, b1, ln_gamma, ln_beta, W2):

    def body(a_ref, h_ref, dis_ref, b1_ref, lng_ref, lnb_ref, w2_ref, o_ref):
        dis = dis_ref[...]
        agg = a_ref[0, :N, :] + a_ref[1, :N, :] + h_ref[...]
        h1 = jnp.maximum(agg * dis + b1_ref[...], 0.0)
        m = jnp.mean(h1)
        hc = h1 - m
        v = jnp.mean(hc * hc)
        ln = hc * lax.rsqrt(v + EPS) * lng_ref[...] + lnb_ref[...]
        h2 = jnp.dot(ln, w2_ref[...].T, preferred_element_type=jnp.float32)
        o_ref[...] = h2 * dis

    return pl.pallas_call(
        body,
        out_shape=jax.ShapeDtypeStruct((N, D_OUT), jnp.float32),
    )(A1, h1p, dis, b1, ln_gamma, ln_beta, W2)


def _tc3(A2, h2p, dis, b2):
    def body(a_ref, h_ref, dis_ref, b2_ref, o_ref):
        agg = a_ref[0, :N, :] + a_ref[1, :N, :] + h_ref[...]
        o_ref[...] = jnp.maximum(agg * dis_ref[...] + b2_ref[...], 0.0)

    return pl.pallas_call(
        body,
        out_shape=jax.ShapeDtypeStruct((N, D_OUT), jnp.float32),
    )(A2, h2p, dis, b2)


def kernel(x, edge_index, bn_gamma, bn_beta, W1, b1, ln_gamma, ln_beta, W2, b2):
    src = edge_index[0]
    dst = edge_index[1]
    pad = E_PAD - E
    src3 = jnp.concatenate([src, jnp.zeros((pad,), jnp.int32)]).reshape(NW, NCHUNK, C)
    dst3 = jnp.concatenate([dst, jnp.full((pad,), N, jnp.int32)]).reshape(NW, NCHUNK, C)
    pad2 = E_PAD2 - E
    src3b = jnp.concatenate([src, jnp.zeros((pad2,), jnp.int32)]).reshape(NW, NCHUNK2, C2)
    dst3b = jnp.concatenate([dst, jnp.full((pad2,), N, jnp.int32)]).reshape(NW, NCHUNK2, C2)
    ones_c = jnp.ones((C,), jnp.float32)
    zeros_rpt = jnp.zeros((RPT,), jnp.float32)
    zeros_h96 = jnp.zeros((RPT_AGG, D_H), jnp.float32)
    zeros_h64 = jnp.zeros((RPT_AGG, D_OUT), jnp.float32)

    deg_parts = _sc_deg(dst3, ones_c, zeros_rpt)
    degT = deg_parts.T[:N]
    h1 = _tc1a(x, bn_gamma, bn_beta, W1)
    h1p, dis = _tc1b(h1, degT)
    A1 = _sc_agg(h1p, src3, dst3, zeros_h96, D_H)
    h2p = _tc2(A1, h1p, dis, b1, ln_gamma, ln_beta, W2)
    A2 = _sc_agg2sp(h2p, src3b, dst3b, zeros_h64)
    return _tc3(A2, h2p, dis, b2)

# --- scband reference (transcript-rebuilt; emitter-appended) ---
"""Pipeline reference for scband-reco-anomaly-38208029065461 (READ-ONLY COPY).

The authoritative reference and input builder live on the scoring server;
editing this copy changes nothing except your own understanding.
"""

import jax, jax.numpy as jnp
import numpy as np

N = 10000
E = 320000
D_IN = 128
D_H = 96  # layer1_out = 128 - (128-64)//2
D_OUT = 64
EPS = 1e-5


def setup_inputs(seed: int = 0) -> dict:
    key = jax.random.key(seed)
    ks = jax.random.split(key, 8)
    x = jax.random.normal(ks[0], (N, D_IN), dtype=jnp.float32)
    edge_index = jax.random.randint(ks[1], (2, E), 0, N, dtype=jnp.int32)
    # BatchNorm params (in_channels=128)
    bn_gamma = jnp.ones((D_IN,), dtype=jnp.float32)
    bn_beta = jnp.zeros((D_IN,), dtype=jnp.float32)
    # GCNConv1 params: weight [out, in] like torch lin, bias [out]
    W1 = jax.random.normal(ks[2], (D_H, D_IN), dtype=jnp.float32) * 0.05
    b1 = jnp.zeros((D_H,), dtype=jnp.float32)
    # LayerNorm params (in_channels=96)
    ln_gamma = jnp.ones((D_H,), dtype=jnp.float32)
    ln_beta = jnp.zeros((D_H,), dtype=jnp.float32)
    # GCNConv2 params
    W2 = jax.random.normal(ks[3], (D_OUT, D_H), dtype=jnp.float32) * 0.05
    b2 = jnp.zeros((D_OUT,), dtype=jnp.float32)
    return {"x": x, "edge_index": edge_index, "bn_gamma": bn_gamma, "bn_beta": bn_beta,
            "W1": W1, "b1": b1, "ln_gamma": ln_gamma, "ln_beta": ln_beta, "W2": W2, "b2": b2}


def _gcn_conv(x, edge_index, W, b):
    # PyG GCNConv: add self-loops, symmetric normalization, linear, scatter-add aggregate, bias
    n = x.shape[0]
    src = edge_index[0]
    dst = edge_index[1]
    loop = jnp.arange(n, dtype=src.dtype)
    src = jnp.concatenate([src, loop])
    dst = jnp.concatenate([dst, loop])
    h = x @ W.T
    deg = jnp.zeros((n,), dtype=h.dtype).at[dst].add(1.0)
    deg_inv_sqrt = jax.lax.rsqrt(deg)  # deg >= 1 because of self-loops
    norm = deg_inv_sqrt[src] * deg_inv_sqrt[dst]
    msg = h[src] * norm[:, None]
    out = jnp.zeros_like(h).at[dst].add(msg)
    return out + b


def reference(x, edge_index, bn_gamma, bn_beta, W1, b1, ln_gamma, ln_beta, W2, b2):
    # BatchNorm over nodes (training-mode batch statistics, per feature)
    mean = jnp.mean(x, axis=0)
    var = jnp.var(x, axis=0)
    h = (x - mean) * jax.lax.rsqrt(var + EPS) * bn_gamma + bn_beta
    # GCNConv 1 + ReLU
    h = _gcn_conv(h, edge_index, W1, b1)
    h = jax.nn.relu(h)
    # PyG LayerNorm (mode='graph'): normalize over all nodes and features of the graph
    m = jnp.mean(h)
    hc = h - m
    v = jnp.mean(hc * hc)
    h = hc * jax.lax.rsqrt(v + EPS) * ln_gamma + ln_beta
    # GCNConv 2 + ReLU
    h = _gcn_conv(h, edge_index, W2, b2)
    h = jax.nn.relu(h)
    return h

if __name__ == "__main__":
    import jax
    _d = setup_inputs()
    print(jax.jit(kernel)(*tuple(_d.values())))

</pallas_src>

<mosaic_0001>
#map = affine_map<(d0, d1) -> (0, 0)>
#map1 = affine_map<(d0, d1) -> (0, 0, 0)>
module attributes {stable_mosaic.version = 14 : i64} {
  func.func @k(%arg0: i32, %arg1: i32, %arg2: memref<10000x64xf32, #tpu.memory_space<hbm>>, %arg3: memref<32x90x112xi32, #tpu.memory_space<hbm>>, %arg4: memref<32x90x112xi32, #tpu.memory_space<hbm>>, %arg5: memref<626x64xf32, #tpu.memory_space<hbm>>, %arg6: memref<2x10016x64xf32, #tpu.memory_space<hbm>>, %arg7: memref<90x112xi32, #tpu.memory_space<vmem>>, %arg8: memref<90x112xi32, #tpu.memory_space<vmem>>, %arg9: memref<112x64xf32, #tpu.memory_space<vmem>>, %arg10: memref<112x64xf32, #tpu.memory_space<vmem>>, %arg11: memref<112x64xf32, #tpu.memory_space<vmem>>, %arg12: memref<112x64xf32, #tpu.memory_space<vmem>>, %arg13: memref<10000x64xf32, #tpu.memory_space<vmem_shared>>, %arg14: memref<10016x64xf32, #tpu.memory_space<vmem_shared>>, %arg15: memref<!tpu.dma_semaphore, #tpu.memory_space<semaphore_mem>>, %arg16: memref<!tpu.dma_semaphore, #tpu.memory_space<semaphore_mem>>, %arg17: memref<!tpu.dma_semaphore, #tpu.memory_space<semaphore_mem>>, %arg18: memref<!tpu.dma_semaphore, #tpu.memory_space<semaphore_mem>>, %arg19: memref<!tpu.dma_semaphore, #tpu.memory_space<semaphore_mem>>, %arg20: memref<!tpu.dma_semaphore, #tpu.memory_space<semaphore_mem>>, %arg21: memref<!tpu.dma_semaphore, #tpu.memory_space<semaphore_mem>>, %arg22: memref<!tpu.dma_semaphore, #tpu.memory_space<semaphore_mem>>) attributes {dimension_semantics = [#tpu.dimension_semantics<core_parallel>, #tpu.dimension_semantics<subcore_parallel>], iteration_bounds = array<i64: 2, 16>, scalar_prefetch = 0 : i64, scratch_operands = 16 : i64, tpu.core_type = #tpu.core_type<sc_vector_subcore>, window_params = [{transform_indices = #map}, {transform_indices = #map1}, {transform_indices = #map1}, {transform_indices = #map}, {transform_indices = #map1}]} {
    %mul3A = arith.constant 2 : i32
    %mul3A_0 = arith.muli %arg1, %mul3A : i32
    %add3A = arith.addi %mul3A_0, %arg0 : i32
    %mul3A_1 = arith.constant 625 : i32
    %mul3A_2 = arith.muli %arg1, %mul3A_1 : i32
    %mul3A_3 = arith.constant 625 : i32
    %mul3A_4 = arith.muli %arg1, %mul3A_3 : i32
    "tpu.region"() ({
      %run_scoped3A = tpu.sem_alloc : memref<!tpu.dma_semaphore, #tpu.memory_space<semaphore_mem>>
      %dma_start3A_183 = arith.constant 0 : i32
      %dma_start3A_184 = tpu.memref_slice %arg13[%mul3A_4, %dma_start3A_183] : memref<10000x64xf32, #tpu.memory_space<vmem_shared>> -> memref<625x64xf32, #tpu.memory_space<vmem_shared>>
      %dma_start3A_185 = arith.constant 0 : i32
      %dma_start3A_186 = tpu.memref_slice %arg2[%mul3A_2, %dma_start3A_185] : memref<10000x64xf32, #tpu.memory_space<hbm>> -> memref<625x64xf32, #tpu.memory_space<hbm>>
      tpu.enqueue_dma source(%dma_start3A_186 : memref<625x64xf32, #tpu.memory_space<hbm>>) target(%dma_start3A_184 : memref<625x64xf32, #tpu.memory_space<vmem_shared>>) target_semaphore(%run_scoped3A : memref<!tpu.dma_semaphore, #tpu.memory_space<semaphore_mem>>)
      %dma_wait3A_187 = arith.constant 0 : i32
      %dma_wait3A_188 = tpu.memref_slice %arg13[%mul3A_4, %dma_wait3A_187] : memref<10000x64xf32, #tpu.memory_space<vmem_shared>> -> memref<625x64xf32, #tpu.memory_space<vmem_shared>>
      %dma_wait3A_189 = arith.constant 0 : i32
      %dma_wait3A_190 = tpu.memref_slice %arg2[%mul3A_2, %dma_wait3A_189] : memref<10000x64xf32, #tpu.memory_space<hbm>> -> memref<625x64xf32, #tpu.memory_space<hbm>>
      tpu.wait_dma2 semaphore(%run_scoped3A : memref<!tpu.dma_semaphore, #tpu.memory_space<semaphore_mem>>) src(%dma_wait3A_190 : memref<625x64xf32, #tpu.memory_space<hbm>>) dst(%dma_wait3A_188 : memref<625x64xf32, #tpu.memory_space<vmem_shared>>)
      tpu.yield
    }) : () -> ()
    %mul3A_5 = arith.constant 626 : i32
    %mul3A_6 = arith.muli %arg1, %mul3A_5 : i32
    "tpu.region"() ({
      %run_scoped3A = tpu.sem_alloc : memref<!tpu.dma_semaphore, #tpu.memory_space<semaphore_mem>>
      %dma_start3A_183 = arith.constant 0 : i32
      %dma_start3A_184 = tpu.memref_slice %arg14[%mul3A_6, %dma_start3A_183] : memref<10016x64xf32, #tpu.memory_space<vmem_shared>> -> memref<626x64xf32, #tpu.memory_space<vmem_shared>>
      tpu.enqueue_dma source(%arg5 : memref<626x64xf32, #tpu.memory_space<hbm>>) target(%dma_start3A_184 : memref<626x64xf32, #tpu.memory_space<vmem_shared>>) target_semaphore(%run_scoped3A : memref<!tpu.dma_semaphore, #tpu.memory_space<semaphore_mem>>)
      %dma_wait3A_185 = arith.constant 0 : i32
      %dma_wait3A_186 = tpu.memref_slice %arg14[%mul3A_6, %dma_wait3A_185] : memref<10016x64xf32, #tpu.memory_space<vmem_shared>> -> memref<626x64xf32, #tpu.memory_space<vmem_shared>>
      tpu.wait_dma2 semaphore(%run_scoped3A : memref<!tpu.dma_semaphore, #tpu.memory_space<semaphore_mem>>) src(%arg5 : memref<626x64xf32, #tpu.memory_space<hbm>>) dst(%dma_wait3A_186 : memref<626x64xf32, #tpu.memory_space<vmem_shared>>)
      tpu.yield
    }) : () -> ()
    "tpu.region"() ({
      %run_scoped3A = tpu.sem_alloc : memref<!tpu.dma_semaphore, #tpu.memory_space<semaphore_mem>>
      %dma_start3A_183 = arith.constant 0 : i32
      %dma_start3A_184 = arith.constant 0 : i32
      %dma_start3A_185 = tpu.memref_slice %arg3[%add3A, %dma_start3A_183, %dma_start3A_184] : memref<32x90x112xi32, #tpu.memory_space<hbm>> -> memref<1x90x112xi32, #tpu.memory_space<hbm>>
      %dma_start3A_186 = tpu.memref_squeeze %dma_start3A_185 : memref<1x90x112xi32, #tpu.memory_space<hbm>> -> memref<90x112xi32, #tpu.memory_space<hbm>>
      %dma_start3A_187 = arith.constant 0 : i32
      %dma_start3A_188 = arith.constant 0 : i32
      %dma_start3A_189 = tpu.memref_slice %arg3[%add3A, %dma_start3A_187, %dma_start3A_188] : memref<32x90x112xi32, #tpu.memory_space<hbm>> -> memref<1x90x112xi32, #tpu.memory_space<hbm>>
      %dma_start3A_190 = tpu.memref_squeeze %dma_start3A_189 : memref<1x90x112xi32, #tpu.memory_space<hbm>> -> memref<90x112xi32, #tpu.memory_space<hbm>>
      tpu.enqueue_dma source(%dma_start3A_190 : memref<90x112xi32, #tpu.memory_space<hbm>>) target(%arg7 : memref<90x112xi32, #tpu.memory_space<vmem>>) target_semaphore(%run_scoped3A : memref<!tpu.dma_semaphore, #tpu.memory_space<semaphore_mem>>)
      %dma_wait3A_191 = arith.constant 0 : i32
      %dma_wait3A_192 = arith.constant 0 : i32
      %dma_wait3A_193 = tpu.memref_slice %arg3[%add3A, %dma_wait3A_191, %dma_wait3A_192] : memref<32x90x112xi32, #tpu.memory_space<hbm>> -> memref<1x90x112xi32, #tpu.memory_space<hbm>>
      %dma_wait3A_194 = tpu.memref_squeeze %dma_wait3A_193 : memref<1x90x112xi32, #tpu.memory_space<hbm>> -> memref<90x112xi32, #tpu.memory_space<hbm>>
      %dma_wait3A_195 = arith.constant 0 : i32
      %dma_wait3A_196 = arith.constant 0 : i32
      %dma_wait3A_197 = tpu.memref_slice %arg3[%add3A, %dma_wait3A_195, %dma_wait3A_196] : memref<32x90x112xi32, #tpu.memory_space<hbm>> -> memref<1x90x112xi32, #tpu.memory_space<hbm>>
      %dma_wait3A_198 = tpu.memref_squeeze %dma_wait3A_197 : memref<1x90x112xi32, #tpu.memory_space<hbm>> -> memref<90x112xi32, #tpu.memory_space<hbm>>
      tpu.wait_dma2 semaphore(%run_scoped3A : memref<!tpu.dma_semaphore, #tpu.memory_space<semaphore_mem>>) src(%dma_wait3A_198 : memref<90x112xi32, #tpu.memory_space<hbm>>) dst(%arg7 : memref<90x112xi32, #tpu.memory_space<vmem>>)
      tpu.yield
    }) : () -> ()
    "tpu.region"() ({
      %run_scoped3A = tpu.sem_alloc : memref<!tpu.dma_semaphore, #tpu.memory_space<semaphore_mem>>
      %dma_start3A_183 = arith.constant 0 : i32
      %dma_start3A_184 = arith.constant 0 : i32
      %dma_start3A_185 = tpu.memref_slice %arg4[%add3A, %dma_start3A_183, %dma_start3A_184] : memref<32x90x112xi32, #tpu.memory_space<hbm>> -> memref<1x90x112xi32, #tpu.memory_space<hbm>>
      %dma_start3A_186 = tpu.memref_squeeze %dma_start3A_185 : memref<1x90x112xi32, #tpu.memory_space<hbm>> -> memref<90x112xi32, #tpu.memory_space<hbm>>
      %dma_start3A_187 = arith.constant 0 : i32
      %dma_start3A_188 = arith.constant 0 : i32
      %dma_start3A_189 = tpu.memref_slice %arg4[%add3A, %dma_start3A_187, %dma_start3A_188] : memref<32x90x112xi32, #tpu.memory_space<hbm>> -> memref<1x90x112xi32, #tpu.memory_space<hbm>>
      %dma_start3A_190 = tpu.memref_squeeze %dma_start3A_189 : memref<1x90x112xi32, #tpu.memory_space<hbm>> -> memref<90x112xi32, #tpu.memory_space<hbm>>
      tpu.enqueue_dma source(%dma_start3A_190 : memref<90x112xi32, #tpu.memory_space<hbm>>) target(%arg8 : memref<90x112xi32, #tpu.memory_space<vmem>>) target_semaphore(%run_scoped3A : memref<!tpu.dma_semaphore, #tpu.memory_space<semaphore_mem>>)
      %dma_wait3A_191 = arith.constant 0 : i32
      %dma_wait3A_192 = arith.constant 0 : i32
      %dma_wait3A_193 = tpu.memref_slice %arg4[%add3A, %dma_wait3A_191, %dma_wait3A_192] : memref<32x90x112xi32, #tpu.memory_space<hbm>> -> memref<1x90x112xi32, #tpu.memory_space<hbm>>
      %dma_wait3A_194 = tpu.memref_squeeze %dma_wait3A_193 : memref<1x90x112xi32, #tpu.memory_space<hbm>> -> memref<90x112xi32, #tpu.memory_space<hbm>>
      %dma_wait3A_195 = arith.constant 0 : i32
      %dma_wait3A_196 = arith.constant 0 : i32
      %dma_wait3A_197 = tpu.memref_slice %arg4[%add3A, %dma_wait3A_195, %dma_wait3A_196] : memref<32x90x112xi32, #tpu.memory_space<hbm>> -> memref<1x90x112xi32, #tpu.memory_space<hbm>>
      %dma_wait3A_198 = tpu.memref_squeeze %dma_wait3A_197 : memref<1x90x112xi32, #tpu.memory_space<hbm>> -> memref<90x112xi32, #tpu.memory_space<hbm>>
      tpu.wait_dma2 semaphore(%run_scoped3A : memref<!tpu.dma_semaphore, #tpu.memory_space<semaphore_mem>>) src(%dma_wait3A_198 : memref<90x112xi32, #tpu.memory_space<hbm>>) dst(%arg8 : memref<90x112xi32, #tpu.memory_space<vmem>>)
      tpu.yield
    }) : () -> ()
    %barrier3A = arith.constant 0 : index
    tpu.barrier barrier_id(%barrier3A)
    %dma_start3A = arith.constant 0 : i32
    %dma_start3A_7 = arith.constant 0 : i32
    %dma_start3A_8 = tpu.memref_slice %arg7[%dma_start3A, %dma_start3A_7] : memref<90x112xi32, #tpu.memory_space<vmem>> -> memref<1x112xi32, #tpu.memory_space<vmem>>
    %dma_start3A_9 = tpu.memref_squeeze %dma_start3A_8 : memref<1x112xi32, #tpu.memory_space<vmem>> -> memref<112xi32, #tpu.memory_space<vmem>>
    %dma_start3A_10 = arith.constant 0 : i32
    %dma_start3A_11 = arith.constant 0 : i32
    %dma_start3A_12 = tpu.memref_slice %arg13[%dma_start3A_10, %dma_start3A_11] : memref<10000x64xf32, #tpu.memory_space<vmem_shared>> -> memref<10000x64xf32, #tpu.memory_space<vmem_shared>>
    tpu.enqueue_indirect_dma source(%dma_start3A_12 : memref<10000x64xf32, #tpu.memory_space<vmem_shared>>) target(%arg9 : memref<112x64xf32, #tpu.memory_space<vmem>>) offsets(%dma_start3A_9 : memref<112xi32, #tpu.memory_space<vmem>>) semaphore(%arg15 : memref<!tpu.dma_semaphore, #tpu.memory_space<semaphore_mem>>)
    %dma_start3A_13 = arith.constant 1 : i32
    %dma_start3A_14 = arith.constant 0 : i32
    %dma_start3A_15 = tpu.memref_slice %arg7[%dma_start3A_13, %dma_start3A_14] : memref<90x112xi32, #tpu.memory_space<vmem>> -> memref<1x112xi32, #tpu.memory_space<vmem>>
    %dma_start3A_16 = tpu.memref_squeeze %dma_start3A_15 : memref<1x112xi32, #tpu.memory_space<vmem>> -> memref<112xi32, #tpu.memory_space<vmem>>
    %dma_start3A_17 = arith.constant 0 : i32
    %dma_start3A_18 = arith.constant 0 : i32
    %dma_start3A_19 = tpu.memref_slice %arg13[%dma_start3A_17, %dma_start3A_18] : memref<10000x64xf32, #tpu.memory_space<vmem_shared>> -> memref<10000x64xf32, #tpu.memory_space<vmem_shared>>
    tpu.enqueue_indirect_dma source(%dma_start3A_19 : memref<10000x64xf32, #tpu.memory_space<vmem_shared>>) target(%arg10 : memref<112x64xf32, #tpu.memory_space<vmem>>) offsets(%dma_start3A_16 : memref<112xi32, #tpu.memory_space<vmem>>) semaphore(%arg16 : memref<!tpu.dma_semaphore, #tpu.memory_space<semaphore_mem>>)
    %dma_start3A_20 = arith.constant 2 : i32
    %dma_start3A_21 = arith.constant 0 : i32
    %dma_start3A_22 = tpu.memref_slice %arg7[%dma_start3A_20, %dma_start3A_21] : memref<90x112xi32, #tpu.memory_space<vmem>> -> memref<1x112xi32, #tpu.memory_space<vmem>>
    %dma_start3A_23 = tpu.memref_squeeze %dma_start3A_22 : memref<1x112xi32, #tpu.memory_space<vmem>> -> memref<112xi32, #tpu.memory_space<vmem>>
    %dma_start3A_24 = arith.constant 0 : i32
    %dma_start3A_25 = arith.constant 0 : i32
    %dma_start3A_26 = tpu.memref_slice %arg13[%dma_start3A_24, %dma_start3A_25] : memref<10000x64xf32, #tpu.memory_space<vmem_shared>> -> memref<10000x64xf32, #tpu.memory_space<vmem_shared>>
    tpu.enqueue_indirect_dma source(%dma_start3A_26 : memref<10000x64xf32, #tpu.memory_space<vmem_shared>>) target(%arg11 : memref<112x64xf32, #tpu.memory_space<vmem>>) offsets(%dma_start3A_23 : memref<112xi32, #tpu.memory_space<vmem>>) semaphore(%arg17 : memref<!tpu.dma_semaphore, #tpu.memory_space<semaphore_mem>>)
    %dma_wait3A = arith.constant 0 : i32
    %dma_wait3A_27 = arith.constant 0 : i32
    %dma_wait3A_28 = tpu.memref_slice %arg7[%dma_wait3A, %dma_wait3A_27] : memref<90x112xi32, #tpu.memory_space<vmem>> -> memref<1x112xi32, #tpu.memory_space<vmem>>
    %dma_wait3A_29 = tpu.memref_squeeze %dma_wait3A_28 : memref<1x112xi32, #tpu.memory_space<vmem>> -> memref<112xi32, #tpu.memory_space<vmem>>
    %dma_wait3A_30 = arith.constant 0 : i32
    %dma_wait3A_31 = arith.constant 0 : i32
    %dma_wait3A_32 = tpu.memref_slice %arg13[%dma_wait3A_30, %dma_wait3A_31] : memref<10000x64xf32, #tpu.memory_space<vmem_shared>> -> memref<10000x64xf32, #tpu.memory_space<vmem_shared>>
    tpu.wait_indirect_dma semaphore(%arg15 : memref<!tpu.dma_semaphore, #tpu.memory_space<semaphore_mem>>) src(%dma_wait3A_32 : memref<10000x64xf32, #tpu.memory_space<vmem_shared>>) dst(%arg9 : memref<112x64xf32, #tpu.memory_space<vmem>>)
    %dma_start3A_33 = arith.constant 0 : i32
    %dma_start3A_34 = arith.constant 0 : i32
    %dma_start3A_35 = tpu.memref_slice %arg8[%dma_start3A_33, %dma_start3A_34] : memref<90x112xi32, #tpu.memory_space<vmem>> -> memref<1x112xi32, #tpu.memory_space<vmem>>
    %dma_start3A_36 = tpu.memref_squeeze %dma_start3A_35 : memref<1x112xi32, #tpu.memory_space<vmem>> -> memref<112xi32, #tpu.memory_space<vmem>>
    %dma_start3A_37 = arith.constant 0 : i32
    %dma_start3A_38 = arith.constant 0 : i32
    %dma_start3A_39 = tpu.memref_slice %arg14[%dma_start3A_37, %dma_start3A_38] : memref<10016x64xf32, #tpu.memory_space<vmem_shared>> -> memref<10016x64xf32, #tpu.memory_space<vmem_shared>>
    tpu.enqueue_indirect_dma source(%arg9 : memref<112x64xf32, #tpu.memory_space<vmem>>) target(%dma_start3A_39 : memref<10016x64xf32, #tpu.memory_space<vmem_shared>>) offsets(%dma_start3A_36 : memref<112xi32, #tpu.memory_space<vmem>>) semaphore(%arg19 : memref<!tpu.dma_semaphore, #tpu.memory_space<semaphore_mem>>) {add = true}
    %dma_start3A_40 = arith.constant 3 : i32
    %dma_start3A_41 = arith.constant 0 : i32
    %dma_start3A_42 = tpu.memref_slice %arg7[%dma_start3A_40, %dma_start3A_41] : memref<90x112xi32, #tpu.memory_space<vmem>> -> memref<1x112xi32, #tpu.memory_space<vmem>>
    %dma_start3A_43 = tpu.memref_squeeze %dma_start3A_42 : memref<1x112xi32, #tpu.memory_space<vmem>> -> memref<112xi32, #tpu.memory_space<vmem>>
    %dma_start3A_44 = arith.constant 0 : i32
    %dma_start3A_45 = arith.constant 0 : i32
    %dma_start3A_46 = tpu.memref_slice %arg13[%dma_start3A_44, %dma_start3A_45] : memref<10000x64xf32, #tpu.memory_space<vmem_shared>> -> memref<10000x64xf32, #tpu.memory_space<vmem_shared>>
    tpu.enqueue_indirect_dma source(%dma_start3A_46 : memref<10000x64xf32, #tpu.memory_space<vmem_shared>>) target(%arg12 : memref<112x64xf32, #tpu.memory_space<vmem>>) offsets(%dma_start3A_43 : memref<112xi32, #tpu.memory_space<vmem>>) semaphore(%arg18 : memref<!tpu.dma_semaphore, #tpu.memory_space<semaphore_mem>>)
    %dma_wait3A_47 = arith.constant 1 : i32
    %dma_wait3A_48 = arith.constant 0 : i32
    %dma_wait3A_49 = tpu.memref_slice %arg7[%dma_wait3A_47, %dma_wait3A_48] : memref<90x112xi32, #tpu.memory_space<vmem>> -> memref<1x112xi32, #tpu.memory_space<vmem>>
    %dma_wait3A_50 = tpu.memref_squeeze %dma_wait3A_49 : memref<1x112xi32, #tpu.memory_space<vmem>> -> memref<112xi32, #tpu.memory_space<vmem>>
    %dma_wait3A_51 = arith.constant 0 : i32
    %dma_wait3A_52 = arith.constant 0 : i32
    %dma_wait3A_53 = tpu.memref_slice %arg13[%dma_wait3A_51, %dma_wait3A_52] : memref<10000x64xf32, #tpu.memory_space<vmem_shared>> -> memref<10000x64xf32, #tpu.memory_space<vmem_shared>>
    tpu.wait_indirect_dma semaphore(%arg16 : memref<!tpu.dma_semaphore, #tpu.memory_space<semaphore_mem>>) src(%dma_wait3A_53 : memref<10000x64xf32, #tpu.memory_space<vmem_shared>>) dst(%arg10 : memref<112x64xf32, #tpu.memory_space<vmem>>)
    %dma_start3A_54 = arith.constant 1 : i32
    %dma_start3A_55 = arith.constant 0 : i32
    %dma_start3A_56 = tpu.memref_slice %arg8[%dma_start3A_54, %dma_start3A_55] : memref<90x112xi32, #tpu.memory_space<vmem>> -> memref<1x112xi32, #tpu.memory_space<vmem>>
    %dma_start3A_57 = tpu.memref_squeeze %dma_start3A_56 : memref<1x112xi32, #tpu.memory_space<vmem>> -> memref<112xi32, #tpu.memory_space<vmem>>
    %dma_start3A_58 = arith.constant 0 : i32
    %dma_start3A_59 = arith.constant 0 : i32
    %dma_start3A_60 = tpu.memref_slice %arg14[%dma_start3A_58, %dma_start3A_59] : memref<10016x64xf32, #tpu.memory_space<vmem_shared>> -> memref<10016x64xf32, #tpu.memory_space<vmem_shared>>
    tpu.enqueue_indirect_dma source(%arg10 : memref<112x64xf32, #tpu.memory_space<vmem>>) target(%dma_start3A_60 : memref<10016x64xf32, #tpu.memory_space<vmem_shared>>) offsets(%dma_start3A_57 : memref<112xi32, #tpu.memory_space<vmem>>) semaphore(%arg20 : memref<!tpu.dma_semaphore, #tpu.memory_space<semaphore_mem>>) {add = true}
    %dma_wait3A_61 = arith.constant 0 : i32
    %dma_wait3A_62 = arith.constant 0 : i32
    %dma_wait3A_63 = tpu.memref_slice %arg8[%dma_wait3A_61, %dma_wait3A_62] : memref<90x112xi32, #tpu.memory_space<vmem>> -> memref<1x112xi32, #tpu.memory_space<vmem>>
    %dma_wait3A_64 = tpu.memref_squeeze %dma_wait3A_63 : memref<1x112xi32, #tpu.memory_space<vmem>> -> memref<112xi32, #tpu.memory_space<vmem>>
    %dma_wait3A_65 = arith.constant 0 : i32
    %dma_wait3A_66 = arith.constant 0 : i32
    %dma_wait3A_67 = tpu.memref_slice %arg14[%dma_wait3A_65, %dma_wait3A_66] : memref<10016x64xf32, #tpu.memory_space<vmem_shared>> -> memref<10016x64xf32, #tpu.memory_space<vmem_shared>>
    tpu.wait_indirect_dma semaphore(%arg19 : memref<!tpu.dma_semaphore, #tpu.memory_space<semaphore_mem>>) src(%arg9 : memref<112x64xf32, #tpu.memory_space<vmem>>) dst(%dma_wait3A_67 : memref<10016x64xf32, #tpu.memory_space<vmem_shared>>)
    %dma_start3A_68 = arith.constant 4 : i32
    %dma_start3A_69 = arith.constant 0 : i32
    %dma_start3A_70 = tpu.memref_slice %arg7[%dma_start3A_68, %dma_start3A_69] : memref<90x112xi32, #tpu.memory_space<vmem>> -> memref<1x112xi32, #tpu.memory_space<vmem>>
    %dma_start3A_71 = tpu.memref_squeeze %dma_start3A_70 : memref<1x112xi32, #tpu.memory_space<vmem>> -> memref<112xi32, #tpu.memory_space<vmem>>
    %dma_start3A_72 = arith.constant 0 : i32
    %dma_start3A_73 = arith.constant 0 : i32
    %dma_start3A_74 = tpu.memref_slice %arg13[%dma_start3A_72, %dma_start3A_73] : memref<10000x64xf32, #tpu.memory_space<vmem_shared>> -> memref<10000x64xf32, #tpu.memory_space<vmem_shared>>
    tpu.enqueue_indirect_dma source(%dma_start3A_74 : memref<10000x64xf32, #tpu.memory_space<vmem_shared>>) target(%arg9 : memref<112x64xf32, #tpu.memory_space<vmem>>) offsets(%dma_start3A_71 : memref<112xi32, #tpu.memory_space<vmem>>) semaphore(%arg15 : memref<!tpu.dma_semaphore, #tpu.memory_space<semaphore_mem>>)
    %dma_wait3A_75 = arith.constant 2 : i32
    %dma_wait3A_76 = arith.constant 0 : i32
    %dma_wait3A_77 = tpu.memref_slice %arg7[%dma_wait3A_75, %dma_wait3A_76] : memref<90x112xi32, #tpu.memory_space<vmem>> -> memref<1x112xi32, #tpu.memory_space<vmem>>
    %dma_wait3A_78 = tpu.memref_squeeze %dma_wait3A_77 : memref<1x112xi32, #tpu.memory_space<vmem>> -> memref<112xi32, #tpu.memory_space<vmem>>
    %dma_wait3A_79 = arith.constant 0 : i32
    %dma_wait3A_80 = arith.constant 0 : i32
    %dma_wait3A_81 = tpu.memref_slice %arg13[%dma_wait3A_79, %dma_wait3A_80] : memref<10000x64xf32, #tpu.memory_space<vmem_shared>> -> memref<10000x64xf32, #tpu.memory_space<vmem_shared>>
    tpu.wait_indirect_dma semaphore(%arg17 : memref<!tpu.dma_semaphore, #tpu.memory_space<semaphore_mem>>) src(%dma_wait3A_81 : memref<10000x64xf32, #tpu.memory_space<vmem_shared>>) dst(%arg11 : memref<112x64xf32, #tpu.memory_space<vmem>>)
    %dma_start3A_82 = arith.constant 2 : i32
    %dma_start3A_83 = arith.constant 0 : i32
    %dma_start3A_84 = tpu.memref_slice %arg8[%dma_start3A_82, %dma_start3A_83] : memref<90x112xi32, #tpu.memory_space<vmem>> -> memref<1x112xi32, #tpu.memory_space<vmem>>
    %dma_start3A_85 = tpu.memref_squeeze %dma_start3A_84 : memref<1x112xi32, #tpu.memory_space<vmem>> -> memref<112xi32, #tpu.memory_space<vmem>>
    %dma_start3A_86 = arith.constant 0 : i32
    %dma_start3A_87 = arith.constant 0 : i32
    %dma_start3A_88 = tpu.memref_slice %arg14[%dma_start3A_86, %dma_start3A_87] : memref<10016x64xf32, #tpu.memory_space<vmem_shared>> -> memref<10016x64xf32, #tpu.memory_space<vmem_shared>>
    tpu.enqueue_indirect_dma source(%arg11 : memref<112x64xf32, #tpu.memory_space<vmem>>) target(%dma_start3A_88 : memref<10016x64xf32, #tpu.memory_space<vmem_shared>>) offsets(%dma_start3A_85 : memref<112xi32, #tpu.memory_space<vmem>>) semaphore(%arg21 : memref<!tpu.dma_semaphore, #tpu.memory_space<semaphore_mem>>) {add = true}
    %dma_wait3A_89 = arith.constant 1 : i32
    %dma_wait3A_90 = arith.constant 0 : i32
    %dma_wait3A_91 = tpu.memref_slice %arg8[%dma_wait3A_89, %dma_wait3A_90] : memref<90x112xi32, #tpu.memory_space<vmem>> -> memref<1x112xi32, #tpu.memory_space<vmem>>
    %dma_wait3A_92 = tpu.memref_squeeze %dma_wait3A_91 : memref<1x112xi32, #tpu.memory_space<vmem>> -> memref<112xi32, #tpu.memory_space<vmem>>
    %dma_wait3A_93 = arith.constant 0 : i32
    %dma_wait3A_94 = arith.constant 0 : i32
    %dma_wait3A_95 = tpu.memref_slice %arg14[%dma_wait3A_93, %dma_wait3A_94] : memref<10016x64xf32, #tpu.memory_space<vmem_shared>> -> memref<10016x64xf32, #tpu.memory_space<vmem_shared>>
    tpu.wait_indirect_dma semaphore(%arg20 : memref<!tpu.dma_semaphore, #tpu.memory_space<semaphore_mem>>) src(%arg10 : memref<112x64xf32, #tpu.memory_space<vmem>>) dst(%dma_wait3A_95 : memref<10016x64xf32, #tpu.memory_space<vmem_shared>>)
    %dma_start3A_96 = arith.constant 5 : i32
    %dma_start3A_97 = arith.constant 0 : i32
    %dma_start3A_98 = tpu.memref_slice %arg7[%dma_start3A_96, %dma_start3A_97] : memref<90x112xi32, #tpu.memory_space<vmem>> -> memref<1x112xi32, #tpu.memory_space<vmem>>
    %dma_start3A_99 = tpu.memref_squeeze %dma_start3A_98 : memref<1x112xi32, #tpu.memory_space<vmem>> -> memref<112xi32, #tpu.memory_space<vmem>>
    %dma_start3A_100 = arith.constant 0 : i32
    %dma_start3A_101 = arith.constant 0 : i32
    %dma_start3A_102 = tpu.memref_slice %arg13[%dma_start3A_100, %dma_start3A_101] : memref<10000x64xf32, #tpu.memory_space<vmem_shared>> -> memref<10000x64xf32, #tpu.memory_space<vmem_shared>>
    tpu.enqueue_indirect_dma source(%dma_start3A_102 : memref<10000x64xf32, #tpu.memory_space<vmem_shared>>) target(%arg10 : memref<112x64xf32, #tpu.memory_space<vmem>>) offsets(%dma_start3A_99 : memref<112xi32, #tpu.memory_space<vmem>>) semaphore(%arg16 : memref<!tpu.dma_semaphore, #tpu.memory_space<semaphore_mem>>)
    %dma_wait3A_103 = arith.constant 3 : i32
    %dma_wait3A_104 = arith.constant 0 : i32
    %dma_wait3A_105 = tpu.memref_slice %arg7[%dma_wait3A_103, %dma_wait3A_104] : memref<90x112xi32, #tpu.memory_space<vmem>> -> memref<1x112xi32, #tpu.memory_space<vmem>>
    %dma_wait3A_106 = tpu.memref_squeeze %dma_wait3A_105 : memref<1x112xi32, #tpu.memory_space<vmem>> -> memref<112xi32, #tpu.memory_space<vmem>>
    %dma_wait3A_107 = arith.constant 0 : i32
    %dma_wait3A_108 = arith.constant 0 : i32
    %dma_wait3A_109 = tpu.memref_slice %arg13[%dma_wait3A_107, %dma_wait3A_108] : memref<10000x64xf32, #tpu.memory_space<vmem_shared>> -> memref<10000x64xf32, #tpu.memory_space<vmem_shared>>
    tpu.wait_indirect_dma semaphore(%arg18 : memref<!tpu.dma_semaphore, #tpu.memory_space<semaphore_mem>>) src(%dma_wait3A_109 : memref<10000x64xf32, #tpu.memory_space<vmem_shared>>) dst(%arg12 : memref<112x64xf32, #tpu.memory_space<vmem>>)
    %dma_start3A_110 = arith.constant 3 : i32
    %dma_start3A_111 = arith.constant 0 : i32
    %dma_start3A_112 = tpu.memref_slice %arg8[%dma_start3A_110, %dma_start3A_111] : memref<90x112xi32, #tpu.memory_space<vmem>> -> memref<1x112xi32, #tpu.memory_space<vmem>>
    %dma_start3A_113 = tpu.memref_squeeze %dma_start3A_112 : memref<1x112xi32, #tpu.memory_space<vmem>> -> memref<112xi32, #tpu.memory_space<vmem>>
    %dma_start3A_114 = arith.constant 0 : i32
    %dma_start3A_115 = arith.constant 0 : i32
    %dma_start3A_116 = tpu.memref_slice %arg14[%dma_start3A_114, %dma_start3A_115] : memref<10016x64xf32, #tpu.memory_space<vmem_shared>> -> memref<10016x64xf32, #tpu.memory_space<vmem_shared>>
    tpu.enqueue_indirect_dma source(%arg12 : memref<112x64xf32, #tpu.memory_space<vmem>>) target(%dma_start3A_116 : memref<10016x64xf32, #tpu.memory_space<vmem_shared>>) offsets(%dma_start3A_113 : memref<112xi32, #tpu.memory_space<vmem>>) semaphore(%arg22 : memref<!tpu.dma_semaphore, #tpu.memory_space<semaphore_mem>>) {add = true}
    %scan3A = arith.constant 0 : i32
    %scan3A_117 = arith.constant 1 : i32
    %scan3A_118 = arith.constant 21 : i32
    %scan3A_119 = arith.addi %scan3A_117, %scan3A_118 : i32
    %scan3A_120 = arith.constant 1 : i32
    scf.for %scan3A_183 = %scan3A_117 to %scan3A_119 step %scan3A_120  : i32 {
      %mul3A_184 = arith.constant 4 : i32
      %mul3A_185 = arith.muli %scan3A_183, %mul3A_184 : i32
      %add3A_186 = arith.constant 0 : i32
      %add3A_187 = arith.addi %mul3A_185, %add3A_186 : i32
      %sub3A = arith.constant 2 : i32
      %sub3A_188 = arith.subi %add3A_187, %sub3A : i32
      %dma_wait3A_189 = arith.constant 0 : i32
      %dma_wait3A_190 = tpu.memref_slice %arg8[%sub3A_188, %dma_wait3A_189] : memref<90x112xi32, #tpu.memory_space<vmem>> -> memref<1x112xi32, #tpu.memory_space<vmem>>
      %dma_wait3A_191 = tpu.memref_squeeze %dma_wait3A_190 : memref<1x112xi32, #tpu.memory_space<vmem>> -> memref<112xi32, #tpu.memory_space<vmem>>
      %dma_wait3A_192 = arith.constant 0 : i32
      %dma_wait3A_193 = arith.constant 0 : i32
      %dma_wait3A_194 = tpu.memref_slice %arg14[%dma_wait3A_192, %dma_wait3A_193] : memref<10016x64xf32, #tpu.memory_space<vmem_shared>> -> memref<10016x64xf32, #tpu.memory_space<vmem_shared>>
      tpu.wait_indirect_dma semaphore(%arg21 : memref<!tpu.dma_semaphore, #tpu.memory_space<semaphore_mem>>) src(%arg11 : memref<112x64xf32, #tpu.memory_space<vmem>>) dst(%dma_wait3A_194 : memref<10016x64xf32, #tpu.memory_space<vmem_shared>>)
      %add3A_195 = arith.constant 0 : i32
      %add3A_196 = arith.addi %mul3A_185, %add3A_195 : i32
      %add3A_197 = arith.constant 2 : i32
      %add3A_198 = arith.addi %add3A_196, %add3A_197 : i32
      %dma_start3A_199 = arith.constant 0 : i32
      %dma_start3A_200 = tpu.memref_slice %arg7[%add3A_198, %dma_start3A_199] : memref<90x112xi32, #tpu.memory_space<vmem>> -> memref<1x112xi32, #tpu.memory_space<vmem>>
      %dma_start3A_201 = tpu.memref_squeeze %dma_start3A_200 : memref<1x112xi32, #tpu.memory_space<vmem>> -> memref<112xi32, #tpu.memory_space<vmem>>
      %dma_start3A_202 = arith.constant 0 : i32
      %dma_start3A_203 = arith.constant 0 : i32
      %dma_start3A_204 = tpu.memref_slice %arg13[%dma_start3A_202, %dma_start3A_203] : memref<10000x64xf32, #tpu.memory_space<vmem_shared>> -> memref<10000x64xf32, #tpu.memory_space<vmem_shared>>
      tpu.enqueue_indirect_dma source(%dma_start3A_204 : memref<10000x64xf32, #tpu.memory_space<vmem_shared>>) target(%arg11 : memref<112x64xf32, #tpu.memory_space<vmem>>) offsets(%dma_start3A_201 : memref<112xi32, #tpu.memory_space<vmem>>) semaphore(%arg17 : memref<!tpu.dma_semaphore, #tpu.memory_space<semaphore_mem>>)
      %add3A_205 = arith.constant 0 : i32
      %add3A_206 = arith.addi %mul3A_185, %add3A_205 : i32
      %dma_wait3A_207 = arith.constant 0 : i32
      %dma_wait3A_208 = tpu.memref_slice %arg7[%add3A_206, %dma_wait3A_207] : memref<90x112xi32, #tpu.memory_space<vmem>> -> memref<1x112xi32, #tpu.memory_space<vmem>>
      %dma_wait3A_209 = tpu.memref_squeeze %dma_wait3A_208 : memref<1x112xi32, #tpu.memory_space<vmem>> -> memref<112xi32, #tpu.memory_space<vmem>>
      %dma_wait3A_210 = arith.constant 0 : i32
      %dma_wait3A_211 = arith.constant 0 : i32
      %dma_wait3A_212 = tpu.memref_slice %arg13[%dma_wait3A_210, %dma_wait3A_211] : memref<10000x64xf32, #tpu.memory_space<vmem_shared>> -> memref<10000x64xf32, #tpu.memory_space<vmem_shared>>
      tpu.wait_indirect_dma semaphore(%arg15 : memref<!tpu.dma_semaphore, #tpu.memory_space<semaphore_mem>>) src(%dma_wait3A_212 : memref<10000x64xf32, #tpu.memory_space<vmem_shared>>) dst(%arg9 : memref<112x64xf32, #tpu.memory_space<vmem>>)
      %add3A_213 = arith.constant 0 : i32
      %add3A_214 = arith.addi %mul3A_185, %add3A_213 : i32
      %dma_start3A_215 = arith.constant 0 : i32
      %dma_start3A_216 = tpu.memref_slice %arg8[%add3A_214, %dma_start3A_215] : memref<90x112xi32, #tpu.memory_space<vmem>> -> memref<1x112xi32, #tpu.memory_space<vmem>>
      %dma_start3A_217 = tpu.memref_squeeze %dma_start3A_216 : memref<1x112xi32, #tpu.memory_space<vmem>> -> memref<112xi32, #tpu.memory_space<vmem>>
      %dma_start3A_218 = arith.constant 0 : i32
      %dma_start3A_219 = arith.constant 0 : i32
      %dma_start3A_220 = tpu.memref_slice %arg14[%dma_start3A_218, %dma_start3A_219] : memref<10016x64xf32, #tpu.memory_space<vmem_shared>> -> memref<10016x64xf32, #tpu.memory_space<vmem_shared>>
      tpu.enqueue_indirect_dma source(%arg9 : memref<112x64xf32, #tpu.memory_space<vmem>>) target(%dma_start3A_220 : memref<10016x64xf32, #tpu.memory_space<vmem_shared>>) offsets(%dma_start3A_217 : memref<112xi32, #tpu.memory_space<vmem>>) semaphore(%arg19 : memref<!tpu.dma_semaphore, #tpu.memory_space<semaphore_mem>>) {add = true}
      %add3A_221 = arith.constant 1 : i32
      %add3A_222 = arith.addi %mul3A_185, %add3A_221 : i32
      %sub3A_223 = arith.constant 2 : i32
      %sub3A_224 = arith.subi %add3A_222, %sub3A_223 : i32
      %dma_wait3A_225 = arith.constant 0 : i32
      %dma_wait3A_226 = tpu.memref_slice %arg8[%sub3A_224, %dma_wait3A_225] : memref<90x112xi32, #tpu.memory_space<vmem>> -> memref<1x112xi32, #tpu.memory_space<vmem>>
      %dma_wait3A_227 = tpu.memref_squeeze %dma_wait3A_226 : memref<1x112xi32, #tpu.memory_space<vmem>> -> memref<112xi32, #tpu.memory_space<vmem>>
      %dma_wait3A_228 = arith.constant 0 : i32
      %dma_wait3A_229 = arith.constant 0 : i32
      %dma_wait3A_230 = tpu.memref_slice %arg14[%dma_wait3A_228, %dma_wait3A_229] : memref<10016x64xf32, #tpu.memory_space<vmem_shared>> -> memref<10016x64xf32, #tpu.memory_space<vmem_shared>>
      tpu.wait_indirect_dma semaphore(%arg22 : memref<!tpu.dma_semaphore, #tpu.memory_space<semaphore_mem>>) src(%arg12 : memref<112x64xf32, #tpu.memory_space<vmem>>) dst(%dma_wait3A_230 : memref<10016x64xf32, #tpu.memory_space<vmem_shared>>)
      %add3A_231 = arith.constant 1 : i32
      %add3A_232 = arith.addi %mul3A_185, %add3A_231 : i32
      %add3A_233 = arith.constant 2 : i32
      %add3A_234 = arith.addi %add3A_232, %add3A_233 : i32
      %dma_start3A_235 = arith.constant 0 : i32
      %dma_start3A_236 = tpu.memref_slice %arg7[%add3A_234, %dma_start3A_235] : memref<90x112xi32, #tpu.memory_space<vmem>> -> memref<1x112xi32, #tpu.memory_space<vmem>>
      %dma_start3A_237 = tpu.memref_squeeze %dma_start3A_236 : memref<1x112xi32, #tpu.memory_space<vmem>> -> memref<112xi32, #tpu.memory_space<vmem>>
      %dma_start3A_238 = arith.constant 0 : i32
      %dma_start3A_239 = arith.constant 0 : i32
      %dma_start3A_240 = tpu.memref_slice %arg13[%dma_start3A_238, %dma_start3A_239] : memref<10000x64xf32, #tpu.memory_space<vmem_shared>> -> memref<10000x64xf32, #tpu.memory_space<vmem_shared>>
      tpu.enqueue_indirect_dma source(%dma_start3A_240 : memref<10000x64xf32, #tpu.memory_space<vmem_shared>>) target(%arg12 : memref<112x64xf32, #tpu.memory_space<vmem>>) offsets(%dma_start3A_237 : memref<112xi32, #tpu.memory_space<vmem>>) semaphore(%arg18 : memref<!tpu.dma_semaphore, #tpu.memory_space<semaphore_mem>>)
      %add3A_241 = arith.constant 1 : i32
      %add3A_242 = arith.addi %mul3A_185, %add3A_241 : i32
      %dma_wait3A_243 = arith.constant 0 : i32
      %dma_wait3A_244 = tpu.memref_slice %arg7[%add3A_242, %dma_wait3A_243] : memref<90x112xi32, #tpu.memory_space<vmem>> -> memref<1x112xi32, #tpu.memory_space<vmem>>
      %dma_wait3A_245 = tpu.memref_squeeze %dma_wait3A_244 : memref<1x112xi32, #tpu.memory_space<vmem>> -> memref<112xi32, #tpu.memory_space<vmem>>
      %dma_wait3A_246 = arith.constant 0 : i32
      %dma_wait3A_247 = arith.constant 0 : i32
      %dma_wait3A_248 = tpu.memref_slice %arg13[%dma_wait3A_246, %dma_wait3A_247] : memref<10000x64xf32, #tpu.memory_space<vmem_shared>> -> memref<10000x64xf32, #tpu.memory_space<vmem_shared>>
      tpu.wait_indirect_dma semaphore(%arg16 : memref<!tpu.dma_semaphore, #tpu.memory_space<semaphore_mem>>) src(%dma_wait3A_248 : memref<10000x64xf32, #tpu.memory_space<vmem_shared>>) dst(%arg10 : memref<112x64xf32, #tpu.memory_space<vmem>>)
      %add3A_249 = arith.constant 1 : i32
      %add3A_250 = arith.addi %mul3A_185, %add3A_249 : i32
      %dma_start3A_251 = arith.constant 0 : i32
      %dma_start3A_252 = tpu.memref_slice %arg8[%add3A_250, %dma_start3A_251] : memref<90x112xi32, #tpu.memory_space<vmem>> -> memref<1x112xi32, #tpu.memory_space<vmem>>
      %dma_start3A_253 = tpu.memref_squeeze %dma_start3A_252 : memref<1x112xi32, #tpu.memory_space<vmem>> -> memref<112xi32, #tpu.memory_space<vmem>>
      %dma_start3A_254 = arith.constant 0 : i32
      %dma_start3A_255 = arith.constant 0 : i32
      %dma_start3A_256 = tpu.memref_slice %arg14[%dma_start3A_254, %dma_start3A_255] : memref<10016x64xf32, #tpu.memory_space<vmem_shared>> -> memref<10016x64xf32, #tpu.memory_space<vmem_shared>>
      tpu.enqueue_indirect_dma source(%arg10 : memref<112x64xf32, #tpu.memory_space<vmem>>) target(%dma_start3A_256 : memref<10016x64xf32, #tpu.memory_space<vmem_shared>>) offsets(%dma_start3A_253 : memref<112xi32, #tpu.memory_space<vmem>>) semaphore(%arg20 : memref<!tpu.dma_semaphore, #tpu.memory_space<semaphore_mem>>) {add = true}
      %add3A_257 = arith.constant 2 : i32
      %add3A_258 = arith.addi %mul3A_185, %add3A_257 : i32
      %sub3A_259 = arith.constant 2 : i32
      %sub3A_260 = arith.subi %add3A_258, %sub3A_259 : i32
      %dma_wait3A_261 = arith.constant 0 : i32
      %dma_wait3A_262 = tpu.memref_slice %arg8[%sub3A_260, %dma_wait3A_261] : memref<90x112xi32, #tpu.memory_space<vmem>> -> memref<1x112xi32, #tpu.memory_space<vmem>>
      %dma_wait3A_263 = tpu.memref_squeeze %dma_wait3A_262 : memref<1x112xi32, #tpu.memory_space<vmem>> -> memref<112xi32, #tpu.memory_space<vmem>>
      %dma_wait3A_264 = arith.constant 0 : i32
      %dma_wait3A_265 = arith.constant 0 : i32
      %dma_wait3A_266 = tpu.memref_slice %arg14[%dma_wait3A_264, %dma_wait3A_265] : memref<10016x64xf32, #tpu.memory_space<vmem_shared>> -> memref<10016x64xf32, #tpu.memory_space<vmem_shared>>
      tpu.wait_indirect_dma semaphore(%arg19 : memref<!tpu.dma_semaphore, #tpu.memory_space<semaphore_mem>>) src(%arg9 : memref<112x64xf32, #tpu.memory_space<vmem>>) dst(%dma_wait3A_266 : memref<10016x64xf32, #tpu.memory_space<vmem_shared>>)
      %add3A_267 = arith.constant 2 : i32
      %add3A_268 = arith.addi %mul3A_185, %add3A_267 : i32
      %add3A_269 = arith.constant 2 : i32
      %add3A_270 = arith.addi %add3A_268, %add3A_269 : i32
      %dma_start3A_271 = arith.constant 0 : i32
      %dma_start3A_272 = tpu.memref_slice %arg7[%add3A_270, %dma_start3A_271] : memref<90x112xi32, #tpu.memory_space<vmem>> -> memref<1x112xi32, #tpu.memory_space<vmem>>
      %dma_start3A_273 = tpu.memref_squeeze %dma_start3A_272 : memref<1x112xi32, #tpu.memory_space<vmem>> -> memref<112xi32, #tpu.memory_space<vmem>>
      %dma_start3A_274 = arith.constant 0 : i32
      %dma_start3A_275 = arith.constant 0 : i32
      %dma_start3A_276 = tpu.memref_slice %arg13[%dma_start3A_274, %dma_start3A_275] : memref<10000x64xf32, #tpu.memory_space<vmem_shared>> -> memref<10000x64xf32, #tpu.memory_space<vmem_shared>>
      tpu.enqueue_indirect_dma source(%dma_start3A_276 : memref<10000x64xf32, #tpu.memory_space<vmem_shared>>) target(%arg9 : memref<112x64xf32, #tpu.memory_space<vmem>>) offsets(%dma_start3A_273 : memref<112xi32, #tpu.memory_space<vmem>>) semaphore(%arg15 : memref<!tpu.dma_semaphore, #tpu.memory_space<semaphore_mem>>)
      %add3A_277 = arith.constant 2 : i32
      %add3A_278 = arith.addi %mul3A_185, %add3A_277 : i32
      %dma_wait3A_279 = arith.constant 0 : i32
      %dma_wait3A_280 = tpu.memref_slice %arg7[%add3A_278, %dma_wait3A_279] : memref<90x112xi32, #tpu.memory_space<vmem>> -> memref<1x112xi32, #tpu.memory_space<vmem>>
      %dma_wait3A_281 = tpu.memref_squeeze %dma_wait3A_280 : memref<1x112xi32, #tpu.memory_space<vmem>> -> memref<112xi32, #tpu.memory_space<vmem>>
      %dma_wait3A_282 = arith.constant 0 : i32
      %dma_wait3A_283 = arith.constant 0 : i32
      %dma_wait3A_284 = tpu.memref_slice %arg13[%dma_wait3A_282, %dma_wait3A_283] : memref<10000x64xf32, #tpu.memory_space<vmem_shared>> -> memref<10000x64xf32, #tpu.memory_space<vmem_shared>>
      tpu.wait_indirect_dma semaphore(%arg17 : memref<!tpu.dma_semaphore, #tpu.memory_space<semaphore_mem>>) src(%dma_wait3A_284 : memref<10000x64xf32, #tpu.memory_space<vmem_shared>>) dst(%arg11 : memref<112x64xf32, #tpu.memory_space<vmem>>)
      %add3A_285 = arith.constant 2 : i32
      %add3A_286 = arith.addi %mul3A_185, %add3A_285 : i32
      %dma_start3A_287 = arith.constant 0 : i32
      %dma_start3A_288 = tpu.memref_slice %arg8[%add3A_286, %dma_start3A_287] : memref<90x112xi32, #tpu.memory_space<vmem>> -> memref<1x112xi32, #tpu.memory_space<vmem>>
      %dma_start3A_289 = tpu.memref_squeeze %dma_start3A_288 : memref<1x112xi32, #tpu.memory_space<vmem>> -> memref<112xi32, #tpu.memory_space<vmem>>
      %dma_start3A_290 = arith.constant 0 : i32
      %dma_start3A_291 = arith.constant 0 : i32
      %dma_start3A_292 = tpu.memref_slice %arg14[%dma_start3A_290, %dma_start3A_291] : memref<10016x64xf32, #tpu.memory_space<vmem_shared>> -> memref<10016x64xf32, #tpu.memory_space<vmem_shared>>
      tpu.enqueue_indirect_dma source(%arg11 : memref<112x64xf32, #tpu.memory_space<vmem>>) target(%dma_start3A_292 : memref<10016x64xf32, #tpu.memory_space<vmem_shared>>) offsets(%dma_start3A_289 : memref<112xi32, #tpu.memory_space<vmem>>) semaphore(%arg21 : memref<!tpu.dma_semaphore, #tpu.memory_space<semaphore_mem>>) {add = true}
      %add3A_293 = arith.constant 3 : i32
      %add3A_294 = arith.addi %mul3A_185, %add3A_293 : i32
      %sub3A_295 = arith.constant 2 : i32
      %sub3A_296 = arith.subi %add3A_294, %sub3A_295 : i32
      %dma_wait3A_297 = arith.constant 0 : i32
      %dma_wait3A_298 = tpu.memref_slice %arg8[%sub3A_296, %dma_wait3A_297] : memref<90x112xi32, #tpu.memory_space<vmem>> -> memref<1x112xi32, #tpu.memory_space<vmem>>
      %dma_wait3A_299 = tpu.memref_squeeze %dma_wait3A_298 : memref<1x112xi32, #tpu.memory_space<vmem>> -> memref<112xi32, #tpu.memory_space<vmem>>
      %dma_wait3A_300 = arith.constant 0 : i32
      %dma_wait3A_301 = arith.constant 0 : i32
      %dma_wait3A_302 = tpu.memref_slice %arg14[%dma_wait3A_300, %dma_wait3A_301] : memref<10016x64xf32, #tpu.memory_space<vmem_shared>> -> memref<10016x64xf32, #tpu.memory_space<vmem_shared>>
      tpu.wait_indirect_dma semaphore(%arg20 : memref<!tpu.dma_semaphore, #tpu.memory_space<semaphore_mem>>) src(%arg10 : memref<112x64xf32, #tpu.memory_space<vmem>>) dst(%dma_wait3A_302 : memref<10016x64xf32, #tpu.memory_space<vmem_shared>>)
      %add3A_303 = arith.constant 3 : i32
      %add3A_304 = arith.addi %mul3A_185, %add3A_303 : i32
      %add3A_305 = arith.constant 2 : i32
      %add3A_306 = arith.addi %add3A_304, %add3A_305 : i32
      %dma_start3A_307 = arith.constant 0 : i32
      %dma_start3A_308 = tpu.memref_slice %arg7[%add3A_306, %dma_start3A_307] : memref<90x112xi32, #tpu.memory_space<vmem>> -> memref<1x112xi32, #tpu.memory_space<vmem>>
      %dma_start3A_309 = tpu.memref_squeeze %dma_start3A_308 : memref<1x112xi32, #tpu.memory_space<vmem>> -> memref<112xi32, #tpu.memory_space<vmem>>
      %dma_start3A_310 = arith.constant 0 : i32
      %dma_start3A_311 = arith.constant 0 : i32
      %dma_start3A_312 = tpu.memref_slice %arg13[%dma_start3A_310, %dma_start3A_311] : memref<10000x64xf32, #tpu.memory_space<vmem_shared>> -> memref<10000x64xf32, #tpu.memory_space<vmem_shared>>
      tpu.enqueue_indirect_dma source(%dma_start3A_312 : memref<10000x64xf32, #tpu.memory_space<vmem_shared>>) target(%arg10 : memref<112x64xf32, #tpu.memory_space<vmem>>) offsets(%dma_start3A_309 : memref<112xi32, #tpu.memory_space<vmem>>) semaphore(%arg16 : memref<!tpu.dma_semaphore, #tpu.memory_space<semaphore_mem>>)
      %add3A_313 = arith.constant 3 : i32
      %add3A_314 = arith.addi %mul3A_185, %add3A_313 : i32
      %dma_wait3A_315 = arith.constant 0 : i32
      %dma_wait3A_316 = tpu.memref_slice %arg7[%add3A_314, %dma_wait3A_315] : memref<90x112xi32, #tpu.memory_space<vmem>> -> memref<1x112xi32, #tpu.memory_space<vmem>>
      %dma_wait3A_317 = tpu.memref_squeeze %dma_wait3A_316 : memref<1x112xi32, #tpu.memory_space<vmem>> -> memref<112xi32, #tpu.memory_space<vmem>>
      %dma_wait3A_318 = arith.constant 0 : i32
      %dma_wait3A_319 = arith.constant 0 : i32
      %dma_wait3A_320 = tpu.memref_slice %arg13[%dma_wait3A_318, %dma_wait3A_319] : memref<10000x64xf32, #tpu.memory_space<vmem_shared>> -> memref<10000x64xf32, #tpu.memory_space<vmem_shared>>
      tpu.wait_indirect_dma semaphore(%arg18 : memref<!tpu.dma_semaphore, #tpu.memory_space<semaphore_mem>>) src(%dma_wait3A_320 : memref<10000x64xf32, #tpu.memory_space<vmem_shared>>) dst(%arg12 : memref<112x64xf32, #tpu.memory_space<vmem>>)
      %add3A_321 = arith.constant 3 : i32
      %add3A_322 = arith.addi %mul3A_185, %add3A_321 : i32
      %dma_start3A_323 = arith.constant 0 : i32
      %dma_start3A_324 = tpu.memref_slice %arg8[%add3A_322, %dma_start3A_323] : memref<90x112xi32, #tpu.memory_space<vmem>> -> memref<1x112xi32, #tpu.memory_space<vmem>>
      %dma_start3A_325 = tpu.memref_squeeze %dma_start3A_324 : memref<1x112xi32, #tpu.memory_space<vmem>> -> memref<112xi32, #tpu.memory_space<vmem>>
      %dma_start3A_326 = arith.constant 0 : i32
      %dma_start3A_327 = arith.constant 0 : i32
      %dma_start3A_328 = tpu.memref_slice %arg14[%dma_start3A_326, %dma_start3A_327] : memref<10016x64xf32, #tpu.memory_space<vmem_shared>> -> memref<10016x64xf32, #tpu.memory_space<vmem_shared>>
      tpu.enqueue_indirect_dma source(%arg12 : memref<112x64xf32, #tpu.memory_space<vmem>>) target(%dma_start3A_328 : memref<10016x64xf32, #tpu.memory_space<vmem_shared>>) offsets(%dma_start3A_325 : memref<112xi32, #tpu.memory_space<vmem>>) semaphore(%arg22 : memref<!tpu.dma_semaphore, #tpu.memory_space<semaphore_mem>>) {add = true}
    }
    %scan3A_121 = arith.constant 21 : i32
    %dma_wait3A_122 = arith.constant 86 : i32
    %dma_wait3A_123 = arith.constant 0 : i32
    %dma_wait3A_124 = tpu.memref_slice %arg8[%dma_wait3A_122, %dma_wait3A_123] : memref<90x112xi32, #tpu.memory_space<vmem>> -> memref<1x112xi32, #tpu.memory_space<vmem>>
    %dma_wait3A_125 = tpu.memref_squeeze %dma_wait3A_124 : memref<1x112xi32, #tpu.memory_space<vmem>> -> memref<112xi32, #tpu.memory_space<vmem>>
    %dma_wait3A_126 = arith.constant 0 : i32
    %dma_wait3A_127 = arith.constant 0 : i32
    %dma_wait3A_128 = tpu.memref_slice %arg14[%dma_wait3A_126, %dma_wait3A_127] : memref<10016x64xf32, #tpu.memory_space<vmem_shared>> -> memref<10016x64xf32, #tpu.memory_space<vmem_shared>>
    tpu.wait_indirect_dma semaphore(%arg21 : memref<!tpu.dma_semaphore, #tpu.memory_space<semaphore_mem>>) src(%arg11 : memref<112x64xf32, #tpu.memory_space<vmem>>) dst(%dma_wait3A_128 : memref<10016x64xf32, #tpu.memory_space<vmem_shared>>)
    %dma_wait3A_129 = arith.constant 88 : i32
    %dma_wait3A_130 = arith.constant 0 : i32
    %dma_wait3A_131 = tpu.memref_slice %arg7[%dma_wait3A_129, %dma_wait3A_130] : memref<90x112xi32, #tpu.memory_space<vmem>> -> memref<1x112xi32, #tpu.memory_space<vmem>>
    %dma_wait3A_132 = tpu.memref_squeeze %dma_wait3A_131 : memref<1x112xi32, #tpu.memory_space<vmem>> -> memref<112xi32, #tpu.memory_space<vmem>>
    %dma_wait3A_133 = arith.constant 0 : i32
    %dma_wait3A_134 = arith.constant 0 : i32
    %dma_wait3A_135 = tpu.memref_slice %arg13[%dma_wait3A_133, %dma_wait3A_134] : memref<10000x64xf32, #tpu.memory_space<vmem_shared>> -> memref<10000x64xf32, #tpu.memory_space<vmem_shared>>
    tpu.wait_indirect_dma semaphore(%arg15 : memref<!tpu.dma_semaphore, #tpu.memory_space<semaphore_mem>>) src(%dma_wait3A_135 : memref<10000x64xf32, #tpu.memory_space<vmem_shared>>) dst(%arg9 : memref<112x64xf32, #tpu.memory_space<vmem>>)
    %dma_start3A_136 = arith.constant 88 : i32
    %dma_start3A_137 = arith.constant 0 : i32
    %dma_start3A_138 = tpu.memref_slice %arg8[%dma_start3A_136, %dma_start3A_137] : memref<90x112xi32, #tpu.memory_space<vmem>> -> memref<1x112xi32, #tpu.memory_space<vmem>>
    %dma_start3A_139 = tpu.memref_squeeze %dma_start3A_138 : memref<1x112xi32, #tpu.memory_space<vmem>> -> memref<112xi32, #tpu.memory_space<vmem>>
    %dma_start3A_140 = arith.constant 0 : i32
    %dma_start3A_141 = arith.constant 0 : i32
    %dma_start3A_142 = tpu.memref_slice %arg14[%dma_start3A_140, %dma_start3A_141] : memref<10016x64xf32, #tpu.memory_space<vmem_shared>> -> memref<10016x64xf32, #tpu.memory_space<vmem_shared>>
    tpu.enqueue_indirect_dma source(%arg9 : memref<112x64xf32, #tpu.memory_space<vmem>>) target(%dma_start3A_142 : memref<10016x64xf32, #tpu.memory_space<vmem_shared>>) offsets(%dma_start3A_139 : memref<112xi32, #tpu.memory_space<vmem>>) semaphore(%arg19 : memref<!tpu.dma_semaphore, #tpu.memory_space<semaphore_mem>>) {add = true}
    %dma_wait3A_143 = arith.constant 87 : i32
    %dma_wait3A_144 = arith.constant 0 : i32
    %dma_wait3A_145 = tpu.memref_slice %arg8[%dma_wait3A_143, %dma_wait3A_144] : memref<90x112xi32, #tpu.memory_space<vmem>> -> memref<1x112xi32, #tpu.memory_space<vmem>>
    %dma_wait3A_146 = tpu.memref_squeeze %dma_wait3A_145 : memref<1x112xi32, #tpu.memory_space<vmem>> -> memref<112xi32, #tpu.memory_space<vmem>>
    %dma_wait3A_147 = arith.constant 0 : i32
    %dma_wait3A_148 = arith.constant 0 : i32
    %dma_wait3A_149 = tpu.memref_slice %arg14[%dma_wait3A_147, %dma_wait3A_148] : memref<10016x64xf32, #tpu.memory_space<vmem_shared>> -> memref<10016x64xf32, #tpu.memory_space<vmem_shared>>
    tpu.wait_indirect_dma semaphore(%arg22 : memref<!tpu.dma_semaphore, #tpu.memory_space<semaphore_mem>>) src(%arg12 : memref<112x64xf32, #tpu.memory_space<vmem>>) dst(%dma_wait3A_149 : memref<10016x64xf32, #tpu.memory_space<vmem_shared>>)
    %dma_wait3A_150 = arith.constant 89 : i32
    %dma_wait3A_151 = arith.constant 0 : i32
    %dma_wait3A_152 = tpu.memref_slice %arg7[%dma_wait3A_150, %dma_wait3A_151] : memref<90x112xi32, #tpu.memory_space<vmem>> -> memref<1x112xi32, #tpu.memory_space<vmem>>
    %dma_wait3A_153 = tpu.memref_squeeze %dma_wait3A_152 : memref<1x112xi32, #tpu.memory_space<vmem>> -> memref<112xi32, #tpu.memory_space<vmem>>
    %dma_wait3A_154 = arith.constant 0 : i32
    %dma_wait3A_155 = arith.constant 0 : i32
    %dma_wait3A_156 = tpu.memref_slice %arg13[%dma_wait3A_154, %dma_wait3A_155] : memref<10000x64xf32, #tpu.memory_space<vmem_shared>> -> memref<10000x64xf32, #tpu.memory_space<vmem_shared>>
    tpu.wait_indirect_dma semaphore(%arg16 : memref<!tpu.dma_semaphore, #tpu.memory_space<semaphore_mem>>) src(%dma_wait3A_156 : memref<10000x64xf32, #tpu.memory_space<vmem_shared>>) dst(%arg10 : memref<112x64xf32, #tpu.memory_space<vmem>>)
    %dma_start3A_157 = arith.constant 89 : i32
    %dma_start3A_158 = arith.constant 0 : i32
    %dma_start3A_159 = tpu.memref_slice %arg8[%dma_start3A_157, %dma_start3A_158] : memref<90x112xi32, #tpu.memory_space<vmem>> -> memref<1x112xi32, #tpu.memory_space<vmem>>
    %dma_start3A_160 = tpu.memref_squeeze %dma_start3A_159 : memref<1x112xi32, #tpu.memory_space<vmem>> -> memref<112xi32, #tpu.memory_space<vmem>>
    %dma_start3A_161 = arith.constant 0 : i32
    %dma_start3A_162 = arith.constant 0 : i32
    %dma_start3A_163 = tpu.memref_slice %arg14[%dma_start3A_161, %dma_start3A_162] : memref<10016x64xf32, #tpu.memory_space<vmem_shared>> -> memref<10016x64xf32, #tpu.memory_space<vmem_shared>>
    tpu.enqueue_indirect_dma source(%arg10 : memref<112x64xf32, #tpu.memory_space<vmem>>) target(%dma_start3A_163 : memref<10016x64xf32, #tpu.memory_space<vmem_shared>>) offsets(%dma_start3A_160 : memref<112xi32, #tpu.memory_space<vmem>>) semaphore(%arg20 : memref<!tpu.dma_semaphore, #tpu.memory_space<semaphore_mem>>) {add = true}
    %dma_wait3A_164 = arith.constant 88 : i32
    %dma_wait3A_165 = arith.constant 0 : i32
    %dma_wait3A_166 = tpu.memref_slice %arg8[%dma_wait3A_164, %dma_wait3A_165] : memref<90x112xi32, #tpu.memory_space<vmem>> -> memref<1x112xi32, #tpu.memory_space<vmem>>
    %dma_wait3A_167 = tpu.memref_squeeze %dma_wait3A_166 : memref<1x112xi32, #tpu.memory_space<vmem>> -> memref<112xi32, #tpu.memory_space<vmem>>
    %dma_wait3A_168 = arith.constant 0 : i32
    %dma_wait3A_169 = arith.constant 0 : i32
    %dma_wait3A_170 = tpu.memref_slice %arg14[%dma_wait3A_168, %dma_wait3A_169] : memref<10016x64xf32, #tpu.memory_space<vmem_shared>> -> memref<10016x64xf32, #tpu.memory_space<vmem_shared>>
    tpu.wait_indirect_dma semaphore(%arg19 : memref<!tpu.dma_semaphore, #tpu.memory_space<semaphore_mem>>) src(%arg9 : memref<112x64xf32, #tpu.memory_space<vmem>>) dst(%dma_wait3A_170 : memref<10016x64xf32, #tpu.memory_space<vmem_shared>>)
    %dma_wait3A_171 = arith.constant 89 : i32
    %dma_wait3A_172 = arith.constant 0 : i32
    %dma_wait3A_173 = tpu.memref_slice %arg8[%dma_wait3A_171, %dma_wait3A_172] : memref<90x112xi32, #tpu.memory_space<vmem>> -> memref<1x112xi32, #tpu.memory_space<vmem>>
    %dma_wait3A_174 = tpu.memref_squeeze %dma_wait3A_173 : memref<1x112xi32, #tpu.memory_space<vmem>> -> memref<112xi32, #tpu.memory_space<vmem>>
    %dma_wait3A_175 = arith.constant 0 : i32
    %dma_wait3A_176 = arith.constant 0 : i32
    %dma_wait3A_177 = tpu.memref_slice %arg14[%dma_wait3A_175, %dma_wait3A_176] : memref<10016x64xf32, #tpu.memory_space<vmem_shared>> -> memref<10016x64xf32, #tpu.memory_space<vmem_shared>>
    tpu.wait_indirect_dma semaphore(%arg20 : memref<!tpu.dma_semaphore, #tpu.memory_space<semaphore_mem>>) src(%arg10 : memref<112x64xf32, #tpu.memory_space<vmem>>) dst(%dma_wait3A_177 : memref<10016x64xf32, #tpu.memory_space<vmem_shared>>)
    %barrier3A_178 = arith.constant 0 : index
    tpu.barrier barrier_id(%barrier3A_178)
    %mul3A_179 = arith.constant 626 : i32
    %mul3A_180 = arith.muli %arg1, %mul3A_179 : i32
    %mul3A_181 = arith.constant 626 : i32
    %mul3A_182 = arith.muli %arg1, %mul3A_181 : i32
    "tpu.region"() ({
      %run_scoped3A = tpu.sem_alloc : memref<!tpu.dma_semaphore, #tpu.memory_space<semaphore_mem>>
      %dma_start3A_183 = arith.constant 0 : i32
      %dma_start3A_184 = tpu.memref_slice %arg6[%arg0, %mul3A_182, %dma_start3A_183] : memref<2x10016x64xf32, #tpu.memory_space<hbm>> -> memref<1x626x64xf32, #tpu.memory_space<hbm>>
      %dma_start3A_185 = tpu.memref_squeeze %dma_start3A_184 : memref<1x626x64xf32, #tpu.memory_space<hbm>> -> memref<626x64xf32, #tpu.memory_space<hbm>>
      %dma_start3A_186 = arith.constant 0 : i32
      %dma_start3A_187 = tpu.memref_slice %arg14[%mul3A_180, %dma_start3A_186] : memref<10016x64xf32, #tpu.memory_space<vmem_shared>> -> memref<626x64xf32, #tpu.memory_space<vmem_shared>>
      tpu.enqueue_dma source(%dma_start3A_187 : memref<626x64xf32, #tpu.memory_space<vmem_shared>>) target(%dma_start3A_185 : memref<626x64xf32, #tpu.memory_space<hbm>>) target_semaphore(%run_scoped3A : memref<!tpu.dma_semaphore, #tpu.memory_space<semaphore_mem>>)
      %dma_wait3A_188 = arith.constant 0 : i32
      %dma_wait3A_189 = tpu.memref_slice %arg6[%arg0, %mul3A_182, %dma_wait3A_188] : memref<2x10016x64xf32, #tpu.memory_space<hbm>> -> memref<1x626x64xf32, #tpu.memory_space<hbm>>
      %dma_wait3A_190 = tpu.memref_squeeze %dma_wait3A_189 : memref<1x626x64xf32, #tpu.memory_space<hbm>> -> memref<626x64xf32, #tpu.memory_space<hbm>>
      %dma_wait3A_191 = arith.constant 0 : i32
      %dma_wait3A_192 = tpu.memref_slice %arg14[%mul3A_180, %dma_wait3A_191] : memref<10016x64xf32, #tpu.memory_space<vmem_shared>> -> memref<626x64xf32, #tpu.memory_space<vmem_shared>>
      tpu.wait_dma2 semaphore(%run_scoped3A : memref<!tpu.dma_semaphore, #tpu.memory_space<semaphore_mem>>) src(%dma_wait3A_192 : memref<626x64xf32, #tpu.memory_space<vmem_shared>>) dst(%dma_wait3A_190 : memref<626x64xf32, #tpu.memory_space<hbm>>)
      tpu.yield
    }) : () -> ()
    return
  }
}

#map = affine_map<(d0, d1) -> (0, 0)>
#map1 = affine_map<(d0, d1) -> (0, 0, 0)>
module attributes {stable_mosaic.version = 14 : i64} {
  func.func @k(%arg0: i32, %arg1: i32, %arg2: memref<10000x96xf32, #tpu.memory_space<hbm>>, %arg3: memref<32x80x128xi32, #tpu.memory_space<hbm>>, %arg4: memref<32x80x128xi32, #tpu.memory_space<hbm>>, %arg5: memref<626x96xf32, #tpu.memory_space<hbm>>, %arg6: memref<2x10016x96xf32, #tpu.memory_space<hbm>>, %arg7: memref<80x128xi32, #tpu.memory_space<vmem>>, %arg8: memref<80x128xi32, #tpu.memory_space<vmem>>, %arg9: memref<128x96xf32, #tpu.memory_space<vmem>>, %arg10: memref<128x96xf32, #tpu.memory_space<vmem>>, %arg11: memref<128x96xf32, #tpu.memory_space<vmem>>, %arg12: memref<128x96xf32, #tpu.memory_space<vmem>>, %arg13: memref<10016x96xf32, #tpu.memory_space<vmem_shared>>, %arg14: memref<!tpu.dma_semaphore, #tpu.memory_space<semaphore_mem>>, %arg15: memref<!tpu.dma_semaphore, #tpu.memory_space<semaphore_mem>>, %arg16: memref<!tpu.dma_semaphore, #tpu.memory_space<semaphore_mem>>, %arg17: memref<!tpu.dma_semaphore, #tpu.memory_space<semaphore_mem>>, %arg18: memref<!tpu.dma_semaphore, #tpu.memory_space<semaphore_mem>>, %arg19: memref<!tpu.dma_semaphore, #tpu.memory_space<semaphore_mem>>, %arg20: memref<!tpu.dma_semaphore, #tpu.memory_space<semaphore_mem>>, %arg21: memref<!tpu.dma_semaphore, #tpu.memory_space<semaphore_mem>>) attributes {dimension_semantics = [#tpu.dimension_semantics<core_parallel>, #tpu.dimension_semantics<subcore_parallel>], iteration_bounds = array<i64: 2, 16>, scalar_prefetch = 0 : i64, scratch_operands = 15 : i64, tpu.core_type = #tpu.core_type<sc_vector_subcore>, window_params = [{transform_indices = #map}, {transform_indices = #map1}, {transform_indices = #map1}, {transform_indices = #map}, {transform_indices = #map1}]} {
    %mul3A = arith.constant 2 : i32
    %mul3A_0 = arith.muli %arg1, %mul3A : i32
    %add3A = arith.addi %mul3A_0, %arg0 : i32
    %mul3A_1 = arith.constant 626 : i32
    %mul3A_2 = arith.muli %arg1, %mul3A_1 : i32
    "tpu.region"() ({
      %run_scoped3A = tpu.sem_alloc : memref<!tpu.dma_semaphore, #tpu.memory_space<semaphore_mem>>
      %dma_start3A_235 = arith.constant 0 : i32
      %dma_start3A_236 = tpu.memref_slice %arg13[%mul3A_2, %dma_start3A_235] : memref<10016x96xf32, #tpu.memory_space<vmem_shared>> -> memref<626x96xf32, #tpu.memory_space<vmem_shared>>
      tpu.enqueue_dma source(%arg5 : memref<626x96xf32, #tpu.memory_space<hbm>>) target(%dma_start3A_236 : memref<626x96xf32, #tpu.memory_space<vmem_shared>>) target_semaphore(%run_scoped3A : memref<!tpu.dma_semaphore, #tpu.memory_space<semaphore_mem>>)
      %dma_wait3A_237 = arith.constant 0 : i32
      %dma_wait3A_238 = tpu.memref_slice %arg13[%mul3A_2, %dma_wait3A_237] : memref<10016x96xf32, #tpu.memory_space<vmem_shared>> -> memref<626x96xf32, #tpu.memory_space<vmem_shared>>
      tpu.wait_dma2 semaphore(%run_scoped3A : memref<!tpu.dma_semaphore, #tpu.memory_space<semaphore_mem>>) src(%arg5 : memref<626x96xf32, #tpu.memory_space<hbm>>) dst(%dma_wait3A_238 : memref<626x96xf32, #tpu.memory_space<vmem_shared>>)
      tpu.yield
    }) : () -> ()
    "tpu.region"() ({
      %run_scoped3A = tpu.sem_alloc : memref<!tpu.dma_semaphore, #tpu.memory_space<semaphore_mem>>
      %dma_start3A_235 = arith.constant 0 : i32
      %dma_start3A_236 = arith.constant 0 : i32
      %dma_start3A_237 = tpu.memref_slice %arg3[%add3A, %dma_start3A_235, %dma_start3A_236] : memref<32x80x128xi32, #tpu.memory_space<hbm>> -> memref<1x80x128xi32, #tpu.memory_space<hbm>>
      %dma_start3A_238 = tpu.memref_squeeze %dma_start3A_237 : memref<1x80x128xi32, #tpu.memory_space<hbm>> -> memref<80x128xi32, #tpu.memory_space<hbm>>
      %dma_start3A_239 = arith.constant 0 : i32
      %dma_start3A_240 = arith.constant 0 : i32
      %dma_start3A_241 = tpu.memref_slice %arg3[%add3A, %dma_start3A_239, %dma_start3A_240] : memref<32x80x128xi32, #tpu.memory_space<hbm>> -> memref<1x80x128xi32, #tpu.memory_space<hbm>>
      %dma_start3A_242 = tpu.memref_squeeze %dma_start3A_241 : memref<1x80x128xi32, #tpu.memory_space<hbm>> -> memref<80x128xi32, #tpu.memory_space<hbm>>
      tpu.enqueue_dma source(%dma_start3A_242 : memref<80x128xi32, #tpu.memory_space<hbm>>) target(%arg7 : memref<80x128xi32, #tpu.memory_space<vmem>>) target_semaphore(%run_scoped3A : memref<!tpu.dma_semaphore, #tpu.memory_space<semaphore_mem>>)
      %dma_wait3A_243 = arith.constant 0 : i32
      %dma_wait3A_244 = arith.constant 0 : i32
      %dma_wait3A_245 = tpu.memref_slice %arg3[%add3A, %dma_wait3A_243, %dma_wait3A_244] : memref<32x80x128xi32, #tpu.memory_space<hbm>> -> memref<1x80x128xi32, #tpu.memory_space<hbm>>
      %dma_wait3A_246 = tpu.memref_squeeze %dma_wait3A_245 : memref<1x80x128xi32, #tpu.memory_space<hbm>> -> memref<80x128xi32, #tpu.memory_space<hbm>>
      %dma_wait3A_247 = arith.constant 0 : i32
      %dma_wait3A_248 = arith.constant 0 : i32
      %dma_wait3A_249 = tpu.memref_slice %arg3[%add3A, %dma_wait3A_247, %dma_wait3A_248] : memref<32x80x128xi32, #tpu.memory_space<hbm>> -> memref<1x80x128xi32, #tpu.memory_space<hbm>>
      %dma_wait3A_250 = tpu.memref_squeeze %dma_wait3A_249 : memref<1x80x128xi32, #tpu.memory_space<hbm>> -> memref<80x128xi32, #tpu.memory_space<hbm>>
      tpu.wait_dma2 semaphore(%run_scoped3A : memref<!tpu.dma_semaphore, #tpu.memory_space<semaphore_mem>>) src(%dma_wait3A_250 : memref<80x128xi32, #tpu.memory_space<hbm>>) dst(%arg7 : memref<80x128xi32, #tpu.memory_space<vmem>>)
      tpu.yield
    }) : () -> ()
    "tpu.region"() ({
      %run_scoped3A = tpu.sem_alloc : memref<!tpu.dma_semaphore, #tpu.memory_space<semaphore_mem>>
      %dma_start3A_235 = arith.constant 0 : i32
      %dma_start3A_236 = arith.constant 0 : i32
      %dma_start3A_237 = tpu.memref_slice %arg4[%add3A, %dma_start3A_235, %dma_start3A_236] : memref<32x80x128xi32, #tpu.memory_space<hbm>> -> memref<1x80x128xi32, #tpu.memory_space<hbm>>
      %dma_start3A_238 = tpu.memref_squeeze %dma_start3A_237 : memref<1x80x128xi32, #tpu.memory_space<hbm>> -> memref<80x128xi32, #tpu.memory_space<hbm>>
      %dma_start3A_239 = arith.constant 0 : i32
      %dma_start3A_240 = arith.constant 0 : i32
      %dma_start3A_241 = tpu.memref_slice %arg4[%add3A, %dma_start3A_239, %dma_start3A_240] : memref<32x80x128xi32, #tpu.memory_space<hbm>> -> memref<1x80x128xi32, #tpu.memory_space<hbm>>
      %dma_start3A_242 = tpu.memref_squeeze %dma_start3A_241 : memref<1x80x128xi32, #tpu.memory_space<hbm>> -> memref<80x128xi32, #tpu.memory_space<hbm>>
      tpu.enqueue_dma source(%dma_start3A_242 : memref<80x128xi32, #tpu.memory_space<hbm>>) target(%arg8 : memref<80x128xi32, #tpu.memory_space<vmem>>) target_semaphore(%run_scoped3A : memref<!tpu.dma_semaphore, #tpu.memory_space<semaphore_mem>>)
      %dma_wait3A_243 = arith.constant 0 : i32
      %dma_wait3A_244 = arith.constant 0 : i32
      %dma_wait3A_245 = tpu.memref_slice %arg4[%add3A, %dma_wait3A_243, %dma_wait3A_244] : memref<32x80x128xi32, #tpu.memory_space<hbm>> -> memref<1x80x128xi32, #tpu.memory_space<hbm>>
      %dma_wait3A_246 = tpu.memref_squeeze %dma_wait3A_245 : memref<1x80x128xi32, #tpu.memory_space<hbm>> -> memref<80x128xi32, #tpu.memory_space<hbm>>
      %dma_wait3A_247 = arith.constant 0 : i32
      %dma_wait3A_248 = arith.constant 0 : i32
      %dma_wait3A_249 = tpu.memref_slice %arg4[%add3A, %dma_wait3A_247, %dma_wait3A_248] : memref<32x80x128xi32, #tpu.memory_space<hbm>> -> memref<1x80x128xi32, #tpu.memory_space<hbm>>
      %dma_wait3A_250 = tpu.memref_squeeze %dma_wait3A_249 : memref<1x80x128xi32, #tpu.memory_space<hbm>> -> memref<80x128xi32, #tpu.memory_space<hbm>>
      tpu.wait_dma2 semaphore(%run_scoped3A : memref<!tpu.dma_semaphore, #tpu.memory_space<semaphore_mem>>) src(%dma_wait3A_250 : memref<80x128xi32, #tpu.memory_space<hbm>>) dst(%arg8 : memref<80x128xi32, #tpu.memory_space<vmem>>)
      tpu.yield
    }) : () -> ()
    %barrier3A = arith.constant 0 : index
    tpu.barrier barrier_id(%barrier3A)
    %dma_start3A = arith.constant 0 : i32
    %dma_start3A_3 = arith.constant 0 : i32
    %dma_start3A_4 = tpu.memref_slice %arg7[%dma_start3A, %dma_start3A_3] : memref<80x128xi32, #tpu.memory_space<vmem>> -> memref<1x128xi32, #tpu.memory_space<vmem>>
    %dma_start3A_5 = tpu.memref_squeeze %dma_start3A_4 : memref<1x128xi32, #tpu.memory_space<vmem>> -> memref<128xi32, #tpu.memory_space<vmem>>
    %dma_start3A_6 = arith.constant 0 : i32
    %dma_start3A_7 = arith.constant 0 : i32
    %dma_start3A_8 = tpu.memref_slice %arg2[%dma_start3A_6, %dma_start3A_7] : memref<10000x96xf32, #tpu.memory_space<hbm>> -> memref<10000x96xf32, #tpu.memory_space<hbm>>
    tpu.enqueue_indirect_dma source(%dma_start3A_8 : memref<10000x96xf32, #tpu.memory_space<hbm>>) target(%arg9 : memref<128x96xf32, #tpu.memory_space<vmem>>) offsets(%dma_start3A_5 : memref<128xi32, #tpu.memory_space<vmem>>) semaphore(%arg14 : memref<!tpu.dma_semaphore, #tpu.memory_space<semaphore_mem>>)
    %dma_start3A_9 = arith.constant 1 : i32
    %dma_start3A_10 = arith.constant 0 : i32
    %dma_start3A_11 = tpu.memref_slice %arg7[%dma_start3A_9, %dma_start3A_10] : memref<80x128xi32, #tpu.memory_space<vmem>> -> memref<1x128xi32, #tpu.memory_space<vmem>>
    %dma_start3A_12 = tpu.memref_squeeze %dma_start3A_11 : memref<1x128xi32, #tpu.memory_space<vmem>> -> memref<128xi32, #tpu.memory_space<vmem>>
    %dma_start3A_13 = arith.constant 0 : i32
    %dma_start3A_14 = arith.constant 0 : i32
    %dma_start3A_15 = tpu.memref_slice %arg2[%dma_start3A_13, %dma_start3A_14] : memref<10000x96xf32, #tpu.memory_space<hbm>> -> memref<10000x96xf32, #tpu.memory_space<hbm>>
    tpu.enqueue_indirect_dma source(%dma_start3A_15 : memref<10000x96xf32, #tpu.memory_space<hbm>>) target(%arg10 : memref<128x96xf32, #tpu.memory_space<vmem>>) offsets(%dma_start3A_12 : memref<128xi32, #tpu.memory_space<vmem>>) semaphore(%arg15 : memref<!tpu.dma_semaphore, #tpu.memory_space<semaphore_mem>>)
    %dma_start3A_16 = arith.constant 2 : i32
    %dma_start3A_17 = arith.constant 0 : i32
    %dma_start3A_18 = tpu.memref_slice %arg7[%dma_start3A_16, %dma_start3A_17] : memref<80x128xi32, #tpu.memory_space<vmem>> -> memref<1x128xi32, #tpu.memory_space<vmem>>
    %dma_start3A_19 = tpu.memref_squeeze %dma_start3A_18 : memref<1x128xi32, #tpu.memory_space<vmem>> -> memref<128xi32, #tpu.memory_space<vmem>>
    %dma_start3A_20 = arith.constant 0 : i32
    %dma_start3A_21 = arith.constant 0 : i32
    %dma_start3A_22 = tpu.memref_slice %arg2[%dma_start3A_20, %dma_start3A_21] : memref<10000x96xf32, #tpu.memory_space<hbm>> -> memref<10000x96xf32, #tpu.memory_space<hbm>>
    tpu.enqueue_indirect_dma source(%dma_start3A_22 : memref<10000x96xf32, #tpu.memory_space<hbm>>) target(%arg11 : memref<128x96xf32, #tpu.memory_space<vmem>>) offsets(%dma_start3A_19 : memref<128xi32, #tpu.memory_space<vmem>>) semaphore(%arg16 : memref<!tpu.dma_semaphore, #tpu.memory_space<semaphore_mem>>)
    %dma_wait3A = arith.constant 0 : i32
    %dma_wait3A_23 = arith.constant 0 : i32
    %dma_wait3A_24 = tpu.memref_slice %arg7[%dma_wait3A, %dma_wait3A_23] : memref<80x128xi32, #tpu.memory_space<vmem>> -> memref<1x128xi32, #tpu.memory_space<vmem>>
    %dma_wait3A_25 = tpu.memref_squeeze %dma_wait3A_24 : memref<1x128xi32, #tpu.memory_space<vmem>> -> memref<128xi32, #tpu.memory_space<vmem>>
    %dma_wait3A_26 = arith.constant 0 : i32
    %dma_wait3A_27 = arith.constant 0 : i32
    %dma_wait3A_28 = tpu.memref_slice %arg2[%dma_wait3A_26, %dma_wait3A_27] : memref<10000x96xf32, #tpu.memory_space<hbm>> -> memref<10000x96xf32, #tpu.memory_space<hbm>>
    tpu.wait_indirect_dma semaphore(%arg14 : memref<!tpu.dma_semaphore, #tpu.memory_space<semaphore_mem>>) src(%dma_wait3A_28 : memref<10000x96xf32, #tpu.memory_space<hbm>>) dst(%arg9 : memref<128x96xf32, #tpu.memory_space<vmem>>)
    %dma_start3A_29 = arith.constant 0 : i32
    %dma_start3A_30 = arith.constant 0 : i32
    %dma_start3A_31 = tpu.memref_slice %arg8[%dma_start3A_29, %dma_start3A_30] : memref<80x128xi32, #tpu.memory_space<vmem>> -> memref<1x128xi32, #tpu.memory_space<vmem>>
    %dma_start3A_32 = tpu.memref_squeeze %dma_start3A_31 : memref<1x128xi32, #tpu.memory_space<vmem>> -> memref<128xi32, #tpu.memory_space<vmem>>
    %dma_start3A_33 = arith.constant 0 : i32
    %dma_start3A_34 = arith.constant 0 : i32
    %dma_start3A_35 = tpu.memref_slice %arg13[%dma_start3A_33, %dma_start3A_34] : memref<10016x96xf32, #tpu.memory_space<vmem_shared>> -> memref<10016x96xf32, #tpu.memory_space<vmem_shared>>
    tpu.enqueue_indirect_dma source(%arg9 : memref<128x96xf32, #tpu.memory_space<vmem>>) target(%dma_start3A_35 : memref<10016x96xf32, #tpu.memory_space<vmem_shared>>) offsets(%dma_start3A_32 : memref<128xi32, #tpu.memory_space<vmem>>) semaphore(%arg18 : memref<!tpu.dma_semaphore, #tpu.memory_space<semaphore_mem>>) {add = true}
    %dma_start3A_36 = arith.constant 3 : i32
    %dma_start3A_37 = arith.constant 0 : i32
    %dma_start3A_38 = tpu.memref_slice %arg7[%dma_start3A_36, %dma_start3A_37] : memref<80x128xi32, #tpu.memory_space<vmem>> -> memref<1x128xi32, #tpu.memory_space<vmem>>
    %dma_start3A_39 = tpu.memref_squeeze %dma_start3A_38 : memref<1x128xi32, #tpu.memory_space<vmem>> -> memref<128xi32, #tpu.memory_space<vmem>>
    %dma_start3A_40 = arith.constant 0 : i32
    %dma_start3A_41 = arith.constant 0 : i32
    %dma_start3A_42 = tpu.memref_slice %arg2[%dma_start3A_40, %dma_start3A_41] : memref<10000x96xf32, #tpu.memory_space<hbm>> -> memref<10000x96xf32, #tpu.memory_space<hbm>>
    tpu.enqueue_indirect_dma source(%dma_start3A_42 : memref<10000x96xf32, #tpu.memory_space<hbm>>) target(%arg12 : memref<128x96xf32, #tpu.memory_space<vmem>>) offsets(%dma_start3A_39 : memref<128xi32, #tpu.memory_space<vmem>>) semaphore(%arg17 : memref<!tpu.dma_semaphore, #tpu.memory_space<semaphore_mem>>)
    %dma_wait3A_43 = arith.constant 1 : i32
    %dma_wait3A_44 = arith.constant 0 : i32
    %dma_wait3A_45 = tpu.memref_slice %arg7[%dma_wait3A_43, %dma_wait3A_44] : memref<80x128xi32, #tpu.memory_space<vmem>> -> memref<1x128xi32, #tpu.memory_space<vmem>>
    %dma_wait3A_46 = tpu.memref_squeeze %dma_wait3A_45 : memref<1x128xi32, #tpu.memory_space<vmem>> -> memref<128xi32, #tpu.memory_space<vmem>>
    %dma_wait3A_47 = arith.constant 0 : i32
    %dma_wait3A_48 = arith.constant 0 : i32
    %dma_wait3A_49 = tpu.memref_slice %arg2[%dma_wait3A_47, %dma_wait3A_48] : memref<10000x96xf32, #tpu.memory_space<hbm>> -> memref<10000x96xf32, #tpu.memory_space<hbm>>
    tpu.wait_indirect_dma semaphore(%arg15 : memref<!tpu.dma_semaphore, #tpu.memory_space<semaphore_mem>>) src(%dma_wait3A_49 : memref<10000x96xf32, #tpu.memory_space<hbm>>) dst(%arg10 : memref<128x96xf32, #tpu.memory_space<vmem>>)
    %dma_start3A_50 = arith.constant 1 : i32
    %dma_start3A_51 = arith.constant 0 : i32
    %dma_start3A_52 = tpu.memref_slice %arg8[%dma_start3A_50, %dma_start3A_51] : memref<80x128xi32, #tpu.memory_space<vmem>> -> memref<1x128xi32, #tpu.memory_space<vmem>>
    %dma_start3A_53 = tpu.memref_squeeze %dma_start3A_52 : memref<1x128xi32, #tpu.memory_space<vmem>> -> memref<128xi32, #tpu.memory_space<vmem>>
    %dma_start3A_54 = arith.constant 0 : i32
    %dma_start3A_55 = arith.constant 0 : i32
    %dma_start3A_56 = tpu.memref_slice %arg13[%dma_start3A_54, %dma_start3A_55] : memref<10016x96xf32, #tpu.memory_space<vmem_shared>> -> memref<10016x96xf32, #tpu.memory_space<vmem_shared>>
    tpu.enqueue_indirect_dma source(%arg10 : memref<128x96xf32, #tpu.memory_space<vmem>>) target(%dma_start3A_56 : memref<10016x96xf32, #tpu.memory_space<vmem_shared>>) offsets(%dma_start3A_53 : memref<128xi32, #tpu.memory_space<vmem>>) semaphore(%arg19 : memref<!tpu.dma_semaphore, #tpu.memory_space<semaphore_mem>>) {add = true}
    %dma_wait3A_57 = arith.constant 0 : i32
    %dma_wait3A_58 = arith.constant 0 : i32
    %dma_wait3A_59 = tpu.memref_slice %arg8[%dma_wait3A_57, %dma_wait3A_58] : memref<80x128xi32, #tpu.memory_space<vmem>> -> memref<1x128xi32, #tpu.memory_space<vmem>>
    %dma_wait3A_60 = tpu.memref_squeeze %dma_wait3A_59 : memref<1x128xi32, #tpu.memory_space<vmem>> -> memref<128xi32, #tpu.memory_space<vmem>>
    %dma_wait3A_61 = arith.constant 0 : i32
    %dma_wait3A_62 = arith.constant 0 : i32
    %dma_wait3A_63 = tpu.memref_slice %arg13[%dma_wait3A_61, %dma_wait3A_62] : memref<10016x96xf32, #tpu.memory_space<vmem_shared>> -> memref<10016x96xf32, #tpu.memory_space<vmem_shared>>
    tpu.wait_indirect_dma semaphore(%arg18 : memref<!tpu.dma_semaphore, #tpu.memory_space<semaphore_mem>>) src(%arg9 : memref<128x96xf32, #tpu.memory_space<vmem>>) dst(%dma_wait3A_63 : memref<10016x96xf32, #tpu.memory_space<vmem_shared>>)
    %dma_start3A_64 = arith.constant 4 : i32
    %dma_start3A_65 = arith.constant 0 : i32
    %dma_start3A_66 = tpu.memref_slice %arg7[%dma_start3A_64, %dma_start3A_65] : memref<80x128xi32, #tpu.memory_space<vmem>> -> memref<1x128xi32, #tpu.memory_space<vmem>>
    %dma_start3A_67 = tpu.memref_squeeze %dma_start3A_66 : memref<1x128xi32, #tpu.memory_space<vmem>> -> memref<128xi32, #tpu.memory_space<vmem>>
    %dma_start3A_68 = arith.constant 0 : i32
    %dma_start3A_69 = arith.constant 0 : i32
    %dma_start3A_70 = tpu.memref_slice %arg2[%dma_start3A_68, %dma_start3A_69] : memref<10000x96xf32, #tpu.memory_space<hbm>> -> memref<10000x96xf32, #tpu.memory_space<hbm>>
    tpu.enqueue_indirect_dma source(%dma_start3A_70 : memref<10000x96xf32, #tpu.memory_space<hbm>>) target(%arg9 : memref<128x96xf32, #tpu.memory_space<vmem>>) offsets(%dma_start3A_67 : memref<128xi32, #tpu.memory_space<vmem>>) semaphore(%arg14 : memref<!tpu.dma_semaphore, #tpu.memory_space<semaphore_mem>>)
    %dma_wait3A_71 = arith.constant 2 : i32
    %dma_wait3A_72 = arith.constant 0 : i32
    %dma_wait3A_73 = tpu.memref_slice %arg7[%dma_wait3A_71, %dma_wait3A_72] : memref<80x128xi32, #tpu.memory_space<vmem>> -> memref<1x128xi32, #tpu.memory_space<vmem>>
    %dma_wait3A_74 = tpu.memref_squeeze %dma_wait3A_73 : memref<1x128xi32, #tpu.memory_space<vmem>> -> memref<128xi32, #tpu.memory_space<vmem>>
    %dma_wait3A_75 = arith.constant 0 : i32
    %dma_wait3A_76 = arith.constant 0 : i32
    %dma_wait3A_77 = tpu.memref_slice %arg2[%dma_wait3A_75, %dma_wait3A_76] : memref<10000x96xf32, #tpu.memory_space<hbm>> -> memref<10000x96xf32, #tpu.memory_space<hbm>>
    tpu.wait_indirect_dma semaphore(%arg16 : memref<!tpu.dma_semaphore, #tpu.memory_space<semaphore_mem>>) src(%dma_wait3A_77 : memref<10000x96xf32, #tpu.memory_space<hbm>>) dst(%arg11 : memref<128x96xf32, #tpu.memory_space<vmem>>)
    %dma_start3A_78 = arith.constant 2 : i32
    %dma_start3A_79 = arith.constant 0 : i32
    %dma_start3A_80 = tpu.memref_slice %arg8[%dma_start3A_78, %dma_start3A_79] : memref<80x128xi32, #tpu.memory_space<vmem>> -> memref<1x128xi32, #tpu.memory_space<vmem>>
    %dma_start3A_81 = tpu.memref_squeeze %dma_start3A_80 : memref<1x128xi32, #tpu.memory_space<vmem>> -> memref<128xi32, #tpu.memory_space<vmem>>
    %dma_start3A_82 = arith.constant 0 : i32
    %dma_start3A_83 = arith.constant 0 : i32
    %dma_start3A_84 = tpu.memref_slice %arg13[%dma_start3A_82, %dma_start3A_83] : memref<10016x96xf32, #tpu.memory_space<vmem_shared>> -> memref<10016x96xf32, #tpu.memory_space<vmem_shared>>
    tpu.enqueue_indirect_dma source(%arg11 : memref<128x96xf32, #tpu.memory_space<vmem>>) target(%dma_start3A_84 : memref<10016x96xf32, #tpu.memory_space<vmem_shared>>) offsets(%dma_start3A_81 : memref<128xi32, #tpu.memory_space<vmem>>) semaphore(%arg20 : memref<!tpu.dma_semaphore, #tpu.memory_space<semaphore_mem>>) {add = true}
    %dma_wait3A_85 = arith.constant 1 : i32
    %dma_wait3A_86 = arith.constant 0 : i32
    %dma_wait3A_87 = tpu.memref_slice %arg8[%dma_wait3A_85, %dma_wait3A_86] : memref<80x128xi32, #tpu.memory_space<vmem>> -> memref<1x128xi32, #tpu.memory_space<vmem>>
    %dma_wait3A_88 = tpu.memref_squeeze %dma_wait3A_87 : memref<1x128xi32, #tpu.memory_space<vmem>> -> memref<128xi32, #tpu.memory_space<vmem>>
    %dma_wait3A_89 = arith.constant 0 : i32
    %dma_wait3A_90 = arith.constant 0 : i32
    %dma_wait3A_91 = tpu.memref_slice %arg13[%dma_wait3A_89, %dma_wait3A_90] : memref<10016x96xf32, #tpu.memory_space<vmem_shared>> -> memref<10016x96xf32, #tpu.memory_space<vmem_shared>>
    tpu.wait_indirect_dma semaphore(%arg19 : memref<!tpu.dma_semaphore, #tpu.memory_space<semaphore_mem>>) src(%arg10 : memref<128x96xf32, #tpu.memory_space<vmem>>) dst(%dma_wait3A_91 : memref<10016x96xf32, #tpu.memory_space<vmem_shared>>)
    %dma_start3A_92 = arith.constant 5 : i32
    %dma_start3A_93 = arith.constant 0 : i32
    %dma_start3A_94 = tpu.memref_slice %arg7[%dma_start3A_92, %dma_start3A_93] : memref<80x128xi32, #tpu.memory_space<vmem>> -> memref<1x128xi32, #tpu.memory_space<vmem>>
    %dma_start3A_95 = tpu.memref_squeeze %dma_start3A_94 : memref<1x128xi32, #tpu.memory_space<vmem>> -> memref<128xi32, #tpu.memory_space<vmem>>
    %dma_start3A_96 = arith.constant 0 : i32
    %dma_start3A_97 = arith.constant 0 : i32
    %dma_start3A_98 = tpu.memref_slice %arg2[%dma_start3A_96, %dma_start3A_97] : memref<10000x96xf32, #tpu.memory_space<hbm>> -> memref<10000x96xf32, #tpu.memory_space<hbm>>
    tpu.enqueue_indirect_dma source(%dma_start3A_98 : memref<10000x96xf32, #tpu.memory_space<hbm>>) target(%arg10 : memref<128x96xf32, #tpu.memory_space<vmem>>) offsets(%dma_start3A_95 : memref<128xi32, #tpu.memory_space<vmem>>) semaphore(%arg15 : memref<!tpu.dma_semaphore, #tpu.memory_space<semaphore_mem>>)
    %dma_wait3A_99 = arith.constant 3 : i32
    %dma_wait3A_100 = arith.constant 0 : i32
    %dma_wait3A_101 = tpu.memref_slice %arg7[%dma_wait3A_99, %dma_wait3A_100] : memref<80x128xi32, #tpu.memory_space<vmem>> -> memref<1x128xi32, #tpu.memory_space<vmem>>
    %dma_wait3A_102 = tpu.memref_squeeze %dma_wait3A_101 : memref<1x128xi32, #tpu.memory_space<vmem>> -> memref<128xi32, #tpu.memory_space<vmem>>
    %dma_wait3A_103 = arith.constant 0 : i32
    %dma_wait3A_104 = arith.constant 0 : i32
    %dma_wait3A_105 = tpu.memref_slice %arg2[%dma_wait3A_103, %dma_wait3A_104] : memref<10000x96xf32, #tpu.memory_space<hbm>> -> memref<10000x96xf32, #tpu.memory_space<hbm>>
    tpu.wait_indirect_dma semaphore(%arg17 : memref<!tpu.dma_semaphore, #tpu.memory_space<semaphore_mem>>) src(%dma_wait3A_105 : memref<10000x96xf32, #tpu.memory_space<hbm>>) dst(%arg12 : memref<128x96xf32, #tpu.memory_space<vmem>>)
    %dma_start3A_106 = arith.constant 3 : i32
    %dma_start3A_107 = arith.constant 0 : i32
    %dma_start3A_108 = tpu.memref_slice %arg8[%dma_start3A_106, %dma_start3A_107] : memref<80x128xi32, #tpu.memory_space<vmem>> -> memref<1x128xi32, #tpu.memory_space<vmem>>
    %dma_start3A_109 = tpu.memref_squeeze %dma_start3A_108 : memref<1x128xi32, #tpu.memory_space<vmem>> -> memref<128xi32, #tpu.memory_space<vmem>>
    %dma_start3A_110 = arith.constant 0 : i32
    %dma_start3A_111 = arith.constant 0 : i32
    %dma_start3A_112 = tpu.memref_slice %arg13[%dma_start3A_110, %dma_start3A_111] : memref<10016x96xf32, #tpu.memory_space<vmem_shared>> -> memref<10016x96xf32, #tpu.memory_space<vmem_shared>>
    tpu.enqueue_indirect_dma source(%arg12 : memref<128x96xf32, #tpu.memory_space<vmem>>) target(%dma_start3A_112 : memref<10016x96xf32, #tpu.memory_space<vmem_shared>>) offsets(%dma_start3A_109 : memref<128xi32, #tpu.memory_space<vmem>>) semaphore(%arg21 : memref<!tpu.dma_semaphore, #tpu.memory_space<semaphore_mem>>) {add = true}
    %scan3A = arith.constant 0 : i32
    %scan3A_113 = arith.constant 1 : i32
    %scan3A_114 = arith.constant 18 : i32
    %scan3A_115 = arith.addi %scan3A_113, %scan3A_114 : i32
    %scan3A_116 = arith.constant 1 : i32
    scf.for %scan3A_235 = %scan3A_113 to %scan3A_115 step %scan3A_116  : i32 {
      %mul3A_236 = arith.constant 4 : i32
      %mul3A_237 = arith.muli %scan3A_235, %mul3A_236 : i32
      %add3A_238 = arith.constant 0 : i32
      %add3A_239 = arith.addi %mul3A_237, %add3A_238 : i32
      %sub3A = arith.constant 2 : i32
      %sub3A_240 = arith.subi %add3A_239, %sub3A : i32
      %dma_wait3A_241 = arith.constant 0 : i32
      %dma_wait3A_242 = tpu.memref_slice %arg8[%sub3A_240, %dma_wait3A_241] : memref<80x128xi32, #tpu.memory_space<vmem>> -> memref<1x128xi32, #tpu.memory_space<vmem>>
      %dma_wait3A_243 = tpu.memref_squeeze %dma_wait3A_242 : memref<1x128xi32, #tpu.memory_space<vmem>> -> memref<128xi32, #tpu.memory_space<vmem>>
      %dma_wait3A_244 = arith.constant 0 : i32
      %dma_wait3A_245 = arith.constant 0 : i32
      %dma_wait3A_246 = tpu.memref_slice %arg13[%dma_wait3A_244, %dma_wait3A_245] : memref<10016x96xf32, #tpu.memory_space<vmem_shared>> -> memref<10016x96xf32, #tpu.memory_space<vmem_shared>>
      tpu.wait_indirect_dma semaphore(%arg20 : memref<!tpu.dma_semaphore, #tpu.memory_space<semaphore_mem>>) src(%arg11 : memref<128x96xf32, #tpu.memory_space<vmem>>) dst(%dma_wait3A_246 : memref<10016x96xf32, #tpu.memory_space<vmem_shared>>)
      %add3A_247 = arith.constant 0 : i32
      %add3A_248 = arith.addi %mul3A_237, %add3A_247 : i32
      %add3A_249 = arith.constant 2 : i32
      %add3A_250 = arith.addi %add3A_248, %add3A_249 : i32
      %dma_start3A_251 = arith.constant 0 : i32
      %dma_start3A_252 = tpu.memref_slice %arg7[%add3A_250, %dma_start3A_251] : memref<80x128xi32, #tpu.memory_space<vmem>> -> memref<1x128xi32, #tpu.memory_space<vmem>>
      %dma_start3A_253 = tpu.memref_squeeze %dma_start3A_252 : memref<1x128xi32, #tpu.memory_space<vmem>> -> memref<128xi32, #tpu.memory_space<vmem>>
      %dma_start3A_254 = arith.constant 0 : i32
      %dma_start3A_255 = arith.constant 0 : i32
      %dma_start3A_256 = tpu.memref_slice %arg2[%dma_start3A_254, %dma_start3A_255] : memref<10000x96xf32, #tpu.memory_space<hbm>> -> memref<10000x96xf32, #tpu.memory_space<hbm>>
      tpu.enqueue_indirect_dma source(%dma_start3A_256 : memref<10000x96xf32, #tpu.memory_space<hbm>>) target(%arg11 : memref<128x96xf32, #tpu.memory_space<vmem>>) offsets(%dma_start3A_253 : memref<128xi32, #tpu.memory_space<vmem>>) semaphore(%arg16 : memref<!tpu.dma_semaphore, #tpu.memory_space<semaphore_mem>>)
      %add3A_257 = arith.constant 0 : i32
      %add3A_258 = arith.addi %mul3A_237, %add3A_257 : i32
      %dma_wait3A_259 = arith.constant 0 : i32
      %dma_wait3A_260 = tpu.memref_slice %arg7[%add3A_258, %dma_wait3A_259] : memref<80x128xi32, #tpu.memory_space<vmem>> -> memref<1x128xi32, #tpu.memory_space<vmem>>
      %dma_wait3A_261 = tpu.memref_squeeze %dma_wait3A_260 : memref<1x128xi32, #tpu.memory_space<vmem>> -> memref<128xi32, #tpu.memory_space<vmem>>
      %dma_wait3A_262 = arith.constant 0 : i32
      %dma_wait3A_263 = arith.constant 0 : i32
      %dma_wait3A_264 = tpu.memref_slice %arg2[%dma_wait3A_262, %dma_wait3A_263] : memref<10000x96xf32, #tpu.memory_space<hbm>> -> memref<10000x96xf32, #tpu.memory_space<hbm>>
      tpu.wait_indirect_dma semaphore(%arg14 : memref<!tpu.dma_semaphore, #tpu.memory_space<semaphore_mem>>) src(%dma_wait3A_264 : memref<10000x96xf32, #tpu.memory_space<hbm>>) dst(%arg9 : memref<128x96xf32, #tpu.memory_space<vmem>>)
      %add3A_265 = arith.constant 0 : i32
      %add3A_266 = arith.addi %mul3A_237, %add3A_265 : i32
      %dma_start3A_267 = arith.constant 0 : i32
      %dma_start3A_268 = tpu.memref_slice %arg8[%add3A_266, %dma_start3A_267] : memref<80x128xi32, #tpu.memory_space<vmem>> -> memref<1x128xi32, #tpu.memory_space<vmem>>
      %dma_start3A_269 = tpu.memref_squeeze %dma_start3A_268 : memref<1x128xi32, #tpu.memory_space<vmem>> -> memref<128xi32, #tpu.memory_space<vmem>>
      %dma_start3A_270 = arith.constant 0 : i32
      %dma_start3A_271 = arith.constant 0 : i32
      %dma_start3A_272 = tpu.memref_slice %arg13[%dma_start3A_270, %dma_start3A_271] : memref<10016x96xf32, #tpu.memory_space<vmem_shared>> -> memref<10016x96xf32, #tpu.memory_space<vmem_shared>>
      tpu.enqueue_indirect_dma source(%arg9 : memref<128x96xf32, #tpu.memory_space<vmem>>) target(%dma_start3A_272 : memref<10016x96xf32, #tpu.memory_space<vmem_shared>>) offsets(%dma_start3A_269 : memref<128xi32, #tpu.memory_space<vmem>>) semaphore(%arg18 : memref<!tpu.dma_semaphore, #tpu.memory_space<semaphore_mem>>) {add = true}
      %add3A_273 = arith.constant 1 : i32
      %add3A_274 = arith.addi %mul3A_237, %add3A_273 : i32
      %sub3A_275 = arith.constant 2 : i32
      %sub3A_276 = arith.subi %add3A_274, %sub3A_275 : i32
      %dma_wait3A_277 = arith.constant 0 : i32
      %dma_wait3A_278 = tpu.memref_slice %arg8[%sub3A_276, %dma_wait3A_277] : memref<80x128xi32, #tpu.memory_space<vmem>> -> memref<1x128xi32, #tpu.memory_space<vmem>>
      %dma_wait3A_279 = tpu.memref_squeeze %dma_wait3A_278 : memref<1x128xi32, #tpu.memory_space<vmem>> -> memref<128xi32, #tpu.memory_space<vmem>>
      %dma_wait3A_280 = arith.constant 0 : i32
      %dma_wait3A_281 = arith.constant 0 : i32
      %dma_wait3A_282 = tpu.memref_slice %arg13[%dma_wait3A_280, %dma_wait3A_281] : memref<10016x96xf32, #tpu.memory_space<vmem_shared>> -> memref<10016x96xf32, #tpu.memory_space<vmem_shared>>
      tpu.wait_indirect_dma semaphore(%arg21 : memref<!tpu.dma_semaphore, #tpu.memory_space<semaphore_mem>>) src(%arg12 : memref<128x96xf32, #tpu.memory_space<vmem>>) dst(%dma_wait3A_282 : memref<10016x96xf32, #tpu.memory_space<vmem_shared>>)
      %add3A_283 = arith.constant 1 : i32
      %add3A_284 = arith.addi %mul3A_237, %add3A_283 : i32
      %add3A_285 = arith.constant 2 : i32
      %add3A_286 = arith.addi %add3A_284, %add3A_285 : i32
      %dma_start3A_287 = arith.constant 0 : i32
      %dma_start3A_288 = tpu.memref_slice %arg7[%add3A_286, %dma_start3A_287] : memref<80x128xi32, #tpu.memory_space<vmem>> -> memref<1x128xi32, #tpu.memory_space<vmem>>
      %dma_start3A_289 = tpu.memref_squeeze %dma_start3A_288 : memref<1x128xi32, #tpu.memory_space<vmem>> -> memref<128xi32, #tpu.memory_space<vmem>>
      %dma_start3A_290 = arith.constant 0 : i32
      %dma_start3A_291 = arith.constant 0 : i32
      %dma_start3A_292 = tpu.memref_slice %arg2[%dma_start3A_290, %dma_start3A_291] : memref<10000x96xf32, #tpu.memory_space<hbm>> -> memref<10000x96xf32, #tpu.memory_space<hbm>>
      tpu.enqueue_indirect_dma source(%dma_start3A_292 : memref<10000x96xf32, #tpu.memory_space<hbm>>) target(%arg12 : memref<128x96xf32, #tpu.memory_space<vmem>>) offsets(%dma_start3A_289 : memref<128xi32, #tpu.memory_space<vmem>>) semaphore(%arg17 : memref<!tpu.dma_semaphore, #tpu.memory_space<semaphore_mem>>)
      %add3A_293 = arith.constant 1 : i32
      %add3A_294 = arith.addi %mul3A_237, %add3A_293 : i32
      %dma_wait3A_295 = arith.constant 0 : i32
      %dma_wait3A_296 = tpu.memref_slice %arg7[%add3A_294, %dma_wait3A_295] : memref<80x128xi32, #tpu.memory_space<vmem>> -> memref<1x128xi32, #tpu.memory_space<vmem>>
      %dma_wait3A_297 = tpu.memref_squeeze %dma_wait3A_296 : memref<1x128xi32, #tpu.memory_space<vmem>> -> memref<128xi32, #tpu.memory_space<vmem>>
      %dma_wait3A_298 = arith.constant 0 : i32
      %dma_wait3A_299 = arith.constant 0 : i32
      %dma_wait3A_300 = tpu.memref_slice %arg2[%dma_wait3A_298, %dma_wait3A_299] : memref<10000x96xf32, #tpu.memory_space<hbm>> -> memref<10000x96xf32, #tpu.memory_space<hbm>>
      tpu.wait_indirect_dma semaphore(%arg15 : memref<!tpu.dma_semaphore, #tpu.memory_space<semaphore_mem>>) src(%dma_wait3A_300 : memref<10000x96xf32, #tpu.memory_space<hbm>>) dst(%arg10 : memref<128x96xf32, #tpu.memory_space<vmem>>)
      %add3A_301 = arith.constant 1 : i32
      %add3A_302 = arith.addi %mul3A_237, %add3A_301 : i32
      %dma_start3A_303 = arith.constant 0 : i32
      %dma_start3A_304 = tpu.memref_slice %arg8[%add3A_302, %dma_start3A_303] : memref<80x128xi32, #tpu.memory_space<vmem>> -> memref<1x128xi32, #tpu.memory_space<vmem>>
      %dma_start3A_305 = tpu.memref_squeeze %dma_start3A_304 : memref<1x128xi32, #tpu.memory_space<vmem>> -> memref<128xi32, #tpu.memory_space<vmem>>
      %dma_start3A_306 = arith.constant 0 : i32
      %dma_start3A_307 = arith.constant 0 : i32
      %dma_start3A_308 = tpu.memref_slice %arg13[%dma_start3A_306, %dma_start3A_307] : memref<10016x96xf32, #tpu.memory_space<vmem_shared>> -> memref<10016x96xf32, #tpu.memory_space<vmem_shared>>
      tpu.enqueue_indirect_dma source(%arg10 : memref<128x96xf32, #tpu.memory_space<vmem>>) target(%dma_start3A_308 : memref<10016x96xf32, #tpu.memory_space<vmem_shared>>) offsets(%dma_start3A_305 : memref<128xi32, #tpu.memory_space<vmem>>) semaphore(%arg19 : memref<!tpu.dma_semaphore, #tpu.memory_space<semaphore_mem>>) {add = true}
      %add3A_309 = arith.constant 2 : i32
      %add3A_310 = arith.addi %mul3A_237, %add3A_309 : i32
      %sub3A_311 = arith.constant 2 : i32
      %sub3A_312 = arith.subi %add3A_310, %sub3A_311 : i32
      %dma_wait3A_313 = arith.constant 0 : i32
      %dma_wait3A_314 = tpu.memref_slice %arg8[%sub3A_312, %dma_wait3A_313] : memref<80x128xi32, #tpu.memory_space<vmem>> -> memref<1x128xi32, #tpu.memory_space<vmem>>
      %dma_wait3A_315 = tpu.memref_squeeze %dma_wait3A_314 : memref<1x128xi32, #tpu.memory_space<vmem>> -> memref<128xi32, #tpu.memory_space<vmem>>
      %dma_wait3A_316 = arith.constant 0 : i32
      %dma_wait3A_317 = arith.constant 0 : i32
      %dma_wait3A_318 = tpu.memref_slice %arg13[%dma_wait3A_316, %dma_wait3A_317] : memref<10016x96xf32, #tpu.memory_space<vmem_shared>> -> memref<10016x96xf32, #tpu.memory_space<vmem_shared>>
      tpu.wait_indirect_dma semaphore(%arg18 : memref<!tpu.dma_semaphore, #tpu.memory_space<semaphore_mem>>) src(%arg9 : memref<128x96xf32, #tpu.memory_space<vmem>>) dst(%dma_wait3A_318 : memref<10016x96xf32, #tpu.memory_space<vmem_shared>>)
      %add3A_319 = arith.constant 2 : i32
      %add3A_320 = arith.addi %mul3A_237, %add3A_319 : i32
      %add3A_321 = arith.constant 2 : i32
      %add3A_322 = arith.addi %add3A_320, %add3A_321 : i32
      %dma_start3A_323 = arith.constant 0 : i32
      %dma_start3A_324 = tpu.memref_slice %arg7[%add3A_322, %dma_start3A_323] : memref<80x128xi32, #tpu.memory_space<vmem>> -> memref<1x128xi32, #tpu.memory_space<vmem>>
      %dma_start3A_325 = tpu.memref_squeeze %dma_start3A_324 : memref<1x128xi32, #tpu.memory_space<vmem>> -> memref<128xi32, #tpu.memory_space<vmem>>
      %dma_start3A_326 = arith.constant 0 : i32
      %dma_start3A_327 = arith.constant 0 : i32
      %dma_start3A_328 = tpu.memref_slice %arg2[%dma_start3A_326, %dma_start3A_327] : memref<10000x96xf32, #tpu.memory_space<hbm>> -> memref<10000x96xf32, #tpu.memory_space<hbm>>
      tpu.enqueue_indirect_dma source(%dma_start3A_328 : memref<10000x96xf32, #tpu.memory_space<hbm>>) target(%arg9 : memref<128x96xf32, #tpu.memory_space<vmem>>) offsets(%dma_start3A_325 : memref<128xi32, #tpu.memory_space<vmem>>) semaphore(%arg14 : memref<!tpu.dma_semaphore, #tpu.memory_space<semaphore_mem>>)
      %add3A_329 = arith.constant 2 : i32
      %add3A_330 = arith.addi %mul3A_237, %add3A_329 : i32
      %dma_wait3A_331 = arith.constant 0 : i32
      %dma_wait3A_332 = tpu.memref_slice %arg7[%add3A_330, %dma_wait3A_331] : memref<80x128xi32, #tpu.memory_space<vmem>> -> memref<1x128xi32, #tpu.memory_space<vmem>>
      %dma_wait3A_333 = tpu.memref_squeeze %dma_wait3A_332 : memref<1x128xi32, #tpu.memory_space<vmem>> -> memref<128xi32, #tpu.memory_space<vmem>>
      %dma_wait3A_334 = arith.constant 0 : i32
      %dma_wait3A_335 = arith.constant 0 : i32
      %dma_wait3A_336 = tpu.memref_slice %arg2[%dma_wait3A_334, %dma_wait3A_335] : memref<10000x96xf32, #tpu.memory_space<hbm>> -> memref<10000x96xf32, #tpu.memory_space<hbm>>
      tpu.wait_indirect_dma semaphore(%arg16 : memref<!tpu.dma_semaphore, #tpu.memory_space<semaphore_mem>>) src(%dma_wait3A_336 : memref<10000x96xf32, #tpu.memory_space<hbm>>) dst(%arg11 : memref<128x96xf32, #tpu.memory_space<vmem>>)
      %add3A_337 = arith.constant 2 : i32
      %add3A_338 = arith.addi %mul3A_237, %add3A_337 : i32
      %dma_start3A_339 = arith.constant 0 : i32
      %dma_start3A_340 = tpu.memref_slice %arg8[%add3A_338, %dma_start3A_339] : memref<80x128xi32, #tpu.memory_space<vmem>> -> memref<1x128xi32, #tpu.memory_space<vmem>>
      %dma_start3A_341 = tpu.memref_squeeze %dma_start3A_340 : memref<1x128xi32, #tpu.memory_space<vmem>> -> memref<128xi32, #tpu.memory_space<vmem>>
      %dma_start3A_342 = arith.constant 0 : i32
      %dma_start3A_343 = arith.constant 0 : i32
      %dma_start3A_344 = tpu.memref_slice %arg13[%dma_start3A_342, %dma_start3A_343] : memref<10016x96xf32, #tpu.memory_space<vmem_shared>> -> memref<10016x96xf32, #tpu.memory_space<vmem_shared>>
      tpu.enqueue_indirect_dma source(%arg11 : memref<128x96xf32, #tpu.memory_space<vmem>>) target(%dma_start3A_344 : memref<10016x96xf32, #tpu.memory_space<vmem_shared>>) offsets(%dma_start3A_341 : memref<128xi32, #tpu.memory_space<vmem>>) semaphore(%arg20 : memref<!tpu.dma_semaphore, #tpu.memory_space<semaphore_mem>>) {add = true}
      %add3A_345 = arith.constant 3 : i32
      %add3A_346 = arith.addi %mul3A_237, %add3A_345 : i32
      %sub3A_347 = arith.constant 2 : i32
      %sub3A_348 = arith.subi %add3A_346, %sub3A_347 : i32
      %dma_wait3A_349 = arith.constant 0 : i32
      %dma_wait3A_350 = tpu.memref_slice %arg8[%sub3A_348, %dma_wait3A_349] : memref<80x128xi32, #tpu.memory_space<vmem>> -> memref<1x128xi32, #tpu.memory_space<vmem>>
      %dma_wait3A_351 = tpu.memref_squeeze %dma_wait3A_350 : memref<1x128xi32, #tpu.memory_space<vmem>> -> memref<128xi32, #tpu.memory_space<vmem>>
      %dma_wait3A_352 = arith.constant 0 : i32
      %dma_wait3A_353 = arith.constant 0 : i32
      %dma_wait3A_354 = tpu.memref_slice %arg13[%dma_wait3A_352, %dma_wait3A_353] : memref<10016x96xf32, #tpu.memory_space<vmem_shared>> -> memref<10016x96xf32, #tpu.memory_space<vmem_shared>>
      tpu.wait_indirect_dma semaphore(%arg19 : memref<!tpu.dma_semaphore, #tpu.memory_space<semaphore_mem>>) src(%arg10 : memref<128x96xf32, #tpu.memory_space<vmem>>) dst(%dma_wait3A_354 : memref<10016x96xf32, #tpu.memory_space<vmem_shared>>)
      %add3A_355 = arith.constant 3 : i32
      %add3A_356 = arith.addi %mul3A_237, %add3A_355 : i32
      %add3A_357 = arith.constant 2 : i32
      %add3A_358 = arith.addi %add3A_356, %add3A_357 : i32
      %dma_start3A_359 = arith.constant 0 : i32
      %dma_start3A_360 = tpu.memref_slice %arg7[%add3A_358, %dma_start3A_359] : memref<80x128xi32, #tpu.memory_space<vmem>> -> memref<1x128xi32, #tpu.memory_space<vmem>>
      %dma_start3A_361 = tpu.memref_squeeze %dma_start3A_360 : memref<1x128xi32, #tpu.memory_space<vmem>> -> memref<128xi32, #tpu.memory_space<vmem>>
      %dma_start3A_362 = arith.constant 0 : i32
      %dma_start3A_363 = arith.constant 0 : i32
      %dma_start3A_364 = tpu.memref_slice %arg2[%dma_start3A_362, %dma_start3A_363] : memref<10000x96xf32, #tpu.memory_space<hbm>> -> memref<10000x96xf32, #tpu.memory_space<hbm>>
      tpu.enqueue_indirect_dma source(%dma_start3A_364 : memref<10000x96xf32, #tpu.memory_space<hbm>>) target(%arg10 : memref<128x96xf32, #tpu.memory_space<vmem>>) offsets(%dma_start3A_361 : memref<128xi32, #tpu.memory_space<vmem>>) semaphore(%arg15 : memref<!tpu.dma_semaphore, #tpu.memory_space<semaphore_mem>>)
      %add3A_365 = arith.constant 3 : i32
      %add3A_366 = arith.addi %mul3A_237, %add3A_365 : i32
      %dma_wait3A_367 = arith.constant 0 : i32
      %dma_wait3A_368 = tpu.memref_slice %arg7[%add3A_366, %dma_wait3A_367] : memref<80x128xi32, #tpu.memory_space<vmem>> -> memref<1x128xi32, #tpu.memory_space<vmem>>
      %dma_wait3A_369 = tpu.memref_squeeze %dma_wait3A_368 : memref<1x128xi32, #tpu.memory_space<vmem>> -> memref<128xi32, #tpu.memory_space<vmem>>
      %dma_wait3A_370 = arith.constant 0 : i32
      %dma_wait3A_371 = arith.constant 0 : i32
      %dma_wait3A_372 = tpu.memref_slice %arg2[%dma_wait3A_370, %dma_wait3A_371] : memref<10000x96xf32, #tpu.memory_space<hbm>> -> memref<10000x96xf32, #tpu.memory_space<hbm>>
      tpu.wait_indirect_dma semaphore(%arg17 : memref<!tpu.dma_semaphore, #tpu.memory_space<semaphore_mem>>) src(%dma_wait3A_372 : memref<10000x96xf32, #tpu.memory_space<hbm>>) dst(%arg12 : memref<128x96xf32, #tpu.memory_space<vmem>>)
      %add3A_373 = arith.constant 3 : i32
      %add3A_374 = arith.addi %mul3A_237, %add3A_373 : i32
      %dma_start3A_375 = arith.constant 0 : i32
      %dma_start3A_376 = tpu.memref_slice %arg8[%add3A_374, %dma_start3A_375] : memref<80x128xi32, #tpu.memory_space<vmem>> -> memref<1x128xi32, #tpu.memory_space<vmem>>
      %dma_start3A_377 = tpu.memref_squeeze %dma_start3A_376 : memref<1x128xi32, #tpu.memory_space<vmem>> -> memref<128xi32, #tpu.memory_space<vmem>>
      %dma_start3A_378 = arith.constant 0 : i32
      %dma_start3A_379 = arith.constant 0 : i32
      %dma_start3A_380 = tpu.memref_slice %arg13[%dma_start3A_378, %dma_start3A_379] : memref<10016x96xf32, #tpu.memory_space<vmem_shared>> -> memref<10016x96xf32, #tpu.memory_space<vmem_shared>>
      tpu.enqueue_indirect_dma source(%arg12 : memref<128x96xf32, #tpu.memory_space<vmem>>) target(%dma_start3A_380 : memref<10016x96xf32, #tpu.memory_space<vmem_shared>>) offsets(%dma_start3A_377 : memref<128xi32, #tpu.memory_space<vmem>>) semaphore(%arg21 : memref<!tpu.dma_semaphore, #tpu.memory_space<semaphore_mem>>) {add = true}
    }
    %scan3A_117 = arith.constant 18 : i32
    %dma_wait3A_118 = arith.constant 74 : i32
    %dma_wait3A_119 = arith.constant 0 : i32
    %dma_wait3A_120 = tpu.memref_slice %arg8[%dma_wait3A_118, %dma_wait3A_119] : memref<80x128xi32, #tpu.memory_space<vmem>> -> memref<1x128xi32, #tpu.memory_space<vmem>>
    %dma_wait3A_121 = tpu.memref_squeeze %dma_wait3A_120 : memref<1x128xi32, #tpu.memory_space<vmem>> -> memref<128xi32, #tpu.memory_space<vmem>>
    %dma_wait3A_122 = arith.constant 0 : i32
    %dma_wait3A_123 = arith.constant 0 : i32
    %dma_wait3A_124 = tpu.memref_slice %arg13[%dma_wait3A_122, %dma_wait3A_123] : memref<10016x96xf32, #tpu.memory_space<vmem_shared>> -> memref<10016x96xf32, #tpu.memory_space<vmem_shared>>
    tpu.wait_indirect_dma semaphore(%arg20 : memref<!tpu.dma_semaphore, #tpu.memory_space<semaphore_mem>>) src(%arg11 : memref<128x96xf32, #tpu.memory_space<vmem>>) dst(%dma_wait3A_124 : memref<10016x96xf32, #tpu.memory_space<vmem_shared>>)
    %dma_start3A_125 = arith.constant 78 : i32
    %dma_start3A_126 = arith.constant 0 : i32
    %dma_start3A_127 = tpu.memref_slice %arg7[%dma_start3A_125, %dma_start3A_126] : memref<80x128xi32, #tpu.memory_space<vmem>> -> memref<1x128xi32, #tpu.memory_space<vmem>>
    %dma_start3A_128 = tpu.memref_squeeze %dma_start3A_127 : memref<1x128xi32, #tpu.memory_space<vmem>> -> memref<128xi32, #tpu.memory_space<vmem>>
    %dma_start3A_129 = arith.constant 0 : i32
    %dma_start3A_130 = arith.constant 0 : i32
    %dma_start3A_131 = tpu.memref_slice %arg2[%dma_start3A_129, %dma_start3A_130] : memref<10000x96xf32, #tpu.memory_space<hbm>> -> memref<10000x96xf32, #tpu.memory_space<hbm>>
    tpu.enqueue_indirect_dma source(%dma_start3A_131 : memref<10000x96xf32, #tpu.memory_space<hbm>>) target(%arg11 : memref<128x96xf32, #tpu.memory_space<vmem>>) offsets(%dma_start3A_128 : memref<128xi32, #tpu.memory_space<vmem>>) semaphore(%arg16 : memref<!tpu.dma_semaphore, #tpu.memory_space<semaphore_mem>>)
    %dma_wait3A_132 = arith.constant 76 : i32
    %dma_wait3A_133 = arith.constant 0 : i32
    %dma_wait3A_134 = tpu.memref_slice %arg7[%dma_wait3A_132, %dma_wait3A_133] : memref<80x128xi32, #tpu.memory_space<vmem>> -> memref<1x128xi32, #tpu.memory_space<vmem>>
    %dma_wait3A_135 = tpu.memref_squeeze %dma_wait3A_134 : memref<1x128xi32, #tpu.memory_space<vmem>> -> memref<128xi32, #tpu.memory_space<vmem>>
    %dma_wait3A_136 = arith.constant 0 : i32
    %dma_wait3A_137 = arith.constant 0 : i32
    %dma_wait3A_138 = tpu.memref_slice %arg2[%dma_wait3A_136, %dma_wait3A_137] : memref<10000x96xf32, #tpu.memory_space<hbm>> -> memref<10000x96xf32, #tpu.memory_space<hbm>>
    tpu.wait_indirect_dma semaphore(%arg14 : memref<!tpu.dma_semaphore, #tpu.memory_space<semaphore_mem>>) src(%dma_wait3A_138 : memref<10000x96xf32, #tpu.memory_space<hbm>>) dst(%arg9 : memref<128x96xf32, #tpu.memory_space<vmem>>)
    %dma_start3A_139 = arith.constant 76 : i32
    %dma_start3A_140 = arith.constant 0 : i32
    %dma_start3A_141 = tpu.memref_slice %arg8[%dma_start3A_139, %dma_start3A_140] : memref<80x128xi32, #tpu.memory_space<vmem>> -> memref<1x128xi32, #tpu.memory_space<vmem>>
    %dma_start3A_142 = tpu.memref_squeeze %dma_start3A_141 : memref<1x128xi32, #tpu.memory_space<vmem>> -> memref<128xi32, #tpu.memory_space<vmem>>
    %dma_start3A_143 = arith.constant 0 : i32
    %dma_start3A_144 = arith.constant 0 : i32
    %dma_start3A_145 = tpu.memref_slice %arg13[%dma_start3A_143, %dma_start3A_144] : memref<10016x96xf32, #tpu.memory_space<vmem_shared>> -> memref<10016x96xf32, #tpu.memory_space<vmem_shared>>
    tpu.enqueue_indirect_dma source(%arg9 : memref<128x96xf32, #tpu.memory_space<vmem>>) target(%dma_start3A_145 : memref<10016x96xf32, #tpu.memory_space<vmem_shared>>) offsets(%dma_start3A_142 : memref<128xi32, #tpu.memory_space<vmem>>) semaphore(%arg18 : memref<!tpu.dma_semaphore, #tpu.memory_space<semaphore_mem>>) {add = true}
    %dma_wait3A_146 = arith.constant 75 : i32
    %dma_wait3A_147 = arith.constant 0 : i32
    %dma_wait3A_148 = tpu.memref_slice %arg8[%dma_wait3A_146, %dma_wait3A_147] : memref<80x128xi32, #tpu.memory_space<vmem>> -> memref<1x128xi32, #tpu.memory_space<vmem>>
    %dma_wait3A_149 = tpu.memref_squeeze %dma_wait3A_148 : memref<1x128xi32, #tpu.memory_space<vmem>> -> memref<128xi32, #tpu.memory_space<vmem>>
    %dma_wait3A_150 = arith.constant 0 : i32
    %dma_wait3A_151 = arith.constant 0 : i32
    %dma_wait3A_152 = tpu.memref_slice %arg13[%dma_wait3A_150, %dma_wait3A_151] : memref<10016x96xf32, #tpu.memory_space<vmem_shared>> -> memref<10016x96xf32, #tpu.memory_space<vmem_shared>>
    tpu.wait_indirect_dma semaphore(%arg21 : memref<!tpu.dma_semaphore, #tpu.memory_space<semaphore_mem>>) src(%arg12 : memref<128x96xf32, #tpu.memory_space<vmem>>) dst(%dma_wait3A_152 : memref<10016x96xf32, #tpu.memory_space<vmem_shared>>)
    %dma_start3A_153 = arith.constant 79 : i32
    %dma_start3A_154 = arith.constant 0 : i32
    %dma_start3A_155 = tpu.memref_slice %arg7[%dma_start3A_153, %dma_start3A_154] : memref<80x128xi32, #tpu.memory_space<vmem>> -> memref<1x128xi32, #tpu.memory_space<vmem>>
    %dma_start3A_156 = tpu.memref_squeeze %dma_start3A_155 : memref<1x128xi32, #tpu.memory_space<vmem>> -> memref<128xi32, #tpu.memory_space<vmem>>
    %dma_start3A_157 = arith.constant 0 : i32
    %dma_start3A_158 = arith.constant 0 : i32
    %dma_start3A_159 = tpu.memref_slice %arg2[%dma_start3A_157, %dma_start3A_158] : memref<10000x96xf32, #tpu.memory_space<hbm>> -> memref<10000x96xf32, #tpu.memory_space<hbm>>
    tpu.enqueue_indirect_dma source(%dma_start3A_159 : memref<10000x96xf32, #tpu.memory_space<hbm>>) target(%arg12 : memref<128x96xf32, #tpu.memory_space<vmem>>) offsets(%dma_start3A_156 : memref<128xi32, #tpu.memory_space<vmem>>) semaphore(%arg17 : memref<!tpu.dma_semaphore, #tpu.memory_space<semaphore_mem>>)
    %dma_wait3A_160 = arith.constant 77 : i32
    %dma_wait3A_161 = arith.constant 0 : i32
    %dma_wait3A_162 = tpu.memref_slice %arg7[%dma_wait3A_160, %dma_wait3A_161] : memref<80x128xi32, #tpu.memory_space<vmem>> -> memref<1x128xi32, #tpu.memory_space<vmem>>
    %dma_wait3A_163 = tpu.memref_squeeze %dma_wait3A_162 : memref<1x128xi32, #tpu.memory_space<vmem>> -> memref<128xi32, #tpu.memory_space<vmem>>
    %dma_wait3A_164 = arith.constant 0 : i32
    %dma_wait3A_165 = arith.constant 0 : i32
    %dma_wait3A_166 = tpu.memref_slice %arg2[%dma_wait3A_164, %dma_wait3A_165] : memref<10000x96xf32, #tpu.memory_space<hbm>> -> memref<10000x96xf32, #tpu.memory_space<hbm>>
    tpu.wait_indirect_dma semaphore(%arg15 : memref<!tpu.dma_semaphore, #tpu.memory_space<semaphore_mem>>) src(%dma_wait3A_166 : memref<10000x96xf32, #tpu.memory_space<hbm>>) dst(%arg10 : memref<128x96xf32, #tpu.memory_space<vmem>>)
    %dma_start3A_167 = arith.constant 77 : i32
    %dma_start3A_168 = arith.constant 0 : i32
    %dma_start3A_169 = tpu.memref_slice %arg8[%dma_start3A_167, %dma_start3A_168] : memref<80x128xi32, #tpu.memory_space<vmem>> -> memref<1x128xi32, #tpu.memory_space<vmem>>
    %dma_start3A_170 = tpu.memref_squeeze %dma_start3A_169 : memref<1x128xi32, #tpu.memory_space<vmem>> -> memref<128xi32, #tpu.memory_space<vmem>>
    %dma_start3A_171 = arith.constant 0 : i32
    %dma_start3A_172 = arith.constant 0 : i32
    %dma_start3A_173 = tpu.memref_slice %arg13[%dma_start3A_171, %dma_start3A_172] : memref<10016x96xf32, #tpu.memory_space<vmem_shared>> -> memref<10016x96xf32, #tpu.memory_space<vmem_shared>>
    tpu.enqueue_indirect_dma source(%arg10 : memref<128x96xf32, #tpu.memory_space<vmem>>) target(%dma_start3A_173 : memref<10016x96xf32, #tpu.memory_space<vmem_shared>>) offsets(%dma_start3A_170 : memref<128xi32, #tpu.memory_space<vmem>>) semaphore(%arg19 : memref<!tpu.dma_semaphore, #tpu.memory_space<semaphore_mem>>) {add = true}
    %dma_wait3A_174 = arith.constant 76 : i32
    %dma_wait3A_175 = arith.constant 0 : i32
    %dma_wait3A_176 = tpu.memref_slice %arg8[%dma_wait3A_174, %dma_wait3A_175] : memref<80x128xi32, #tpu.memory_space<vmem>> -> memref<1x128xi32, #tpu.memory_space<vmem>>
    %dma_wait3A_177 = tpu.memref_squeeze %dma_wait3A_176 : memref<1x128xi32, #tpu.memory_space<vmem>> -> memref<128xi32, #tpu.memory_space<vmem>>
    %dma_wait3A_178 = arith.constant 0 : i32
    %dma_wait3A_179 = arith.constant 0 : i32
    %dma_wait3A_180 = tpu.memref_slice %arg13[%dma_wait3A_178, %dma_wait3A_179] : memref<10016x96xf32, #tpu.memory_space<vmem_shared>> -> memref<10016x96xf32, #tpu.memory_space<vmem_shared>>
    tpu.wait_indirect_dma semaphore(%arg18 : memref<!tpu.dma_semaphore, #tpu.memory_space<semaphore_mem>>) src(%arg9 : memref<128x96xf32, #tpu.memory_space<vmem>>) dst(%dma_wait3A_180 : memref<10016x96xf32, #tpu.memory_space<vmem_shared>>)
    %dma_wait3A_181 = arith.constant 78 : i32
    %dma_wait3A_182 = arith.constant 0 : i32
    %dma_wait3A_183 = tpu.memref_slice %arg7[%dma_wait3A_181, %dma_wait3A_182] : memref<80x128xi32, #tpu.memory_space<vmem>> -> memref<1x128xi32, #tpu.memory_space<vmem>>
    %dma_wait3A_184 = tpu.memref_squeeze %dma_wait3A_183 : memref<1x128xi32, #tpu.memory_space<vmem>> -> memref<128xi32, #tpu.memory_space<vmem>>
    %dma_wait3A_185 = arith.constant 0 : i32
    %dma_wait3A_186 = arith.constant 0 : i32
    %dma_wait3A_187 = tpu.memref_slice %arg2[%dma_wait3A_185, %dma_wait3A_186] : memref<10000x96xf32, #tpu.memory_space<hbm>> -> memref<10000x96xf32, #tpu.memory_space<hbm>>
    tpu.wait_indirect_dma semaphore(%arg16 : memref<!tpu.dma_semaphore, #tpu.memory_space<semaphore_mem>>) src(%dma_wait3A_187 : memref<10000x96xf32, #tpu.memory_space<hbm>>) dst(%arg11 : memref<128x96xf32, #tpu.memory_space<vmem>>)
    %dma_start3A_188 = arith.constant 78 : i32
    %dma_start3A_189 = arith.constant 0 : i32
    %dma_start3A_190 = tpu.memref_slice %arg8[%dma_start3A_188, %dma_start3A_189] : memref<80x128xi32, #tpu.memory_space<vmem>> -> memref<1x128xi32, #tpu.memory_space<vmem>>
    %dma_start3A_191 = tpu.memref_squeeze %dma_start3A_190 : memref<1x128xi32, #tpu.memory_space<vmem>> -> memref<128xi32, #tpu.memory_space<vmem>>
    %dma_start3A_192 = arith.constant 0 : i32
    %dma_start3A_193 = arith.constant 0 : i32
    %dma_start3A_194 = tpu.memref_slice %arg13[%dma_start3A_192, %dma_start3A_193] : memref<10016x96xf32, #tpu.memory_space<vmem_shared>> -> memref<10016x96xf32, #tpu.memory_space<vmem_shared>>
    tpu.enqueue_indirect_dma source(%arg11 : memref<128x96xf32, #tpu.memory_space<vmem>>) target(%dma_start3A_194 : memref<10016x96xf32, #tpu.memory_space<vmem_shared>>) offsets(%dma_start3A_191 : memref<128xi32, #tpu.memory_space<vmem>>) semaphore(%arg20 : memref<!tpu.dma_semaphore, #tpu.memory_space<semaphore_mem>>) {add = true}
    %dma_wait3A_195 = arith.constant 77 : i32
    %dma_wait3A_196 = arith.constant 0 : i32
    %dma_wait3A_197 = tpu.memref_slice %arg8[%dma_wait3A_195, %dma_wait3A_196] : memref<80x128xi32, #tpu.memory_space<vmem>> -> memref<1x128xi32, #tpu.memory_space<vmem>>
    %dma_wait3A_198 = tpu.memref_squeeze %dma_wait3A_197 : memref<1x128xi32, #tpu.memory_space<vmem>> -> memref<128xi32, #tpu.memory_space<vmem>>
    %dma_wait3A_199 = arith.constant 0 : i32
    %dma_wait3A_200 = arith.constant 0 : i32
    %dma_wait3A_201 = tpu.memref_slice %arg13[%dma_wait3A_199, %dma_wait3A_200] : memref<10016x96xf32, #tpu.memory_space<vmem_shared>> -> memref<10016x96xf32, #tpu.memory_space<vmem_shared>>
    tpu.wait_indirect_dma semaphore(%arg19 : memref<!tpu.dma_semaphore, #tpu.memory_space<semaphore_mem>>) src(%arg10 : memref<128x96xf32, #tpu.memory_space<vmem>>) dst(%dma_wait3A_201 : memref<10016x96xf32, #tpu.memory_space<vmem_shared>>)
    %dma_wait3A_202 = arith.constant 79 : i32
    %dma_wait3A_203 = arith.constant 0 : i32
    %dma_wait3A_204 = tpu.memref_slice %arg7[%dma_wait3A_202, %dma_wait3A_203] : memref<80x128xi32, #tpu.memory_space<vmem>> -> memref<1x128xi32, #tpu.memory_space<vmem>>
    %dma_wait3A_205 = tpu.memref_squeeze %dma_wait3A_204 : memref<1x128xi32, #tpu.memory_space<vmem>> -> memref<128xi32, #tpu.memory_space<vmem>>
    %dma_wait3A_206 = arith.constant 0 : i32
    %dma_wait3A_207 = arith.constant 0 : i32
    %dma_wait3A_208 = tpu.memref_slice %arg2[%dma_wait3A_206, %dma_wait3A_207] : memref<10000x96xf32, #tpu.memory_space<hbm>> -> memref<10000x96xf32, #tpu.memory_space<hbm>>
    tpu.wait_indirect_dma semaphore(%arg17 : memref<!tpu.dma_semaphore, #tpu.memory_space<semaphore_mem>>) src(%dma_wait3A_208 : memref<10000x96xf32, #tpu.memory_space<hbm>>) dst(%arg12 : memref<128x96xf32, #tpu.memory_space<vmem>>)
    %dma_start3A_209 = arith.constant 79 : i32
    %dma_start3A_210 = arith.constant 0 : i32
    %dma_start3A_211 = tpu.memref_slice %arg8[%dma_start3A_209, %dma_start3A_210] : memref<80x128xi32, #tpu.memory_space<vmem>> -> memref<1x128xi32, #tpu.memory_space<vmem>>
    %dma_start3A_212 = tpu.memref_squeeze %dma_start3A_211 : memref<1x128xi32, #tpu.memory_space<vmem>> -> memref<128xi32, #tpu.memory_space<vmem>>
    %dma_start3A_213 = arith.constant 0 : i32
    %dma_start3A_214 = arith.constant 0 : i32
    %dma_start3A_215 = tpu.memref_slice %arg13[%dma_start3A_213, %dma_start3A_214] : memref<10016x96xf32, #tpu.memory_space<vmem_shared>> -> memref<10016x96xf32, #tpu.memory_space<vmem_shared>>
    tpu.enqueue_indirect_dma source(%arg12 : memref<128x96xf32, #tpu.memory_space<vmem>>) target(%dma_start3A_215 : memref<10016x96xf32, #tpu.memory_space<vmem_shared>>) offsets(%dma_start3A_212 : memref<128xi32, #tpu.memory_space<vmem>>) semaphore(%arg21 : memref<!tpu.dma_semaphore, #tpu.memory_space<semaphore_mem>>) {add = true}
    %dma_wait3A_216 = arith.constant 78 : i32
    %dma_wait3A_217 = arith.constant 0 : i32
    %dma_wait3A_218 = tpu.memref_slice %arg8[%dma_wait3A_216, %dma_wait3A_217] : memref<80x128xi32, #tpu.memory_space<vmem>> -> memref<1x128xi32, #tpu.memory_space<vmem>>
    %dma_wait3A_219 = tpu.memref_squeeze %dma_wait3A_218 : memref<1x128xi32, #tpu.memory_space<vmem>> -> memref<128xi32, #tpu.memory_space<vmem>>
    %dma_wait3A_220 = arith.constant 0 : i32
    %dma_wait3A_221 = arith.constant 0 : i32
    %dma_wait3A_222 = tpu.memref_slice %arg13[%dma_wait3A_220, %dma_wait3A_221] : memref<10016x96xf32, #tpu.memory_space<vmem_shared>> -> memref<10016x96xf32, #tpu.memory_space<vmem_shared>>
    tpu.wait_indirect_dma semaphore(%arg20 : memref<!tpu.dma_semaphore, #tpu.memory_space<semaphore_mem>>) src(%arg11 : memref<128x96xf32, #tpu.memory_space<vmem>>) dst(%dma_wait3A_222 : memref<10016x96xf32, #tpu.memory_space<vmem_shared>>)
    %dma_wait3A_223 = arith.constant 79 : i32
    %dma_wait3A_224 = arith.constant 0 : i32
    %dma_wait3A_225 = tpu.memref_slice %arg8[%dma_wait3A_223, %dma_wait3A_224] : memref<80x128xi32, #tpu.memory_space<vmem>> -> memref<1x128xi32, #tpu.memory_space<vmem>>
    %dma_wait3A_226 = tpu.memref_squeeze %dma_wait3A_225 : memref<1x128xi32, #tpu.memory_space<vmem>> -> memref<128xi32, #tpu.memory_space<vmem>>
    %dma_wait3A_227 = arith.constant 0 : i32
    %dma_wait3A_228 = arith.constant 0 : i32
    %dma_wait3A_229 = tpu.memref_slice %arg13[%dma_wait3A_227, %dma_wait3A_228] : memref<10016x96xf32, #tpu.memory_space<vmem_shared>> -> memref<10016x96xf32, #tpu.memory_space<vmem_shared>>
    tpu.wait_indirect_dma semaphore(%arg21 : memref<!tpu.dma_semaphore, #tpu.memory_space<semaphore_mem>>) src(%arg12 : memref<128x96xf32, #tpu.memory_space<vmem>>) dst(%dma_wait3A_229 : memref<10016x96xf32, #tpu.memory_space<vmem_shared>>)
    %barrier3A_230 = arith.constant 0 : index
    tpu.barrier barrier_id(%barrier3A_230)
    %mul3A_231 = arith.constant 626 : i32
    %mul3A_232 = arith.muli %arg1, %mul3A_231 : i32
    %mul3A_233 = arith.constant 626 : i32
    %mul3A_234 = arith.muli %arg1, %mul3A_233 : i32
    "tpu.region"() ({
      %run_scoped3A = tpu.sem_alloc : memref<!tpu.dma_semaphore, #tpu.memory_space<semaphore_mem>>
      %dma_start3A_235 = arith.constant 0 : i32
      %dma_start3A_236 = tpu.memref_slice %arg6[%arg0, %mul3A_234, %dma_start3A_235] : memref<2x10016x96xf32, #tpu.memory_space<hbm>> -> memref<1x626x96xf32, #tpu.memory_space<hbm>>
      %dma_start3A_237 = tpu.memref_squeeze %dma_start3A_236 : memref<1x626x96xf32, #tpu.memory_space<hbm>> -> memref<626x96xf32, #tpu.memory_space<hbm>>
      %dma_start3A_238 = arith.constant 0 : i32
      %dma_start3A_239 = tpu.memref_slice %arg13[%mul3A_232, %dma_start3A_238] : memref<10016x96xf32, #tpu.memory_space<vmem_shared>> -> memref<626x96xf32, #tpu.memory_space<vmem_shared>>
      tpu.enqueue_dma source(%dma_start3A_239 : memref<626x96xf32, #tpu.memory_space<vmem_shared>>) target(%dma_start3A_237 : memref<626x96xf32, #tpu.memory_space<hbm>>) target_semaphore(%run_scoped3A : memref<!tpu.dma_semaphore, #tpu.memory_space<semaphore_mem>>)
      %dma_wait3A_240 = arith.constant 0 : i32
      %dma_wait3A_241 = tpu.memref_slice %arg6[%arg0, %mul3A_234, %dma_wait3A_240] : memref<2x10016x96xf32, #tpu.memory_space<hbm>> -> memref<1x626x96xf32, #tpu.memory_space<hbm>>
      %dma_wait3A_242 = tpu.memref_squeeze %dma_wait3A_241 : memref<1x626x96xf32, #tpu.memory_space<hbm>> -> memref<626x96xf32, #tpu.memory_space<hbm>>
      %dma_wait3A_243 = arith.constant 0 : i32
      %dma_wait3A_244 = tpu.memref_slice %arg13[%mul3A_232, %dma_wait3A_243] : memref<10016x96xf32, #tpu.memory_space<vmem_shared>> -> memref<626x96xf32, #tpu.memory_space<vmem_shared>>
      tpu.wait_dma2 semaphore(%run_scoped3A : memref<!tpu.dma_semaphore, #tpu.memory_space<semaphore_mem>>) src(%dma_wait3A_244 : memref<626x96xf32, #tpu.memory_space<vmem_shared>>) dst(%dma_wait3A_242 : memref<626x96xf32, #tpu.memory_space<hbm>>)
      tpu.yield
    }) : () -> ()
    return
  }
}

#map = affine_map<(d0, d1) -> (0, 0, 0)>
#map1 = affine_map<(d0, d1) -> (0)>
#map2 = affine_map<(d0, d1) -> (0, 0)>
module attributes {stable_mosaic.version = 14 : i64} {
  func.func @k(%arg0: i32, %arg1: i32, %arg2: memref<32x80x128xi32, #tpu.memory_space<hbm>>, %arg3: memref<128xf32, #tpu.memory_space<hbm>>, %arg4: memref<640xf32, #tpu.memory_space<hbm>>, %arg5: memref<2x10240xf32, #tpu.memory_space<hbm>>, %arg6: memref<80x128xi32, #tpu.memory_space<vmem>>, %arg7: memref<128xf32, #tpu.memory_space<vmem>>, %arg8: memref<640xf32, #tpu.memory_space<vmem>>, %arg9: memref<10240xf32, #tpu.memory_space<vmem_shared>>) attributes {dimension_semantics = [#tpu.dimension_semantics<core_parallel>, #tpu.dimension_semantics<subcore_parallel>], iteration_bounds = array<i64: 2, 16>, scalar_prefetch = 0 : i64, scratch_operands = 4 : i64, tpu.core_type = #tpu.core_type<sc_vector_subcore>, window_params = [{transform_indices = #map}, {transform_indices = #map1}, {transform_indices = #map1}, {transform_indices = #map2}]} {
    %mul3A = arith.constant 2 : i32
    %mul3A_0 = arith.muli %arg1, %mul3A : i32
    %add3A = arith.addi %mul3A_0, %arg0 : i32
    "tpu.region"() ({
      %run_scoped3A = tpu.sem_alloc : memref<!tpu.dma_semaphore, #tpu.memory_space<semaphore_mem>>
      tpu.enqueue_dma source(%arg3 : memref<128xf32, #tpu.memory_space<hbm>>) target(%arg7 : memref<128xf32, #tpu.memory_space<vmem>>) target_semaphore(%run_scoped3A : memref<!tpu.dma_semaphore, #tpu.memory_space<semaphore_mem>>)
      tpu.wait_dma2 semaphore(%run_scoped3A : memref<!tpu.dma_semaphore, #tpu.memory_space<semaphore_mem>>) src(%arg3 : memref<128xf32, #tpu.memory_space<hbm>>) dst(%arg7 : memref<128xf32, #tpu.memory_space<vmem>>)
      tpu.yield
    }) : () -> ()
    "tpu.region"() ({
      %run_scoped3A = tpu.sem_alloc : memref<!tpu.dma_semaphore, #tpu.memory_space<semaphore_mem>>
      tpu.enqueue_dma source(%arg4 : memref<640xf32, #tpu.memory_space<hbm>>) target(%arg8 : memref<640xf32, #tpu.memory_space<vmem>>) target_semaphore(%run_scoped3A : memref<!tpu.dma_semaphore, #tpu.memory_space<semaphore_mem>>)
      tpu.wait_dma2 semaphore(%run_scoped3A : memref<!tpu.dma_semaphore, #tpu.memory_space<semaphore_mem>>) src(%arg4 : memref<640xf32, #tpu.memory_space<hbm>>) dst(%arg8 : memref<640xf32, #tpu.memory_space<vmem>>)
      tpu.yield
    }) : () -> ()
    %mul3A_1 = arith.constant 640 : i32
    %mul3A_2 = arith.muli %arg1, %mul3A_1 : i32
    "tpu.region"() ({
      %run_scoped3A = tpu.sem_alloc : memref<!tpu.dma_semaphore, #tpu.memory_space<semaphore_mem>>
      %dma_start3A = tpu.memref_slice %arg9[%mul3A_2] : memref<10240xf32, #tpu.memory_space<vmem_shared>> -> memref<640xf32, #tpu.memory_space<vmem_shared>>
      %dma_start3A_13 = tpu.memref_slice %arg9[%mul3A_2] : memref<10240xf32, #tpu.memory_space<vmem_shared>> -> memref<640xf32, #tpu.memory_space<vmem_shared>>
      tpu.enqueue_dma source(%arg8 : memref<640xf32, #tpu.memory_space<vmem>>) target(%dma_start3A_13 : memref<640xf32, #tpu.memory_space<vmem_shared>>) target_semaphore(%run_scoped3A : memref<!tpu.dma_semaphore, #tpu.memory_space<semaphore_mem>>)
      %dma_wait3A = tpu.memref_slice %arg9[%mul3A_2] : memref<10240xf32, #tpu.memory_space<vmem_shared>> -> memref<640xf32, #tpu.memory_space<vmem_shared>>
      %dma_wait3A_14 = tpu.memref_slice %arg9[%mul3A_2] : memref<10240xf32, #tpu.memory_space<vmem_shared>> -> memref<640xf32, #tpu.memory_space<vmem_shared>>
      tpu.wait_dma2 semaphore(%run_scoped3A : memref<!tpu.dma_semaphore, #tpu.memory_space<semaphore_mem>>) src(%arg8 : memref<640xf32, #tpu.memory_space<vmem>>) dst(%dma_wait3A_14 : memref<640xf32, #tpu.memory_space<vmem_shared>>)
      tpu.yield
    }) : () -> ()
    "tpu.region"() ({
      %run_scoped3A = tpu.sem_alloc : memref<!tpu.dma_semaphore, #tpu.memory_space<semaphore_mem>>
      %dma_start3A = arith.constant 0 : i32
      %dma_start3A_13 = arith.constant 0 : i32
      %dma_start3A_14 = tpu.memref_slice %arg2[%add3A, %dma_start3A, %dma_start3A_13] : memref<32x80x128xi32, #tpu.memory_space<hbm>> -> memref<1x80x128xi32, #tpu.memory_space<hbm>>
      %dma_start3A_15 = tpu.memref_squeeze %dma_start3A_14 : memref<1x80x128xi32, #tpu.memory_space<hbm>> -> memref<80x128xi32, #tpu.memory_space<hbm>>
      %dma_start3A_16 = arith.constant 0 : i32
      %dma_start3A_17 = arith.constant 0 : i32
      %dma_start3A_18 = tpu.memref_slice %arg2[%add3A, %dma_start3A_16, %dma_start3A_17] : memref<32x80x128xi32, #tpu.memory_space<hbm>> -> memref<1x80x128xi32, #tpu.memory_space<hbm>>
      %dma_start3A_19 = tpu.memref_squeeze %dma_start3A_18 : memref<1x80x128xi32, #tpu.memory_space<hbm>> -> memref<80x128xi32, #tpu.memory_space<hbm>>
      tpu.enqueue_dma source(%dma_start3A_19 : memref<80x128xi32, #tpu.memory_space<hbm>>) target(%arg6 : memref<80x128xi32, #tpu.memory_space<vmem>>) target_semaphore(%run_scoped3A : memref<!tpu.dma_semaphore, #tpu.memory_space<semaphore_mem>>)
      %dma_wait3A = arith.constant 0 : i32
      %dma_wait3A_20 = arith.constant 0 : i32
      %dma_wait3A_21 = tpu.memref_slice %arg2[%add3A, %dma_wait3A, %dma_wait3A_20] : memref<32x80x128xi32, #tpu.memory_space<hbm>> -> memref<1x80x128xi32, #tpu.memory_space<hbm>>
      %dma_wait3A_22 = tpu.memref_squeeze %dma_wait3A_21 : memref<1x80x128xi32, #tpu.memory_space<hbm>> -> memref<80x128xi32, #tpu.memory_space<hbm>>
      %dma_wait3A_23 = arith.constant 0 : i32
      %dma_wait3A_24 = arith.constant 0 : i32
      %dma_wait3A_25 = tpu.memref_slice %arg2[%add3A, %dma_wait3A_23, %dma_wait3A_24] : memref<32x80x128xi32, #tpu.memory_space<hbm>> -> memref<1x80x128xi32, #tpu.memory_space<hbm>>
      %dma_wait3A_26 = tpu.memref_squeeze %dma_wait3A_25 : memref<1x80x128xi32, #tpu.memory_space<hbm>> -> memref<80x128xi32, #tpu.memory_space<hbm>>
      tpu.wait_dma2 semaphore(%run_scoped3A : memref<!tpu.dma_semaphore, #tpu.memory_space<semaphore_mem>>) src(%dma_wait3A_26 : memref<80x128xi32, #tpu.memory_space<hbm>>) dst(%arg6 : memref<80x128xi32, #tpu.memory_space<vmem>>)
      tpu.yield
    }) : () -> ()
    %barrier3A = arith.constant 0 : index
    tpu.barrier barrier_id(%barrier3A)
    %scan3A = arith.constant 0 : i32
    %scan3A_3 = arith.constant 0 : i32
    %scan3A_4 = arith.constant 80 : i32
    %scan3A_5 = arith.addi %scan3A_3, %scan3A_4 : i32
    %scan3A_6 = arith.constant 1 : i32
    scf.for %scan3A_13 = %scan3A_3 to %scan3A_5 step %scan3A_6  : i32 {
      "tpu.region"() ({
        %run_scoped3A = tpu.sem_alloc : memref<!tpu.dma_semaphore, #tpu.memory_space<semaphore_mem>>
        %dma_start3A = arith.constant 0 : i32
        %dma_start3A_14 = tpu.memref_slice %arg6[%scan3A_13, %dma_start3A] : memref<80x128xi32, #tpu.memory_space<vmem>> -> memref<1x128xi32, #tpu.memory_space<vmem>>
        %dma_start3A_15 = tpu.memref_squeeze %dma_start3A_14 : memref<1x128xi32, #tpu.memory_space<vmem>> -> memref<128xi32, #tpu.memory_space<vmem>>
        %dma_start3A_16 = arith.constant 0 : i32
        %dma_start3A_17 = tpu.memref_slice %arg9[%dma_start3A_16] : memref<10240xf32, #tpu.memory_space<vmem_shared>> -> memref<10240xf32, #tpu.memory_space<vmem_shared>>
        tpu.enqueue_indirect_dma source(%arg7 : memref<128xf32, #tpu.memory_space<vmem>>) target(%dma_start3A_17 : memref<10240xf32, #tpu.memory_space<vmem_shared>>) offsets(%dma_start3A_15 : memref<128xi32, #tpu.memory_space<vmem>>) semaphore(%run_scoped3A : memref<!tpu.dma_semaphore, #tpu.memory_space<semaphore_mem>>) {add = true}
        %dma_wait3A = arith.constant 0 : i32
        %dma_wait3A_18 = tpu.memref_slice %arg6[%scan3A_13, %dma_wait3A] : memref<80x128xi32, #tpu.memory_space<vmem>> -> memref<1x128xi32, #tpu.memory_space<vmem>>
        %dma_wait3A_19 = tpu.memref_squeeze %dma_wait3A_18 : memref<1x128xi32, #tpu.memory_space<vmem>> -> memref<128xi32, #tpu.memory_space<vmem>>
        %dma_wait3A_20 = arith.constant 0 : i32
        %dma_wait3A_21 = tpu.memref_slice %arg9[%dma_wait3A_20] : memref<10240xf32, #tpu.memory_space<vmem_shared>> -> memref<10240xf32, #tpu.memory_space<vmem_shared>>
        tpu.wait_indirect_dma semaphore(%run_scoped3A : memref<!tpu.dma_semaphore, #tpu.memory_space<semaphore_mem>>) src(%arg7 : memref<128xf32, #tpu.memory_space<vmem>>) dst(%dma_wait3A_21 : memref<10240xf32, #tpu.memory_space<vmem_shared>>)
        tpu.yield
      }) : () -> ()
    }
    %scan3A_7 = arith.constant 80 : i32
    %barrier3A_8 = arith.constant 0 : index
    tpu.barrier barrier_id(%barrier3A_8)
    %mul3A_9 = arith.constant 640 : i32
    %mul3A_10 = arith.muli %arg1, %mul3A_9 : i32
    "tpu.region"() ({
      %run_scoped3A = tpu.sem_alloc : memref<!tpu.dma_semaphore, #tpu.memory_space<semaphore_mem>>
      %dma_start3A = tpu.memref_slice %arg9[%mul3A_10] : memref<10240xf32, #tpu.memory_space<vmem_shared>> -> memref<640xf32, #tpu.memory_space<vmem_shared>>
      %dma_start3A_13 = tpu.memref_slice %arg9[%mul3A_10] : memref<10240xf32, #tpu.memory_space<vmem_shared>> -> memref<640xf32, #tpu.memory_space<vmem_shared>>
      tpu.enqueue_dma source(%dma_start3A_13 : memref<640xf32, #tpu.memory_space<vmem_shared>>) target(%arg8 : memref<640xf32, #tpu.memory_space<vmem>>) target_semaphore(%run_scoped3A : memref<!tpu.dma_semaphore, #tpu.memory_space<semaphore_mem>>)
      %dma_wait3A = tpu.memref_slice %arg9[%mul3A_10] : memref<10240xf32, #tpu.memory_space<vmem_shared>> -> memref<640xf32, #tpu.memory_space<vmem_shared>>
      %dma_wait3A_14 = tpu.memref_slice %arg9[%mul3A_10] : memref<10240xf32, #tpu.memory_space<vmem_shared>> -> memref<640xf32, #tpu.memory_space<vmem_shared>>
      tpu.wait_dma2 semaphore(%run_scoped3A : memref<!tpu.dma_semaphore, #tpu.memory_space<semaphore_mem>>) src(%dma_wait3A_14 : memref<640xf32, #tpu.memory_space<vmem_shared>>) dst(%arg8 : memref<640xf32, #tpu.memory_space<vmem>>)
      tpu.yield
    }) : () -> ()
    %mul3A_11 = arith.constant 640 : i32
    %mul3A_12 = arith.muli %arg1, %mul3A_11 : i32
    "tpu.region"() ({
      %run_scoped3A = tpu.sem_alloc : memref<!tpu.dma_semaphore, #tpu.memory_space<semaphore_mem>>
      %dma_start3A = tpu.memref_slice %arg5[%arg0, %mul3A_12] : memref<2x10240xf32, #tpu.memory_space<hbm>> -> memref<1x640xf32, #tpu.memory_space<hbm>>
      %dma_start3A_13 = tpu.memref_squeeze %dma_start3A : memref<1x640xf32, #tpu.memory_space<hbm>> -> memref<640xf32, #tpu.memory_space<hbm>>
      %dma_start3A_14 = tpu.memref_slice %arg5[%arg0, %mul3A_12] : memref<2x10240xf32, #tpu.memory_space<hbm>> -> memref<1x640xf32, #tpu.memory_space<hbm>>
      %dma_start3A_15 = tpu.memref_squeeze %dma_start3A_14 : memref<1x640xf32, #tpu.memory_space<hbm>> -> memref<640xf32, #tpu.memory_space<hbm>>
      tpu.enqueue_dma source(%arg8 : memref<640xf32, #tpu.memory_space<vmem>>) target(%dma_start3A_15 : memref<640xf32, #tpu.memory_space<hbm>>) target_semaphore(%run_scoped3A : memref<!tpu.dma_semaphore, #tpu.memory_space<semaphore_mem>>)
      %dma_wait3A = tpu.memref_slice %arg5[%arg0, %mul3A_12] : memref<2x10240xf32, #tpu.memory_space<hbm>> -> memref<1x640xf32, #tpu.memory_space<hbm>>
      %dma_wait3A_16 = tpu.memref_squeeze %dma_wait3A : memref<1x640xf32, #tpu.memory_space<hbm>> -> memref<640xf32, #tpu.memory_space<hbm>>
      %dma_wait3A_17 = tpu.memref_slice %arg5[%arg0, %mul3A_12] : memref<2x10240xf32, #tpu.memory_space<hbm>> -> memref<1x640xf32, #tpu.memory_space<hbm>>
      %dma_wait3A_18 = tpu.memref_squeeze %dma_wait3A_17 : memref<1x640xf32, #tpu.memory_space<hbm>> -> memref<640xf32, #tpu.memory_space<hbm>>
      tpu.wait_dma2 semaphore(%run_scoped3A : memref<!tpu.dma_semaphore, #tpu.memory_space<semaphore_mem>>) src(%arg8 : memref<640xf32, #tpu.memory_space<vmem>>) dst(%dma_wait3A_18 : memref<640xf32, #tpu.memory_space<hbm>>)
      tpu.yield
    }) : () -> ()
    return
  }
}

module attributes {stable_mosaic.version = 14 : i64} {
  func.func @body(%arg0: memref<10000x128xf32, #tpu.memory_space<vmem>>, %arg1: memref<128xf32, #tpu.memory_space<vmem>>, %arg2: memref<128xf32, #tpu.memory_space<vmem>>, %arg3: memref<96x128xf32, #tpu.memory_space<vmem>>, %arg4: memref<10000x96xf32, #tpu.memory_space<vmem>>) attributes {dimension_semantics = [], scalar_prefetch = 0 : i64, scratch_operands = 0 : i64, tpu.core_type = #tpu.core_type<tc>} {
    %get3A = arith.constant 0 : index
    %get3A_0 = arith.constant 0 : index
    %get3A_1 = vector.load %arg0[%get3A, %get3A_0] : memref<10000x128xf32, #tpu.memory_space<vmem>>, vector<10000x128xf32>
    %reduce_sum3A = arith.constant dense<0.000000e+00> : vector<128xf32>
    %reduce_sum3A_2 = vector.multi_reduction <add>, %get3A_1, %reduce_sum3A [0] : vector<10000x128xf32> to vector<128xf32>
    %broadcast_in_dim3A = vector.shape_cast %reduce_sum3A_2 : vector<128xf32> to vector<1x128xf32>
    %div3A = arith.constant 1.000000e+04 : f32
    %div3A_3 = vector.broadcast %div3A : f32 to vector<1x128xf32>
    %div3A_4 = arith.divf %broadcast_in_dim3A, %div3A_3 : vector<1x128xf32>
    %sub3A = vector.broadcast %div3A_4 : vector<1x128xf32> to vector<10000x128xf32>
    %sub3A_5 = arith.subf %get3A_1, %sub3A : vector<10000x128xf32>
    %mul3A = arith.mulf %sub3A_5, %sub3A_5 : vector<10000x128xf32>
    %reduce_sum3A_6 = arith.constant dense<0.000000e+00> : vector<128xf32>
    %reduce_sum3A_7 = vector.multi_reduction <add>, %mul3A, %reduce_sum3A_6 [0] : vector<10000x128xf32> to vector<128xf32>
    %broadcast_in_dim3A_8 = vector.shape_cast %reduce_sum3A_7 : vector<128xf32> to vector<1x128xf32>
    %div3A_9 = arith.constant 1.000000e+04 : f32
    %div3A_10 = vector.broadcast %div3A_9 : f32 to vector<1x128xf32>
    %div3A_11 = arith.divf %broadcast_in_dim3A_8, %div3A_10 : vector<1x128xf32>
    %add3A = arith.constant 9.99999974E-6 : f32
    %add3A_12 = vector.broadcast %add3A : f32 to vector<1x128xf32>
    %add3A_13 = arith.addf %div3A_11, %add3A_12 : vector<1x128xf32>
    %rsqrt3A = math.rsqrt %add3A_13 : vector<1x128xf32>
    %mul3A_14 = vector.broadcast %rsqrt3A : vector<1x128xf32> to vector<10000x128xf32>
    %mul3A_15 = arith.mulf %sub3A_5, %mul3A_14 : vector<10000x128xf32>
    %get3A_16 = arith.constant 0 : index
    %get3A_17 = vector.load %arg1[%get3A_16] : memref<128xf32, #tpu.memory_space<vmem>>, vector<128xf32>
    %broadcast_in_dim3A_18 = vector.shape_cast %get3A_17 : vector<128xf32> to vector<1x128xf32>
    %mul3A_19 = vector.broadcast %broadcast_in_dim3A_18 : vector<1x128xf32> to vector<10000x128xf32>
    %mul3A_20 = arith.mulf %mul3A_15, %mul3A_19 : vector<10000x128xf32>
    %get3A_21 = arith.constant 0 : index
    %get3A_22 = vector.load %arg2[%get3A_21] : memref<128xf32, #tpu.memory_space<vmem>>, vector<128xf32>
    %broadcast_in_dim3A_23 = vector.shape_cast %get3A_22 : vector<128xf32> to vector<1x128xf32>
    %add3A_24 = vector.broadcast %broadcast_in_dim3A_23 : vector<1x128xf32> to vector<10000x128xf32>
    %add3A_25 = arith.addf %mul3A_20, %add3A_24 : vector<10000x128xf32>
    %get3A_26 = arith.constant 0 : index
    %get3A_27 = arith.constant 0 : index
    %get3A_28 = vector.load %arg3[%get3A_26, %get3A_27] : memref<96x128xf32, #tpu.memory_space<vmem>>, vector<96x128xf32>
    %transpose3A = tpu.transpose %get3A_28, [1, 0] : vector<96x128xf32> -> vector<128x96xf32>
    %dot_general3A = arith.constant dense<0.000000e+00> : vector<10000x96xf32>
    %dot_general3A_29 = tpu.matmul %add3A_25, %transpose3A, %dot_general3A {dimension_numbers = #tpu.dot_dimension_numbers<[1], [0], [0], [1], [0, 0, 1, 1], [], []>, transpose_lhs_hint = false} : vector<10000x128xf32>, vector<128x96xf32>, vector<10000x96xf32> -> vector<10000x96xf32>
    %swap3A = arith.constant 0 : index
    %swap3A_30 = arith.constant 0 : index
    %swap3A_31 = vector.load %arg4[%swap3A, %swap3A_30] : memref<10000x96xf32, #tpu.memory_space<vmem>>, vector<10000x96xf32>
    tpu.vector_store %arg4[%swap3A, %swap3A_30], %dot_general3A_29 {strides = array<i32>} : memref<10000x96xf32, #tpu.memory_space<vmem>>, vector<10000x96xf32>,
    return
  }
}

module attributes {stable_mosaic.version = 14 : i64} {
  func.func @body(%arg0: memref<10000x96xf32, #tpu.memory_space<vmem>>, %arg1: memref<10000x2xf32, #tpu.memory_space<vmem>>, %arg2: memref<10000x96xf32, #tpu.memory_space<vmem>>, %arg3: memref<10000x1xf32, #tpu.memory_space<vmem>>) attributes {dimension_semantics = [], scalar_prefetch = 0 : i64, scratch_operands = 0 : i64, tpu.core_type = #tpu.core_type<tc>} {
    %get3A = arith.constant 0 : index
    %get3A_0 = arith.constant 0 : index
    %get3A_1 = vector.load %arg1[%get3A, %get3A_0] : memref<10000x2xf32, #tpu.memory_space<vmem>>, vector<10000x1xf32>
    %get3A_2 = arith.constant 0 : index
    %get3A_3 = arith.constant 1 : index
    %get3A_4 = vector.load %arg1[%get3A_2, %get3A_3] : memref<10000x2xf32, #tpu.memory_space<vmem>>, vector<10000x1xf32>
    %add3A = arith.addf %get3A_1, %get3A_4 : vector<10000x1xf32>
    %add3A_5 = arith.constant 1.000000e+00 : f32
    %add3A_6 = vector.broadcast %add3A_5 : f32 to vector<10000x1xf32>
    %add3A_7 = arith.addf %add3A, %add3A_6 : vector<10000x1xf32>
    %rsqrt3A = math.rsqrt %add3A_7 : vector<10000x1xf32>
    %get3A_8 = arith.constant 0 : index
    %get3A_9 = arith.constant 0 : index
    %get3A_10 = vector.load %arg0[%get3A_8, %get3A_9] : memref<10000x96xf32, #tpu.memory_space<vmem>>, vector<10000x96xf32>
    %mul3A = vector.broadcast %rsqrt3A : vector<10000x1xf32> to vector<10000x96xf32>
    %mul3A_11 = arith.mulf %get3A_10, %mul3A : vector<10000x96xf32>
    %swap3A = arith.constant 0 : index
    %swap3A_12 = arith.constant 0 : index
    %swap3A_13 = vector.load %arg2[%swap3A, %swap3A_12] : memref<10000x96xf32, #tpu.memory_space<vmem>>, vector<10000x96xf32>
    tpu.vector_store %arg2[%swap3A, %swap3A_12], %mul3A_11 {strides = array<i32>} : memref<10000x96xf32, #tpu.memory_space<vmem>>, vector<10000x96xf32>,
    %swap3A_14 = arith.constant 0 : index
    %swap3A_15 = arith.constant 0 : index
    %swap3A_16 = vector.load %arg3[%swap3A_14, %swap3A_15] : memref<10000x1xf32, #tpu.memory_space<vmem>>, vector<10000x1xf32>
    tpu.vector_store %arg3[%swap3A_14, %swap3A_15], %rsqrt3A {strides = array<i32>} : memref<10000x1xf32, #tpu.memory_space<vmem>>, vector<10000x1xf32>,
    return
  }
}

module attributes {stable_mosaic.version = 14 : i64} {
  func.func @body(%arg0: memref<2x10016x96xf32, #tpu.memory_space<vmem>>, %arg1: memref<10000x96xf32, #tpu.memory_space<vmem>>, %arg2: memref<10000x1xf32, #tpu.memory_space<vmem>>, %arg3: memref<96xf32, #tpu.memory_space<vmem>>, %arg4: memref<96xf32, #tpu.memory_space<vmem>>, %arg5: memref<96xf32, #tpu.memory_space<vmem>>, %arg6: memref<64x96xf32, #tpu.memory_space<vmem>>, %arg7: memref<10000x64xf32, #tpu.memory_space<vmem>>) attributes {dimension_semantics = [], scalar_prefetch = 0 : i64, scratch_operands = 0 : i64, tpu.core_type = #tpu.core_type<tc>} {
    %get3A = arith.constant 0 : index
    %get3A_0 = arith.constant 0 : index
    %get3A_1 = vector.load %arg2[%get3A, %get3A_0] : memref<10000x1xf32, #tpu.memory_space<vmem>>, vector<10000x1xf32>
    %get3A_2 = arith.constant 0 : index
    %get3A_3 = arith.constant 0 : index
    %get3A_4 = arith.constant 0 : index
    %get3A_5 = vector.load %arg0[%get3A_2, %get3A_3, %get3A_4] : memref<2x10016x96xf32, #tpu.memory_space<vmem>>, vector<1x10000x96xf32>
    %get3A_6 = vector.shape_cast %get3A_5 : vector<1x10000x96xf32> to vector<10000x96xf32>
    %get3A_7 = arith.constant 1 : index
    %get3A_8 = arith.constant 0 : index
    %get3A_9 = arith.constant 0 : index
    %get3A_10 = vector.load %arg0[%get3A_7, %get3A_8, %get3A_9] : memref<2x10016x96xf32, #tpu.memory_space<vmem>>, vector<1x10000x96xf32>
    %get3A_11 = vector.shape_cast %get3A_10 : vector<1x10000x96xf32> to vector<10000x96xf32>
    %add3A = arith.addf %get3A_6, %get3A_11 : vector<10000x96xf32>
    %get3A_12 = arith.constant 0 : index
    %get3A_13 = arith.constant 0 : index
    %get3A_14 = vector.load %arg1[%get3A_12, %get3A_13] : memref<10000x96xf32, #tpu.memory_space<vmem>>, vector<10000x96xf32>
    %add3A_15 = arith.addf %add3A, %get3A_14 : vector<10000x96xf32>
    %mul3A = vector.broadcast %get3A_1 : vector<10000x1xf32> to vector<10000x96xf32>
    %mul3A_16 = arith.mulf %add3A_15, %mul3A : vector<10000x96xf32>
    %get3A_17 = arith.constant 0 : index
    %get3A_18 = vector.load %arg3[%get3A_17] : memref<96xf32, #tpu.memory_space<vmem>>, vector<96xf32>
    %broadcast_in_dim3A = vector.shape_cast %get3A_18 : vector<96xf32> to vector<1x96xf32>
    %add3A_19 = vector.broadcast %broadcast_in_dim3A : vector<1x96xf32> to vector<10000x96xf32>
    %add3A_20 = arith.addf %mul3A_16, %add3A_19 : vector<10000x96xf32>
    %max3A = arith.constant 0.000000e+00 : f32
    %max3A_21 = vector.broadcast %max3A : f32 to vector<10000x96xf32>
    %max3A_22 = arith.maximumf %add3A_20, %max3A_21 : vector<10000x96xf32>
    %reduce_sum3A = vector.shape_cast %max3A_22 : vector<10000x96xf32> to vector<1x10000x96xf32>
    %reduce_sum3A_23 = arith.constant dense<0.000000e+00> : vector<1xf32>
    %reduce_sum3A_24 = vector.multi_reduction <add>, %reduce_sum3A, %reduce_sum3A_23 [1, 2] : vector<1x10000x96xf32> to vector<1xf32>
    %reduce_sum3A_25 = vector.shape_cast %reduce_sum3A_24 : vector<1xf32> to vector<1x1x1xf32>
    %reduce_sum3A_26 = vector.extract %reduce_sum3A_25[0, 0, 0] : f32 from vector<1x1x1xf32>
    %div3A = arith.constant 9.600000e+05 : f32
    %div3A_27 = arith.divf %reduce_sum3A_26, %div3A : f32
    %sub3A = vector.broadcast %div3A_27 : f32 to vector<10000x96xf32>
    %sub3A_28 = arith.subf %max3A_22, %sub3A : vector<10000x96xf32>
    %mul3A_29 = arith.mulf %sub3A_28, %sub3A_28 : vector<10000x96xf32>
    %reduce_sum3A_30 = vector.shape_cast %mul3A_29 : vector<10000x96xf32> to vector<1x10000x96xf32>
    %reduce_sum3A_31 = arith.constant dense<0.000000e+00> : vector<1xf32>
    %reduce_sum3A_32 = vector.multi_reduction <add>, %reduce_sum3A_30, %reduce_sum3A_31 [1, 2] : vector<1x10000x96xf32> to vector<1xf32>
    %reduce_sum3A_33 = vector.shape_cast %reduce_sum3A_32 : vector<1xf32> to vector<1x1x1xf32>
    %reduce_sum3A_34 = vector.extract %reduce_sum3A_33[0, 0, 0] : f32 from vector<1x1x1xf32>
    %div3A_35 = arith.constant 9.600000e+05 : f32
    %div3A_36 = arith.divf %reduce_sum3A_34, %div3A_35 : f32
    %add3A_37 = arith.constant 9.99999974E-6 : f32
    %add3A_38 = arith.addf %div3A_36, %add3A_37 : f32
    %rsqrt3A = math.rsqrt %add3A_38 : f32
    %mul3A_39 = vector.broadcast %rsqrt3A : f32 to vector<10000x96xf32>
    %mul3A_40 = arith.mulf %sub3A_28, %mul3A_39 : vector<10000x96xf32>
    %get3A_41 = arith.constant 0 : index
    %get3A_42 = vector.load %arg4[%get3A_41] : memref<96xf32, #tpu.memory_space<vmem>>, vector<96xf32>
    %broadcast_in_dim3A_43 = vector.shape_cast %get3A_42 : vector<96xf32> to vector<1x96xf32>
    %mul3A_44 = vector.broadcast %broadcast_in_dim3A_43 : vector<1x96xf32> to vector<10000x96xf32>
    %mul3A_45 = arith.mulf %mul3A_40, %mul3A_44 : vector<10000x96xf32>
    %get3A_46 = arith.constant 0 : index
    %get3A_47 = vector.load %arg5[%get3A_46] : memref<96xf32, #tpu.memory_space<vmem>>, vector<96xf32>
    %broadcast_in_dim3A_48 = vector.shape_cast %get3A_47 : vector<96xf32> to vector<1x96xf32>
    %add3A_49 = vector.broadcast %broadcast_in_dim3A_48 : vector<1x96xf32> to vector<10000x96xf32>
    %add3A_50 = arith.addf %mul3A_45, %add3A_49 : vector<10000x96xf32>
    %get3A_51 = arith.constant 0 : index
    %get3A_52 = arith.constant 0 : index
    %get3A_53 = vector.load %arg6[%get3A_51, %get3A_52] : memref<64x96xf32, #tpu.memory_space<vmem>>, vector<64x96xf32>
    %transpose3A = tpu.transpose %get3A_53, [1, 0] : vector<64x96xf32> -> vector<96x64xf32>
    %dot_general3A = arith.constant dense<0.000000e+00> : vector<10000x64xf32>
    %dot_general3A_54 = tpu.matmul %add3A_50, %transpose3A, %dot_general3A {dimension_numbers = #tpu.dot_dimension_numbers<[1], [0], [0], [1], [0, 0, 1, 1], [], []>, transpose_lhs_hint = false} : vector<10000x96xf32>, vector<96x64xf32>, vector<10000x64xf32> -> vector<10000x64xf32>
    %mul3A_55 = vector.broadcast %get3A_1 : vector<10000x1xf32> to vector<10000x64xf32>
    %mul3A_56 = arith.mulf %dot_general3A_54, %mul3A_55 : vector<10000x64xf32>
    %swap3A = arith.constant 0 : index
    %swap3A_57 = arith.constant 0 : index
    %swap3A_58 = vector.load %arg7[%swap3A, %swap3A_57] : memref<10000x64xf32, #tpu.memory_space<vmem>>, vector<10000x64xf32>
    tpu.vector_store %arg7[%swap3A, %swap3A_57], %mul3A_56 {strides = array<i32>} : memref<10000x64xf32, #tpu.memory_space<vmem>>, vector<10000x64xf32>,
    return
  }
}

module attributes {stable_mosaic.version = 14 : i64} {
  func.func @body(%arg0: memref<2x10016x64xf32, #tpu.memory_space<vmem>>, %arg1: memref<10000x64xf32, #tpu.memory_space<vmem>>, %arg2: memref<10000x1xf32, #tpu.memory_space<vmem>>, %arg3: memref<64xf32, #tpu.memory_space<vmem>>, %arg4: memref<10000x64xf32, #tpu.memory_space<vmem>>) attributes {dimension_semantics = [], scalar_prefetch = 0 : i64, scratch_operands = 0 : i64, tpu.core_type = #tpu.core_type<tc>} {
    %get3A = arith.constant 0 : index
    %get3A_0 = arith.constant 0 : index
    %get3A_1 = arith.constant 0 : index
    %get3A_2 = vector.load %arg0[%get3A, %get3A_0, %get3A_1] : memref<2x10016x64xf32, #tpu.memory_space<vmem>>, vector<1x10000x64xf32>
    %get3A_3 = vector.shape_cast %get3A_2 : vector<1x10000x64xf32> to vector<10000x64xf32>
    %get3A_4 = arith.constant 1 : index
    %get3A_5 = arith.constant 0 : index
    %get3A_6 = arith.constant 0 : index
    %get3A_7 = vector.load %arg0[%get3A_4, %get3A_5, %get3A_6] : memref<2x10016x64xf32, #tpu.memory_space<vmem>>, vector<1x10000x64xf32>
    %get3A_8 = vector.shape_cast %get3A_7 : vector<1x10000x64xf32> to vector<10000x64xf32>
    %add3A = arith.addf %get3A_3, %get3A_8 : vector<10000x64xf32>
    %get3A_9 = arith.constant 0 : index
    %get3A_10 = arith.constant 0 : index
    %get3A_11 = vector.load %arg1[%get3A_9, %get3A_10] : memref<10000x64xf32, #tpu.memory_space<vmem>>, vector<10000x64xf32>
    %add3A_12 = arith.addf %add3A, %get3A_11 : vector<10000x64xf32>
    %get3A_13 = arith.constant 0 : index
    %get3A_14 = arith.constant 0 : index
    %get3A_15 = vector.load %arg2[%get3A_13, %get3A_14] : memref<10000x1xf32, #tpu.memory_space<vmem>>, vector<10000x1xf32>
    %mul3A = vector.broadcast %get3A_15 : vector<10000x1xf32> to vector<10000x64xf32>
    %mul3A_16 = arith.mulf %add3A_12, %mul3A : vector<10000x64xf32>
    %get3A_17 = arith.constant 0 : index
    %get3A_18 = vector.load %arg3[%get3A_17] : memref<64xf32, #tpu.memory_space<vmem>>, vector<64xf32>
    %broadcast_in_dim3A = vector.shape_cast %get3A_18 : vector<64xf32> to vector<1x64xf32>
    %add3A_19 = vector.broadcast %broadcast_in_dim3A : vector<1x64xf32> to vector<10000x64xf32>
    %add3A_20 = arith.addf %mul3A_16, %add3A_19 : vector<10000x64xf32>
    %max3A = arith.constant 0.000000e+00 : f32
    %max3A_21 = vector.broadcast %max3A : f32 to vector<10000x64xf32>
    %max3A_22 = arith.maximumf %add3A_20, %max3A_21 : vector<10000x64xf32>
    %swap3A = arith.constant 0 : index
    %swap3A_23 = arith.constant 0 : index
    %swap3A_24 = vector.load %arg4[%swap3A, %swap3A_23] : memref<10000x64xf32, #tpu.memory_space<vmem>>, vector<10000x64xf32>
    tpu.vector_store %arg4[%swap3A, %swap3A_23], %max3A_22 {strides = array<i32>} : memref<10000x64xf32, #tpu.memory_space<vmem>>, vector<10000x64xf32>,
    return
  }
}

</mosaic_0001>

<sc_bundles>
// kernel: kernel.12.cloned.1.call-start
scs
__scs_entry_jumppad:
0x0: {  	(pc) =	sbr.rel $0x88, $3  }
0x1: {  	(tag) =	ssettag $0x0;
	lr =	simm.s32 $0x1  }
0x2: {  	[smem:$0x3F97] =	sst lr;
	_ =	strace $0xD0000000  }
0x3: {  	_ = 	snop  }
0x4: {  	_ = 	snop  }
0x5: {  	_ = 	snop  }
0x6: {  	_ = 	snop  }
0x7: {  	_ = 	snop  }
__scs_overlays_trampoline_lowered:
0x8: {  	[smem:$0x3FA6] =	sst s0  }
0x9: {  	[smem:$0x3FA7] =	sst s1  }
0xa: {  	[smem:$0x3FA8] =	sst s2  }
0xb: {  	[smem:$0x3FA9] =	sst s3  }
0xc: {  	[smem:$0x3FAA] =	sst s4  }
0xd: {  	[smem:$0x3FAB] =	sst s5  }
0xe: {  	[smem:$0x3FAC] =	sst s6  }
0xf: {  	[smem:$0x3FAD] =	sst s7  }
0x10: {  	[smem:$0x3FAE] =	sst s8  }
0x11: {  	[smem:$0x3FAF] =	sst s9;
	s0 =	simm.s32 @!p0 $0x0  }
0x12: {  	s1 =	sld [smem:$0x3F95];
	s0 =	simm.s32 @p0 $0x1  }
0x13: {  	[smem:$0x3FB0] =	sst s0;
	s0 =	simm.s32 @!p1 $0x0  }
0x14: {  	s2 =	sld [smem:$0x3F94];
	s0 =	simm.s32 @p1 $0x1  }
0x15: {  	[smem:$0x3FB1] =	sst s0;
	s0 =	simm.s32 @!p2 $0x0  }
0x16: {  	s3 =	sld [smem:$0x3FDB];
	s0 =	simm.s32 @p2 $0x1  }
0x17: {  	s4 =	simm.s32 $0x1BF5;
	[smem:$0x3FB3] =	sst s0  }
0x18: {  	s0 =	sld [smem:$0x3F96];
	_ =	swait.ge [sflag:s4], $0x0  }
0x19: {  	s7 =	sld [smem:$0x3F97]  }
0x1a: {  	s8 =	sadd.s32 $0xFFFFE003, lr  }
0x1b: {  	s9 =	sadd.s32 $0xFFFFFEF7, lr;
	s5 =	simm.s32 $0xFFFFFFFF;
	p2 =	slt.u32 s8, $0xFFFFF086  }
0x1c: {  	p1 =	slt.u32 s9, $0xF7A;
	s5 =	simm.s32 @!p2 $0x0  }
0x1d: {  	s5 =	simm.s32 @p1 $0x1;
	p0 =	seq.s32 s7, s2  }
0x1e: {  	s7 =	smul.u32 @!p0 $0xF7A, s2;
	p2 =	seq.s32 @!p0 s5, $0x0  }
0x1f: {  	s9 =	smul.u32 $0xF7A, s1;
	s8 =	simm.s32 @!p0 $0x1BF5;
	p2 =	por !p2, p0  }
0x20: {  	[sflag:s8] =	ssyncset.s32 @!p0 $0xFFFFF086;
	s6 =	sadd.s32 @!p0 s3, s7;
	s7 =	simm.s32 @!p0 $0x108  }
0x21: {  	s3 =	sadd.s32 s3, s9;
	s6 =	sadd.s32 @!p0 $0x88, s6;
	s7 =	simm.s32 @p2 $0x1082  }
0x22: {  	[simem:s7], [sflag:s8] =	dma.local @!p0 [hbm:s6], $0xF7A  }
0x23: {  	s9 =	sor.u32 $0xD0000000, s2;
	s6 =	simm.s32 $0x108;
	_ =	swait.ge @!p0 [sflag:s8], $0x0  }
0x24: {  	s3 =	sadd.s32 $0x88, s3;
	s6 =	simm.s32 @!p1 $0x1082;
	[sflag:s4] =	ssyncset.s32 $0xFFFFF086  }
0x25: {  	[simem:s6], [sflag:s4] =	dma.local [hbm:s3], $0xF7A  }
0x26: {  	[smem:$0x3F97] =	sst s1;
	(tag) =	ssettag s2;
	_ =	strace s9  }
0x27: {  	s1 =	sld [smem:$0x3FA7]  }
0x28: {  	s2 =	sld [smem:$0x3FA8]  }
0x29: {  	s4 =	sld [smem:$0x3FAA]  }
0x2a: {  	p0 =	seq.s32 s5, $0x0;
	s5 =	sld [smem:$0x3FAB]  }
0x2b: {  	s6 =	sld [smem:$0x3FAC]  }
0x2c: {  	s7 =	sld [smem:$0x3FAD]  }
0x2d: {  	s3 =	simm.s32 $0x108;
	s8 =	sld [smem:$0x3FAE]  }
0x2e: {  	s3 =	simm.s32 @!p0 $0x1082;
	s9 =	sld [smem:$0x3FAF]  }
0x2f: {  	lr =	sadd.s32 s0, s3;
	s0 =	sld [smem:$0x3FA6]  }
0x30: {  	s3 =	sld [smem:$0x3FA9]  }
0x31: {  	[smem:$0x3FB2] =	sst s10  }
0x32: {  	s10 =	sld [smem:$0x3FB0];
	_ =	sdelay $0x3  }
0x33: {  	p0 =	seq.s32 s10, $0x1;
	s10 =	sld [smem:$0x3FB2];
	_ =	sdelay $0x3  }
0x34: {  	[smem:$0x3FB2] =	sst s10  }
0x35: {  	s10 =	sld [smem:$0x3FB1];
	_ =	sdelay $0x3  }
0x36: {  	p1 =	seq.s32 s10, $0x1;
	s10 =	sld [smem:$0x3FB2];
	_ =	sdelay $0x3  }
0x37: {  	[smem:$0x3FB2] =	sst s10  }
0x38: {  	s10 =	sld [smem:$0x3FB3]  }
0x39: {  	_ = 	snop;
	(pc) =	sbr.ind lr, $3  }
0x3a: {  	_ = 	snop  }
0x3b: {  	_ = 	snop  }
0x3c: {  	p2 =	seq.s32 s10, $0x1;
	s10 =	sld [smem:$0x3FB2]  }
0x3d: {  	_ =	shalt  }
0x3e: {  	_ =	shalt  }
0x3f: {  	_ =	shalt  }
0x40: {  	_ =	shalt  }
0x41: {  	_ =	shalt  }
0x42: {  	_ =	shalt  }
0x43: {  	_ =	shalt  }
0x44: {  	_ =	shalt  }
0x45: {  	_ =	shalt  }
0x46: {  	_ =	shalt  }
0x47: {  	_ =	shalt  }
0x48: {  	_ =	shalt  }
0x49: {  	_ =	shalt  }
0x4a: {  	_ =	shalt  }
0x4b: {  	_ =	shalt  }
0x4c: {  	_ =	shalt  }
0x4d: {  	_ =	shalt  }
0x4e: {  	_ =	shalt  }
0x4f: {  	_ =	shalt  }
0x50: {  	_ =	shalt  }
0x51: {  	_ =	shalt  }
0x52: {  	_ =	shalt  }
0x53: {  	_ =	shalt  }
0x54: {  	_ =	shalt  }
0x55: {  	_ =	shalt  }
0x56: {  	_ =	shalt  }
0x57: {  	_ =	shalt  }
0x58: {  	_ =	shalt  }
0x59: {  	_ =	shalt  }
0x5a: {  	_ =	shalt  }
0x5b: {  	_ =	shalt  }
0x5c: {  	_ =	shalt  }
0x5d: {  	_ =	shalt  }
0x5e: {  	_ =	shalt  }
0x5f: {  	_ =	shalt  }
0x60: {  	_ =	shalt  }
0x61: {  	_ =	shalt  }
0x62: {  	_ =	shalt  }
0x63: {  	_ =	shalt  }
0x64: {  	_ =	shalt  }
0x65: {  	_ =	shalt  }
0x66: {  	_ =	shalt  }
0x67: {  	_ =	shalt  }
0x68: {  	_ =	shalt  }
0x69: {  	_ =	shalt  }
0x6a: {  	_ =	shalt  }
0x6b: {  	_ =	shalt  }
0x6c: {  	_ =	shalt  }
0x6d: {  	_ =	shalt  }
0x6e: {  	_ =	shalt  }
0x6f: {  	_ =	shalt  }
0x70: {  	_ =	shalt  }
0x71: {  	_ =	shalt  }
0x72: {  	_ =	shalt  }
0x73: {  	_ =	shalt  }
0x74: {  	_ =	shalt  }
0x75: {  	_ =	shalt  }
0x76: {  	_ =	shalt  }
0x77: {  	_ =	shalt  }
0x78: {  	_ =	shalt  }
0x79: {  	_ =	shalt  }
0x7a: {  	_ =	shalt  }
0x7b: {  	_ =	shalt  }
0x7c: {  	_ =	shalt  }
0x7d: {  	_ =	shalt  }
0x7e: {  	_ =	shalt  }
0x7f: {  	_ =	shalt  }
0x80: {  	_ =	shalt  }
0x81: {  	_ =	shalt  }
0x82: {  	_ =	shalt  }
0x83: {  	_ =	shalt  }
0x84: {  	_ =	shalt  }
0x85: {  	_ =	shalt  }
0x86: {  	_ =	shalt  }
0x87: {  	_ =	shalt  }
.Lfunc_end0:
.L_simem_size_0:
called_computation.1_lowered:
.L_overlay_start_0:
0x88: {  	s2 =	sld [smem:$0x3FD9]  }
0x89: {  	s3 =	sld [smem:$0x3FFE];
	_ =	sdelay $0x1  }
0x8a: {  	s1 =	srdreg.scid  }
0x8b: {  	s0 =	sand.u32 $0x1, s1  }
0x8c: {  	s17 =	sshll.u32 s0, $0xA;
	s2 =	sadd.s32 s3, s2  }
0x8d: {  	s2 =	sadd.s32 s2, s17  }
0x8e: {  	[smem:$0x3FBE] =	sst s2  }
0x8f: {  	_ = 	snop  }
0x90: {  	s2 =	sld [smem:$0x3FD0];
	(tm) =	ssettm $0x1  }
0x91: {  	s18 =	sld [smem:$0x3FFB];
	_ =	sdelay $0x3  }
0x92: {  	_ =	strace s18  }
0x93: {  	s3 =	sld [smem:$0x3FFC];
	_ =	sdelay $0x3  }
0x94: {  	_ =	strace s3  }
0x95: {  	s3 =	sld [smem:$0x3FFD];
	_ =	sdelay $0x3  }
0x96: {  	_ =	strace s3  }
0x97: {  	_ =	strace $0x8FFFFFFF  }
0x98: {  	s19 =	sld [smem:$0x3FDB];
	_ =	sdelay $0x1  }
0x99: {  	s4 =	simm.s32 $_scs_section_size  }
0x9a: {  	s5 =	simm.s32 $_size__tile_overlayer_lowered;
	s6 =	simm.s32 $_tile_overlayer_lowered  }
0x9b: {  	s22 =	simm.s32 $0x1BFF;
	s21 =	sshll.u32 s6, $0x1;
	s3 =	sadd.s32 s4, s19  }
0x9c: {  	s7 =	simm.s32 $0x0;
	s20 =	sshll.u32 s5, $0x1;
	s5 =	sadd.s32 s21, s3  }
0x9d: {  	[timem:s7], [sflag:s22] =	dma.local [hbm:s5], s20  }
0x9e: {  	_ =	swait.ge [sflag:s22], s20  }
0x9f: {  	s4 =	ssub.s32 $0x0, s20;
	[sflag:s22] =	ssyncset.done $0x0  }
0xa0: {  	[sflag:s22] =	ssyncadd.s32 s4;
	_ =	sdelay $0x1  }
0xa1: {  	s23 =	simm.s32 $0x1B8B  }
0xa2: {  	_ =	swait.ge [sflag:s23], $0x1  }
0xa3: {  	[sflag:s23] =	ssyncset.done $0x0  }
0xa4: {  	s25 =	simm.s32 $0x1B8E;
	s24 =	sld [smem:$0x3FFE];
	[sflag:s23] =	ssyncadd.s32 $0xFFFFFFFF  }
0xa5: {  	s26 =	simm.s32 $execute0_lowered;
	[smem:$0x3FD2] =	sst s25  }
0xa6: {  	s5 =	sshll.u32 s26, $0x1;
	_ =	strace $0x80000049;
	[dreg:$0x1] =	wrdreg $0xFFFFFFFF  }
0xa7: {  	s28 =	simm.s32 $_size_execute0_lowered;
	s3 =	sadd.s32 s3, s5;
	[dreg:$0x0] =	wrdreg $0x0  }
0xa8: {  	s5 =	sshll.u32 s28, $0x1;
	[dreg:$0x2] =	wrdreg s3  }
0xa9: {  	[dreg:$0x3] =	wrdreg s5  }
0xaa: {  	[dreg:$0x4] =	wrdreg $0xC0  }
0xab: {  	_ =	task [dreg:s7], $0x5FFFF  }
0xac: {  	[dreg:$0x1] =	wrdreg $0xFFFFFFFF  }
0xad: {  	[dreg:$0x0] =	wrdreg $0x60  }
0xae: {  	[dreg:$0x2] =	wrdreg s24  }
0xaf: {  	[dreg:$0x3] =	wrdreg s2  }
0xb0: {  	[dreg:$0x4] =	wrdreg $0x110000  }
0xb1: {  	[dreg:$0x5] =	wrdreg $0x9  }
0xb2: {  	_ =	task.clear_ibuf [dreg:s7], $0x6FFFF;
	_ =	strace $0x90000049  }
0xb3: {  	s29 =	simm.s32 $0x9;
	_ =	strace $0x8000004B  }
0xb4: {  	_ =	swait.ge [sflag:s29], $0x1  }
0xb5: {  	[sflag:s29] =	ssyncadd.s32 $0xFFFFFFFF  }
0xb6: {  	_ =	strace $0x9000004B  }
0xb7: {  	_ =	sfence  }
0xb8: {  	s30 =	sld [smem:$0x0];
	_ =	sdelay $0x2  }
0xb9: {  	s31 =	sshll.u32 s1, $0xD;
	s1 =	sshrl.u32 s1, $0x2  }
0xba: {  	s3 =	sand.u32 $0x4000, s31;
	s1 =	sadd.s32 s1, s30  }
0xbb: {  	s0 =	sor.u32 s3, s0;
	s1 =	sshll.u32 s1, $0x11  }
0xbc: {  	s0 =	sor.u32 s1, s0  }
0xbd: {  	s0 =	sadd.s32 $0x8F2B, s0  }
0xbe: {  	[sflag:s0] =	ssyncadd.remote.s32 $0x1  }
0xbf: {  	_ =	sfence.sel $0xFFFF  }
0xc0: {  	[dreg:$0x0] =	wrdreg $0xFFFFFFFF;
	(pc) =	sbr.abs _section_cstart, $3  }
0xc1: {  	[dreg:$0x1] =	wrdreg $0xFFFFFFFF  }
0xc2: {  	_ =	task.clear_ibuf [dreg:s7], $0x2FFFF;
	_ =	strace $0x9FFFFFFF  }
0xc3: {  	(tm) =	ssettm $0x7FFFFFFF  }
tec
execute0_lowered:
.L_overlay_start_1:
0x0: {  	(tag) =	ssettag $0x1  }
0x1: {  	s0 =	srdreg.scid;
	s1 =	rddreg [dreg:$0x0]  }
0x2: {  	s12 =	stileid.u32;
	s8 =	rddreg [dreg:$0x1]  }
0x3: {  	s13 =	simm.s32 $0x2800;
	s14 =	simm.s32 $0x80;
	s15 =	simm.s32 $0x5000  }
0x4: {  	s16 =	simm.s32 $0x8000;
	s18 =	simm.s32 $0xB000;
	s19 =	simm.s32 $0x1  }
0x5: {  	s21 =	simm.s32 $0xE000;
	s22 =	simm.s32 $0x2;
	s24 =	simm.s32 $0x5  }
0x6: {  	s29 =	simm.s32 $0x6;
	s31 =	simm.s32 $0x4;
	s17 =	simm.s32 $0x8  }
0x7: {  	s30 =	simm.s32 $0x4F00;
	s20 =	simm.s32 $0x0;
	s0 =	sand.u32 $0x1, s0  }
0x8: {  	s2 =	sshll.u32 s12, $0x1;
	s6 =	smul.u32 $0xEAC0, s12;
	s4 =	sadd.s32 $0xCC00, s1  }
0x9: {  	s26 =	sshll.u32 s12, $0x6;
	s12 =	simm.s32 $0x9;
	s3 =	sor.u32 s0, s2  }
0xa: {  	s2 =	rddreg [dreg:$0x2];
	s5 =	smul.u32 $0xEAC00, s0;
	s0 =	ssub.s32 $0x2, s0  }
0xb: {  	s9 =	smul.u32 $0x500, s3;
	s3 =	simm.s32 $0x0;
	s11 =	sshrl.u32 s0, $0x1  }
0xc: {  	s28 =	sadd.s32 s6, s2;
	[smem:$0x7FF] =	sst s3;
	s10 =	sadd.s32 s6, s5  }
0xd: {  	s5 =	sadd.s32 $0x2A200, s1;
	s0 =	ssub.s32 s0, s11;
	s6 =	sor.u32 $0x1C09, s26  }
0xe: {  	s11 =	sshrl.u32 s28, $0x3;
	s26 =	simm.s32 $0x3;
	_ =	strace $0x8000004A  }
0xf: {  	s7 =	sadd.s32 s9, s1;
	s10 =	sshrl.u32 s10, $0x3;
	s8 =	sadd.s32 s8, s9  }
0x10: {  	s1 =	sadd.s32 s10, s1;
	s7 =	sadd.s32 $0x2C00, s7;
	s10 =	smax.u32 s0, $0x1  }
0x11: {  	s0 =	simm.s32 $0x7;
	s9 =	sadd.s32 $0x2C000, s1;
	s1 =	simm.s32 $0x4F80  }
.LBB2_1:
0x12: {  	[spmem:s11], [sflag:s6] =	dma.local [hbm:s5], $0x1D58  }
0x13: {  	_ =	swait.ge [sflag:s12], $0x1D58  }
0x14: {  	[sflag:s12] =	ssyncset.done $0x0  }
0x15: {  	[sflag:s12] =	ssyncadd.s32 $0xFFFFE2A8  }
0x16: {  	[tilespmem:s3], [sflag:$0x9] =	stream.linear.gather [hbm4b:s7+s3], $0x2800, $0x38;
	[tilespmem:$0x1FAC0] =	vst v63  }
0x17: {  	_ =	swait.ge [sflag:s12], $0x2800  }
0x18: {  	[sflag:s12] =	ssyncset.done $0x0  }
0x19: {  	[sflag:s12] =	ssyncadd.s32 $0xFFFFD800  }
0x1a: {  	[tilespmem:s13], [sflag:$0x9] =	stream.linear.gather [hbm4b:s8+s3], $0x2800, $0x38;
	[tilespmem:$0x1FAC0] =	vst v63  }
0x1b: {  	_ =	swait.ge [sflag:s12], $0x2800  }
0x1c: {  	[sflag:s12] =	ssyncset.done $0x0  }
0x1d: {  	[sflag:s12] =	ssyncadd.s32 $0xFFFFD800  }
0x1e: {  	[bflag:$0x0] =	sbarrier.arrive $0xFFFF  }
0x1f: {  	[tilespmem:s15], [sflag:$0x1] =	stream.indirect.gather [hbm4b:s4+s14], $0x60, s3, s14, $0xb8;
	[tilespmem:$0x1FAC0] =	vst v63  }
0x20: {  	_ = 	snop  }
0x21: {  	[tilespmem:s16], [sflag:$0x2] =	stream.indirect.gather [hbm4b:s4+s14], $0x60, s14, s14, $0xb8;
	[tilespmem:$0x1FAC0] =	vst v63  }
0x22: {  	s23 =	simm.s32 $0x100  }
0x23: {  	[tilespmem:s18], [sflag:$0x3] =	stream.indirect.gather [hbm4b:s4+s14], $0x60, s23, s14, $0xb8;
	[tilespmem:$0x1FAC0] =	vst v63  }
0x24: {  	_ =	swait.ge [sflag:s19], $0x3000  }
0x25: {  	[sflag:s19] =	ssyncset.done $0x0  }
0x26: {  	[sflag:s19] =	ssyncadd.s32 $0xFFFFD000  }
0x27: {  	[spmem:s2] =	stream.indirect.scatter.add.f32 [tilespmem:s15], [sflag:$0x5], $0x60, s13, s14, $0xb8;
	[tilespmem:$0x1FAC0] =	vst v63  }
0x28: {  	s28 =	simm.s32 $0x180  }
0x29: {  	[tilespmem:s21], [sflag:$0x4] =	stream.indirect.gather [hbm4b:s4+s14], $0x60, s28, s14, $0xb8;
	[tilespmem:$0x1FAC0] =	vst v63  }
0x2a: {  	_ =	swait.ge [sflag:s22], $0x3000  }
0x2b: {  	[sflag:s22] =	ssyncset.done $0x0  }
0x2c: {  	s25 =	simm.s32 $0x2880;
	[sflag:s22] =	ssyncadd.s32 $0xFFFFD000  }
0x2d: {  	[spmem:s2] =	stream.indirect.scatter.add.f32 [tilespmem:s16], [sflag:$0x6], $0x60, s25, s14, $0xb8;
	[tilespmem:$0x1FAC0] =	vst v63  }
0x2e: {  	_ =	swait.ge [sflag:s24], $0x3000  }
0x2f: {  	[sflag:s24] =	ssyncset.done $0x0  }
0x30: {  	s28 =	simm.s32 $0x200;
	[sflag:s24] =	ssyncadd.s32 $0xFFFFD000  }
0x31: {  	[tilespmem:s15], [sflag:$0x1] =	stream.indirect.gather [hbm4b:s4+s14], $0x60, s28, s14, $0xb8;
	[tilespmem:$0x1FAC0] =	vst v63  }
0x32: {  	_ =	swait.ge [sflag:s26], $0x3000  }
0x33: {  	[sflag:s26] =	ssyncset.done $0x0  }
0x34: {  	s25 =	simm.s32 $0x2900;
	[sflag:s26] =	ssyncadd.s32 $0xFFFFD000  }
0x35: {  	[spmem:s2] =	stream.indirect.scatter.add.f32 [tilespmem:s18], [sflag:$0x7], $0x60, s25, s14, $0xb8;
	[tilespmem:$0x1FAC0] =	vst v63  }
0x36: {  	_ =	swait.ge [sflag:s29], $0x3000  }
0x37: {  	[sflag:s29] =	ssyncset.done $0x0  }
0x38: {  	s28 =	simm.s32 $0x280;
	[sflag:s29] =	ssyncadd.s32 $0xFFFFD000  }
0x39: {  	[tilespmem:s16], [sflag:$0x2] =	stream.indirect.gather [hbm4b:s4+s14], $0x60, s28, s14, $0xb8;
	[tilespmem:$0x1FAC0] =	vst v63  }
0x3a: {  	_ =	swait.ge [sflag:s31], $0x3000  }
0x3b: {  	[sflag:s31] =	ssyncset.done $0x0  }
0x3c: {  	s25 =	simm.s32 $0x2980;
	[sflag:s31] =	ssyncadd.s32 $0xFFFFD000  }
0x3d: {  	[spmem:s2] =	stream.indirect.scatter.add.f32 [tilespmem:s21], [sflag:$0x8], $0x60, s25, s14, $0xb8;
	[tilespmem:$0x1FAC0] =	vst v63  }
0x3e: {  	_ =	swait.ge [sflag:s0], $0x3000  }
0x3f: {  	[sflag:s0] =	ssyncset.done $0x0  }
0x40: {  	s28 =	simm.s32 $0x300;
	[sflag:s0] =	ssyncadd.s32 $0xFFFFD000  }
0x41: {  	[tilespmem:s18], [sflag:$0x3] =	stream.indirect.gather [hbm4b:s4+s14], $0x60, s28, s14, $0xb8;
	[tilespmem:$0x1FAC0] =	vst v63  }
0x42: {  	_ =	swait.ge [sflag:s19], $0x3000  }
0x43: {  	[sflag:s19] =	ssyncset.done $0x0  }
0x44: {  	s25 =	simm.s32 $0x2A00;
	[sflag:s19] =	ssyncadd.s32 $0xFFFFD000  }
0x45: {  	[spmem:s2] =	stream.indirect.scatter.add.f32 [tilespmem:s15], [sflag:$0x5], $0x60, s25, s14, $0xb8;
	[tilespmem:$0x1FAC0] =	vst v63  }
0x46: {  	_ =	swait.ge [sflag:s17], $0x3000  }
0x47: {  	[sflag:s17] =	ssyncset.done $0x0  }
0x48: {  	s28 =	simm.s32 $0x380;
	[sflag:s17] =	ssyncadd.s32 $0xFFFFD000  }
0x49: {  	[tilespmem:s21], [sflag:$0x4] =	stream.indirect.gather [hbm4b:s4+s14], $0x60, s28, s14, $0xb8;
	[tilespmem:$0x1FAC0] =	vst v63  }
0x4a: {  	_ =	swait.ge [sflag:s22], $0x3000  }
0x4b: {  	[sflag:s22] =	ssyncset.done $0x0  }
0x4c: {  	s25 =	simm.s32 $0x2A80;
	[sflag:s22] =	ssyncadd.s32 $0xFFFFD000  }
0x4d: {  	[spmem:s2] =	stream.indirect.scatter.add.f32 [tilespmem:s16], [sflag:$0x6], $0x60, s25, s14, $0xb8;
	[tilespmem:$0x1FAC0] =	vst v63  }
0x4e: {  	_ =	swait.ge [sflag:s24], $0x3000  }
0x4f: {  	[sflag:s24] =	ssyncset.done $0x0  }
0x50: {  	s28 =	simm.s32 $0x400;
	[sflag:s24] =	ssyncadd.s32 $0xFFFFD000  }
0x51: {  	[tilespmem:s15], [sflag:$0x1] =	stream.indirect.gather [hbm4b:s4+s14], $0x60, s28, s14, $0xb8;
	[tilespmem:$0x1FAC0] =	vst v63  }
0x52: {  	_ =	swait.ge [sflag:s26], $0x3000  }
0x53: {  	[sflag:s26] =	ssyncset.done $0x0  }
0x54: {  	s25 =	simm.s32 $0x2B00;
	[sflag:s26] =	ssyncadd.s32 $0xFFFFD000  }
0x55: {  	[spmem:s2] =	stream.indirect.scatter.add.f32 [tilespmem:s18], [sflag:$0x7], $0x60, s25, s14, $0xb8;
	[tilespmem:$0x1FAC0] =	vst v63  }
0x56: {  	_ =	swait.ge [sflag:s29], $0x3000  }
0x57: {  	[sflag:s29] =	ssyncset.done $0x0  }
0x58: {  	s28 =	simm.s32 $0x480;
	[sflag:s29] =	ssyncadd.s32 $0xFFFFD000  }
0x59: {  	[tilespmem:s16], [sflag:$0x2] =	stream.indirect.gather [hbm4b:s4+s14], $0x60, s28, s14, $0xb8;
	[tilespmem:$0x1FAC0] =	vst v63  }
0x5a: {  	_ =	swait.ge [sflag:s31], $0x3000  }
0x5b: {  	[sflag:s31] =	ssyncset.done $0x0  }
0x5c: {  	s23 =	simm.s32 $0x800;
	s25 =	simm.s32 $0x2B80;
	[sflag:s31] =	ssyncadd.s32 $0xFFFFD000  }
.LBB2_2:
0x5d: {  	[spmem:s2] =	stream.indirect.scatter.add.f32 [tilespmem:s21], [sflag:$0x8], $0x60, s25, s14, $0xb8;
	[tilespmem:$0x1FAC0] =	vst v63  }
0x5e: {  	s25 =	smov.u32 s23  }
0x5f: {  	p0 =	sne.s32 s23, $0x8800;
	s23 =	sadd.s32 $0x800, s23;
	_ =	swait.ge [sflag:s0], $0x3000  }
0x60: {  	s25 =	sshra.s32 s25, $0x2;
	[sflag:s0] =	ssyncset.done $0x0  }
0x61: {  	s28 =	sadd.s32 $0x300, s25;
	[sflag:s0] =	ssyncadd.s32 $0xFFFFD000  }
0x62: {  	[tilespmem:s18], [sflag:$0x3] =	stream.indirect.gather [hbm4b:s4+s14], $0x60, s28, s14, $0xb8;
	[tilespmem:$0x1FAC0] =	vst v63  }
0x63: {  	_ =	swait.ge [sflag:s19], $0x3000  }
0x64: {  	[sflag:s19] =	ssyncset.done $0x0  }
0x65: {  	s28 =	sadd.s32 $0x2A00, s25;
	[sflag:s19] =	ssyncadd.s32 $0xFFFFD000  }
0x66: {  	[spmem:s2] =	stream.indirect.scatter.add.f32 [tilespmem:s15], [sflag:$0x5], $0x60, s28, s14, $0xb8;
	[tilespmem:$0x1FAC0] =	vst v63  }
0x67: {  	_ =	swait.ge [sflag:s17], $0x3000  }
0x68: {  	[sflag:s17] =	ssyncset.done $0x0  }
0x69: {  	s28 =	sadd.s32 $0x380, s25;
	[sflag:s17] =	ssyncadd.s32 $0xFFFFD000  }
0x6a: {  	[tilespmem:s21], [sflag:$0x4] =	stream.indirect.gather [hbm4b:s4+s14], $0x60, s28, s14, $0xb8;
	[tilespmem:$0x1FAC0] =	vst v63  }
0x6b: {  	_ =	swait.ge [sflag:s22], $0x3000  }
0x6c: {  	[sflag:s22] =	ssyncset.done $0x0  }
0x6d: {  	s28 =	sadd.s32 $0x2A80, s25;
	[sflag:s22] =	ssyncadd.s32 $0xFFFFD000  }
0x6e: {  	[spmem:s2] =	stream.indirect.scatter.add.f32 [tilespmem:s16], [sflag:$0x6], $0x60, s28, s14, $0xb8;
	[tilespmem:$0x1FAC0] =	vst v63  }
0x6f: {  	_ =	swait.ge [sflag:s24], $0x3000  }
0x70: {  	[sflag:s24] =	ssyncset.done $0x0  }
0x71: {  	s28 =	sadd.s32 $0x400, s25;
	[sflag:s24] =	ssyncadd.s32 $0xFFFFD000  }
0x72: {  	[tilespmem:s15], [sflag:$0x1] =	stream.indirect.gather [hbm4b:s4+s14], $0x60, s28, s14, $0xb8;
	[tilespmem:$0x1FAC0] =	vst v63  }
0x73: {  	_ =	swait.ge [sflag:s26], $0x3000  }
0x74: {  	[sflag:s26] =	ssyncset.done $0x0  }
0x75: {  	s28 =	sadd.s32 $0x2B00, s25;
	[sflag:s26] =	ssyncadd.s32 $0xFFFFD000  }
0x76: {  	[spmem:s2] =	stream.indirect.scatter.add.f32 [tilespmem:s18], [sflag:$0x7], $0x60, s28, s14, $0xb8;
	[tilespmem:$0x1FAC0] =	vst v63  }
0x77: {  	_ =	swait.ge [sflag:s29], $0x3000  }
0x78: {  	[sflag:s29] =	ssyncset.done $0x0  }
.Ltmp0:
0x79: {  	s28 =	sadd.s32 $0x480, s25;
	[sflag:s29] =	ssyncadd.s32 $0xFFFFD000;
	(pc) =	sbr.rel @p0 .LBB2_2-.Ltmp0, $4  }
0x7a: {  	[tilespmem:s16], [sflag:$0x2] =	stream.indirect.gather [hbm4b:s4+s14], $0x60, s28, s14, $0xb8;
	[tilespmem:$0x1FAC0] =	vst v63  }
0x7b: {  	_ =	swait.ge [sflag:s31], $0x3000  }
0x7c: {  	[sflag:s31] =	ssyncset.done $0x0  }
0x7d: {  	s25 =	sadd.s32 $0x2B80, s25;
	[sflag:s31] =	ssyncadd.s32 $0xFFFFD000  }
0x7e: {  	[spmem:s2] =	stream.indirect.scatter.add.f32 [tilespmem:s21], [sflag:$0x8], $0x60, s25, s14, $0xb8;
	[tilespmem:$0x1FAC0] =	vst v63  }
0x7f: {  	_ =	swait.ge [sflag:s0], $0x3000  }
0x80: {  	[sflag:s0] =	ssyncset.done $0x0  }
0x81: {  	s23 =	simm.s32 $0x2700;
	[sflag:s0] =	ssyncadd.s32 $0xFFFFD000  }
0x82: {  	[tilespmem:s18], [sflag:$0x3] =	stream.indirect.gather [hbm4b:s4+s14], $0x60, s23, s14, $0xb8;
	[tilespmem:$0x1FAC0] =	vst v63  }
0x83: {  	_ =	swait.ge [sflag:s19], $0x3000  }
0x84: {  	[sflag:s19] =	ssyncset.done $0x0  }
0x85: {  	s28 =	simm.s32 $0x4E00;
	[sflag:s19] =	ssyncadd.s32 $0xFFFFD000  }
0x86: {  	[spmem:s2] =	stream.indirect.scatter.add.f32 [tilespmem:s15], [sflag:$0x5], $0x60, s28, s14, $0xb8;
	[tilespmem:$0x1FAC0] =	vst v63  }
0x87: {  	_ =	swait.ge [sflag:s17], $0x3000  }
0x88: {  	[sflag:s17] =	ssyncset.done $0x0  }
0x89: {  	s25 =	simm.s32 $0x2780;
	[sflag:s17] =	ssyncadd.s32 $0xFFFFD000  }
0x8a: {  	[tilespmem:s21], [sflag:$0x4] =	stream.indirect.gather [hbm4b:s4+s14], $0x60, s25, s14, $0xb8;
	[tilespmem:$0x1FAC0] =	vst v63  }
0x8b: {  	_ =	swait.ge [sflag:s22], $0x3000  }
0x8c: {  	[sflag:s22] =	ssyncset.done $0x0  }
0x8d: {  	s28 =	simm.s32 $0x4E80;
	[sflag:s22] =	ssyncadd.s32 $0xFFFFD000  }
0x8e: {  	[spmem:s2] =	stream.indirect.scatter.add.f32 [tilespmem:s16], [sflag:$0x6], $0x60, s28, s14, $0xb8;
	[tilespmem:$0x1FAC0] =	vst v63  }
0x8f: {  	_ =	swait.ge [sflag:s24], $0x3000  }
0x90: {  	[sflag:s24] =	ssyncset.done $0x0  }
0x91: {  	[sflag:s24] =	ssyncadd.s32 $0xFFFFD000  }
0x92: {  	_ =	swait.ge [sflag:s26], $0x3000  }
0x93: {  	[sflag:s26] =	ssyncset.done $0x0  }
0x94: {  	[sflag:s26] =	ssyncadd.s32 $0xFFFFD000  }
0x95: {  	[spmem:s2] =	stream.indirect.scatter.add.f32 [tilespmem:s18], [sflag:$0x7], $0x60, s30, s14, $0xb8;
	[tilespmem:$0x1FAC0] =	vst v63  }
0x96: {  	_ =	swait.ge [sflag:s29], $0x3000  }
0x97: {  	[sflag:s29] =	ssyncset.done $0x0  }
0x98: {  	[sflag:s29] =	ssyncadd.s32 $0xFFFFD000  }
0x99: {  	_ =	swait.ge [sflag:s31], $0x3000  }
0x9a: {  	[sflag:s31] =	ssyncset.done $0x0  }
0x9b: {  	[sflag:s31] =	ssyncadd.s32 $0xFFFFD000  }
0x9c: {  	[spmem:s2] =	stream.indirect.scatter.add.f32 [tilespmem:s21], [sflag:$0x8], $0x60, s1, s14, $0xb8;
	[tilespmem:$0x1FAC0] =	vst v63  }
0x9d: {  	_ =	swait.ge [sflag:s0], $0x3000  }
0x9e: {  	[sflag:s0] =	ssyncset.done $0x0  }
0x9f: {  	[sflag:s0] =	ssyncadd.s32 $0xFFFFD000  }
0xa0: {  	_ =	swait.ge [sflag:s17], $0x3000  }
0xa1: {  	s20 =	sadd.s32 $0x1, s20;
	[sflag:s17] =	ssyncset.done $0x0  }
0xa2: {  	p0 =	sne.s32 s20, s10;
	[sflag:s17] =	ssyncadd.s32 $0xFFFFD000  }
.Ltmp1:
0xa3: {  	[bflag:$0x0] =	sbarrier.arrive $0xFFFF;
	(pc) =	sbr.rel @p0 .LBB2_1-.Ltmp1, $4  }
0xa4: {  	[hbm:s9], [sflag:s6] =	dma.local [spmem:s11], $0x1D58  }
0xa5: {  	_ =	swait.ge [sflag:s12], $0x1D58  }
0xa6: {  	[sflag:s12] =	ssyncset.done $0x0  }
0xa7: {  	[sflag:s12] =	ssyncadd.s32 $0xFFFFE2A8  }
0xa8: {  	_ =	sfence.sel $0x180000  }
0xa9: {  	[bflag:$0x0] =	sbarrier.arrive $0xFFFF  }
0xaa: {  	_ =	strace $0x9000004A  }
0xab: {  	s0 =	stileid.u32;
	[bflag:$0x2] =	sbarrier.arrive $0xFFFF  }
0xac: {  	p0 =	sne.s32 s0, $0x0;
	s0 =	rddreg [dreg:$0x3]  }
0xad: {  	s0 =	sadd.s32 @!p0 $0x100000, s0  }
0xae: {  	[sflag:s0] =	ssyncadd.tile.s32 @!p0 $0x1;
	_ =	shalt  }
.Lfunc_end2:
_tile_overlayer_lowered:
.L_overlay_start_2:
0xaf: {  	(tag) =	ssettag $0x2  }
0xb0: {  	s0 =	rddreg [dreg:$0x0];
	s2 =	stileid.u32  }
0xb1: {  	s1 =	rddreg [dreg:$0x1];
	p0 =	sne.s32 s2, $0x0  }
0xb2: {  	s3 =	rddreg [dreg:$0x2];
	[bflag:$0x3] =	sbarrier.arrive $0xFFFF;
	s2 =	simm.s32 @!p0 $0x1C09  }
0xb3: {  	[timem:s3], [sflag:s2] =	dma.local @!p0 [hbm:s0], s1  }
0xb4: {  	s0 =	simm.s32 @!p0 $0x9  }
0xb5: {  	_ =	swait.ge @!p0 [sflag:s0], s1  }
0xb6: {  	s1 =	ssub.s32 @!p0 $0x0, s1;
	[sflag:s0] =	ssyncset.done @!p0 $0x0  }
0xb7: {  	[sflag:s0] =	ssyncadd.s32 @!p0 s1  }
0xb8: {  	[bflag:$0x3] =	sbarrier.arrive $0xFFFF  }
0xb9: {  	_ =	shalt  }

// kernel: kernel.15.cloned.1.call-start
scs
__scs_entry_jumppad:
0x0: {  	(pc) =	sbr.rel $0x88, $3  }
0x1: {  	(tag) =	ssettag $0x0;
	lr =	simm.s32 $0x1  }
0x2: {  	[smem:$0x3F97] =	sst lr;
	_ =	strace $0xD0000000  }
0x3: {  	_ = 	snop  }
0x4: {  	_ = 	snop  }
0x5: {  	_ = 	snop  }
0x6: {  	_ = 	snop  }
0x7: {  	_ = 	snop  }
__scs_overlays_trampoline_lowered:
0x8: {  	[smem:$0x3FA6] =	sst s0  }
0x9: {  	[smem:$0x3FA7] =	sst s1  }
0xa: {  	[smem:$0x3FA8] =	sst s2  }
0xb: {  	[smem:$0x3FA9] =	sst s3  }
0xc: {  	[smem:$0x3FAA] =	sst s4  }
0xd: {  	[smem:$0x3FAB] =	sst s5  }
0xe: {  	[smem:$0x3FAC] =	sst s6  }
0xf: {  	[smem:$0x3FAD] =	sst s7  }
0x10: {  	[smem:$0x3FAE] =	sst s8  }
0x11: {  	[smem:$0x3FAF] =	sst s9;
	s0 =	simm.s32 @!p0 $0x0  }
0x12: {  	s1 =	sld [smem:$0x3F95];
	s0 =	simm.s32 @p0 $0x1  }
0x13: {  	[smem:$0x3FB0] =	sst s0;
	s0 =	simm.s32 @!p1 $0x0  }
0x14: {  	s2 =	sld [smem:$0x3F94];
	s0 =	simm.s32 @p1 $0x1  }
0x15: {  	[smem:$0x3FB1] =	sst s0;
	s0 =	simm.s32 @!p2 $0x0  }
0x16: {  	s3 =	sld [smem:$0x3FDB];
	s0 =	simm.s32 @p2 $0x1  }
0x17: {  	s4 =	simm.s32 $0x1BF5;
	[smem:$0x3FB3] =	sst s0  }
0x18: {  	s0 =	sld [smem:$0x3F96];
	_ =	swait.ge [sflag:s4], $0x0  }
0x19: {  	s7 =	sld [smem:$0x3F97]  }
0x1a: {  	s8 =	sadd.s32 $0xFFFFE003, lr  }
0x1b: {  	s9 =	sadd.s32 $0xFFFFFEF7, lr;
	s5 =	simm.s32 $0xFFFFFFFF;
	p2 =	slt.u32 s8, $0xFFFFF086  }
0x1c: {  	p1 =	slt.u32 s9, $0xF7A;
	s5 =	simm.s32 @!p2 $0x0  }
0x1d: {  	s5 =	simm.s32 @p1 $0x1;
	p0 =	seq.s32 s7, s2  }
0x1e: {  	s7 =	smul.u32 @!p0 $0xF7A, s2;
	p2 =	seq.s32 @!p0 s5, $0x0  }
0x1f: {  	s9 =	smul.u32 $0xF7A, s1;
	s8 =	simm.s32 @!p0 $0x1BF5;
	p2 =	por !p2, p0  }
0x20: {  	[sflag:s8] =	ssyncset.s32 @!p0 $0xFFFFF086;
	s6 =	sadd.s32 @!p0 s3, s7;
	s7 =	simm.s32 @!p0 $0x108  }
0x21: {  	s3 =	sadd.s32 s3, s9;
	s6 =	sadd.s32 @!p0 $0x88, s6;
	s7 =	simm.s32 @p2 $0x1082  }
0x22: {  	[simem:s7], [sflag:s8] =	dma.local @!p0 [hbm:s6], $0xF7A  }
0x23: {  	s9 =	sor.u32 $0xD0000000, s2;
	s6 =	simm.s32 $0x108;
	_ =	swait.ge @!p0 [sflag:s8], $0x0  }
0x24: {  	s3 =	sadd.s32 $0x88, s3;
	s6 =	simm.s32 @!p1 $0x1082;
	[sflag:s4] =	ssyncset.s32 $0xFFFFF086  }
0x25: {  	[simem:s6], [sflag:s4] =	dma.local [hbm:s3], $0xF7A  }
0x26: {  	[smem:$0x3F97] =	sst s1;
	(tag) =	ssettag s2;
	_ =	strace s9  }
0x27: {  	s1 =	sld [smem:$0x3FA7]  }
0x28: {  	s2 =	sld [smem:$0x3FA8]  }
0x29: {  	s4 =	sld [smem:$0x3FAA]  }
0x2a: {  	p0 =	seq.s32 s5, $0x0;
	s5 =	sld [smem:$0x3FAB]  }
0x2b: {  	s6 =	sld [smem:$0x3FAC]  }
0x2c: {  	s7 =	sld [smem:$0x3FAD]  }
0x2d: {  	s3 =	simm.s32 $0x108;
	s8 =	sld [smem:$0x3FAE]  }
0x2e: {  	s3 =	simm.s32 @!p0 $0x1082;
	s9 =	sld [smem:$0x3FAF]  }
0x2f: {  	lr =	sadd.s32 s0, s3;
	s0 =	sld [smem:$0x3FA6]  }
0x30: {  	s3 =	sld [smem:$0x3FA9]  }
0x31: {  	[smem:$0x3FB2] =	sst s10  }
0x32: {  	s10 =	sld [smem:$0x3FB0];
	_ =	sdelay $0x3  }
0x33: {  	p0 =	seq.s32 s10, $0x1;
	s10 =	sld [smem:$0x3FB2];
	_ =	sdelay $0x3  }
0x34: {  	[smem:$0x3FB2] =	sst s10  }
0x35: {  	s10 =	sld [smem:$0x3FB1];
	_ =	sdelay $0x3  }
0x36: {  	p1 =	seq.s32 s10, $0x1;
	s10 =	sld [smem:$0x3FB2];
	_ =	sdelay $0x3  }
0x37: {  	[smem:$0x3FB2] =	sst s10  }
0x38: {  	s10 =	sld [smem:$0x3FB3]  }
0x39: {  	_ = 	snop;
	(pc) =	sbr.ind lr, $3  }
0x3a: {  	_ = 	snop  }
0x3b: {  	_ = 	snop  }
0x3c: {  	p2 =	seq.s32 s10, $0x1;
	s10 =	sld [smem:$0x3FB2]  }
0x3d: {  	_ =	shalt  }
0x3e: {  	_ =	shalt  }
0x3f: {  	_ =	shalt  }
0x40: {  	_ =	shalt  }
0x41: {  	_ =	shalt  }
0x42: {  	_ =	shalt  }
0x43: {  	_ =	shalt  }
0x44: {  	_ =	shalt  }
0x45: {  	_ =	shalt  }
0x46: {  	_ =	shalt  }
0x47: {  	_ =	shalt  }
0x48: {  	_ =	shalt  }
0x49: {  	_ =	shalt  }
0x4a: {  	_ =	shalt  }
0x4b: {  	_ =	shalt  }
0x4c: {  	_ =	shalt  }
0x4d: {  	_ =	shalt  }
0x4e: {  	_ =	shalt  }
0x4f: {  	_ =	shalt  }
0x50: {  	_ =	shalt  }
0x51: {  	_ =	shalt  }
0x52: {  	_ =	shalt  }
0x53: {  	_ =	shalt  }
0x54: {  	_ =	shalt  }
0x55: {  	_ =	shalt  }
0x56: {  	_ =	shalt  }
0x57: {  	_ =	shalt  }
0x58: {  	_ =	shalt  }
0x59: {  	_ =	shalt  }
0x5a: {  	_ =	shalt  }
0x5b: {  	_ =	shalt  }
0x5c: {  	_ =	shalt  }
0x5d: {  	_ =	shalt  }
0x5e: {  	_ =	shalt  }
0x5f: {  	_ =	shalt  }
0x60: {  	_ =	shalt  }
0x61: {  	_ =	shalt  }
0x62: {  	_ =	shalt  }
0x63: {  	_ =	shalt  }
0x64: {  	_ =	shalt  }
0x65: {  	_ =	shalt  }
0x66: {  	_ =	shalt  }
0x67: {  	_ =	shalt  }
0x68: {  	_ =	shalt  }
0x69: {  	_ =	shalt  }
0x6a: {  	_ =	shalt  }
0x6b: {  	_ =	shalt  }
0x6c: {  	_ =	shalt  }
0x6d: {  	_ =	shalt  }
0x6e: {  	_ =	shalt  }
0x6f: {  	_ =	shalt  }
0x70: {  	_ =	shalt  }
0x71: {  	_ =	shalt  }
0x72: {  	_ =	shalt  }
0x73: {  	_ =	shalt  }
0x74: {  	_ =	shalt  }
0x75: {  	_ =	shalt  }
0x76: {  	_ =	shalt  }
0x77: {  	_ =	shalt  }
0x78: {  	_ =	shalt  }
0x79: {  	_ =	shalt  }
0x7a: {  	_ =	shalt  }
0x7b: {  	_ =	shalt  }
0x7c: {  	_ =	shalt  }
0x7d: {  	_ =	shalt  }
0x7e: {  	_ =	shalt  }
0x7f: {  	_ =	shalt  }
0x80: {  	_ =	shalt  }
0x81: {  	_ =	shalt  }
0x82: {  	_ =	shalt  }
0x83: {  	_ =	shalt  }
0x84: {  	_ =	shalt  }
0x85: {  	_ =	shalt  }
0x86: {  	_ =	shalt  }
0x87: {  	_ =	shalt  }
.Lfunc_end0:
.L_simem_size_0:
called_computation.2_lowered:
.L_overlay_start_0:
0x88: {  	s2 =	sld [smem:$0x3FD9]  }
0x89: {  	s3 =	sld [smem:$0x3FFE];
	_ =	sdelay $0x1  }
0x8a: {  	s1 =	srdreg.scid  }
0x8b: {  	s0 =	sand.u32 $0x1, s1  }
0x8c: {  	s17 =	sshll.u32 s0, $0xA;
	s2 =	sadd.s32 s3, s2  }
0x8d: {  	s2 =	sadd.s32 s2, s17  }
0x8e: {  	[smem:$0x3FBE] =	sst s2  }
0x8f: {  	_ = 	snop  }
0x90: {  	s2 =	sld [smem:$0x3FD0];
	(tm) =	ssettm $0x1  }
0x91: {  	s18 =	sld [smem:$0x3FFB];
	_ =	sdelay $0x3  }
0x92: {  	_ =	strace s18  }
0x93: {  	s3 =	sld [smem:$0x3FFC];
	_ =	sdelay $0x3  }
0x94: {  	_ =	strace s3  }
0x95: {  	s3 =	sld [smem:$0x3FFD];
	_ =	sdelay $0x3  }
0x96: {  	_ =	strace s3  }
0x97: {  	_ =	strace $0x8FFFFFFF  }
0x98: {  	s19 =	sld [smem:$0x3FDB];
	_ =	sdelay $0x1  }
0x99: {  	s4 =	simm.s32 $_scs_section_size  }
0x9a: {  	s5 =	simm.s32 $_size__tile_overlayer_lowered;
	s6 =	simm.s32 $_tile_overlayer_lowered  }
0x9b: {  	s22 =	simm.s32 $0x1BFF;
	s21 =	sshll.u32 s6, $0x1;
	s3 =	sadd.s32 s4, s19  }
0x9c: {  	s7 =	simm.s32 $0x0;
	s20 =	sshll.u32 s5, $0x1;
	s5 =	sadd.s32 s21, s3  }
0x9d: {  	[timem:s7], [sflag:s22] =	dma.local [hbm:s5], s20  }
0x9e: {  	_ =	swait.ge [sflag:s22], s20  }
0x9f: {  	s4 =	ssub.s32 $0x0, s20;
	[sflag:s22] =	ssyncset.done $0x0  }
0xa0: {  	[sflag:s22] =	ssyncadd.s32 s4;
	_ =	sdelay $0x1  }
0xa1: {  	s23 =	simm.s32 $0x1B8B  }
0xa2: {  	_ =	swait.ge [sflag:s23], $0x1  }
0xa3: {  	[sflag:s23] =	ssyncset.done $0x0  }
0xa4: {  	s25 =	simm.s32 $0x1B8E;
	s24 =	sld [smem:$0x3FFE];
	[sflag:s23] =	ssyncadd.s32 $0xFFFFFFFF  }
0xa5: {  	s26 =	simm.s32 $execute0_lowered;
	[smem:$0x3FD2] =	sst s25  }
0xa6: {  	s5 =	sshll.u32 s26, $0x1;
	_ =	strace $0x8000004C;
	[dreg:$0x1] =	wrdreg $0xFFFFFFFF  }
0xa7: {  	s28 =	simm.s32 $_size_execute0_lowered;
	s3 =	sadd.s32 s3, s5;
	[dreg:$0x0] =	wrdreg $0x0  }
0xa8: {  	s5 =	sshll.u32 s28, $0x1;
	[dreg:$0x2] =	wrdreg s3  }
0xa9: {  	[dreg:$0x3] =	wrdreg s5  }
0xaa: {  	[dreg:$0x4] =	wrdreg $0xC0  }
0xab: {  	_ =	task [dreg:s7], $0x5FFFF  }
0xac: {  	[dreg:$0x1] =	wrdreg $0xFFFFFFFF  }
0xad: {  	[dreg:$0x0] =	wrdreg $0x60  }
0xae: {  	[dreg:$0x2] =	wrdreg s2  }
0xaf: {  	[dreg:$0x3] =	wrdreg s24  }
0xb0: {  	[dreg:$0x4] =	wrdreg $0xBEC00  }
0xb1: {  	[dreg:$0x5] =	wrdreg $0x15B000  }
0xb2: {  	[dreg:$0x6] =	wrdreg $0x9  }
0xb3: {  	_ =	task.clear_ibuf [dreg:s7], $0x7FFFF;
	_ =	strace $0x9000004C  }
0xb4: {  	s29 =	simm.s32 $0x9;
	_ =	strace $0x8000004E  }
0xb5: {  	_ =	swait.ge [sflag:s29], $0x1  }
0xb6: {  	[sflag:s29] =	ssyncadd.s32 $0xFFFFFFFF  }
0xb7: {  	_ =	strace $0x9000004E  }
0xb8: {  	_ =	sfence  }
0xb9: {  	s30 =	sld [smem:$0x0];
	_ =	sdelay $0x2  }
0xba: {  	s31 =	sshll.u32 s1, $0xD;
	s1 =	sshrl.u32 s1, $0x2  }
0xbb: {  	s3 =	sand.u32 $0x4000, s31;
	s1 =	sadd.s32 s1, s30  }
0xbc: {  	s0 =	sor.u32 s3, s0;
	s1 =	sshll.u32 s1, $0x11  }
0xbd: {  	s0 =	sor.u32 s1, s0  }
0xbe: {  	s0 =	sadd.s32 $0x8F2B, s0  }
0xbf: {  	[sflag:s0] =	ssyncadd.remote.s32 $0x1  }
0xc0: {  	_ =	sfence.sel $0xFFFF  }
0xc1: {  	[dreg:$0x0] =	wrdreg $0xFFFFFFFF;
	(pc) =	sbr.abs _section_cstart, $3  }
0xc2: {  	[dreg:$0x1] =	wrdreg $0xFFFFFFFF  }
0xc3: {  	_ =	task.clear_ibuf [dreg:s7], $0x2FFFF;
	_ =	strace $0x9FFFFFFF  }
0xc4: {  	(tm) =	ssettm $0x7FFFFFFF  }
0xc5: {  	_ =	shalt  }
tec
execute0_lowered:
.L_overlay_start_1:
0x0: {  	(tag) =	ssettag $0x1  }
0x1: {  	s0 =	rddreg [dreg:$0x0];
	s1 =	srdreg.scid  }
0x2: {  	s14 =	stileid.u32;
	s6 =	rddreg [dreg:$0x1]  }
0x3: {  	s2 =	rddreg [dreg:$0x2];
	s15 =	simm.s32 $0x2760;
	s16 =	simm.s32 $0x70  }
0x4: {  	s17 =	simm.s32 $0x4EC0;
	s18 =	simm.s32 $0x6AC0;
	s20 =	simm.s32 $0x86C0  }
0x5: {  	s21 =	simm.s32 $0x1;
	s23 =	simm.s32 $0xA2C0;
	s24 =	simm.s32 $0x2  }
0x6: {  	s29 =	simm.s32 $0x3;
	s31 =	simm.s32 $0x6;
	s22 =	simm.s32 $0x7  }
0x7: {  	s25 =	simm.s32 $0x8;
	s1 =	sand.u32 $0x1, s1;
	s8 =	smul.u32 $0x9C80, s14  }
0x8: {  	s3 =	sshll.u32 s14, $0x1;
	s10 =	smul.u32 $0x9C40, s14;
	s28 =	sshll.u32 s14, $0x6  }
0x9: {  	s4 =	sor.u32 s1, s3;
	s3 =	rddreg [dreg:$0x3];
	s7 =	smul.u32 $0x9C800, s1  }
0xa: {  	s1 =	ssub.s32 $0x2, s1;
	s5 =	smul.u32 $0x4EC, s4;
	s4 =	simm.s32 $0x0  }
0xb: {  	s11 =	sshrl.u32 s1, $0x1;
	s26 =	sshrl.u32 s10, $0x3;
	s13 =	sadd.s32 s10, s2  }
0xc: {  	s30 =	sadd.s32 s8, s3;
	[smem:$0x7FF] =	sst s4;
	s7 =	sadd.s32 s8, s7  }
0xd: {  	s1 =	ssub.s32 s1, s11;
	s14 =	sshrl.u32 s30, $0x3;
	_ =	strace $0x8000004D  }
0xe: {  	s9 =	sadd.s32 s5, s6;
	s5 =	sadd.s32 $0x1E00, s6;
	s7 =	sshrl.u32 s7, $0x3  }
0xf: {  	s11 =	smax.u32 s1, $0x1;
	s1 =	simm.s32 $0x0;
	s12 =	sadd.s32 s7, s6  }
0x10: {  	s6 =	sadd.s32 s0, s26;
	s7 =	sor.u32 $0x1C09, s28;
	s8 =	sadd.s32 $0x70A00, s9  }
0x11: {  	s9 =	sadd.s32 $0x66C00, s9;
	s26 =	simm.s32 $0x5;
	s0 =	simm.s32 $0x4  }
0x12: {  	s10 =	sadd.s32 $0x3200, s12;
	s12 =	sshrl.u32 s13, $0x3;
	s13 =	simm.s32 $0x9  }
.LBB2_1:
0x13: {  	[spmem:s12], [sflag:s7] =	dma.local [hbm:s6], $0x1388  }
0x14: {  	_ =	swait.ge [sflag:s13], $0x1388  }
0x15: {  	[sflag:s13] =	ssyncset.done $0x0  }
0x16: {  	[sflag:s13] =	ssyncadd.s32 $0xFFFFEC78  }
0x17: {  	[spmem:s14], [sflag:s7] =	dma.local [hbm:s5], $0x1390  }
0x18: {  	_ =	swait.ge [sflag:s13], $0x1390  }
0x19: {  	[sflag:s13] =	ssyncset.done $0x0  }
0x1a: {  	[sflag:s13] =	ssyncadd.s32 $0xFFFFEC70  }
0x1b: {  	[tilespmem:s4], [sflag:$0x9] =	stream.linear.gather [hbm4b:s8+s4], $0x2760, $0x38;
	[tilespmem:$0x1F780] =	vst v63  }
0x1c: {  	_ =	swait.ge [sflag:s13], $0x2760  }
0x1d: {  	[sflag:s13] =	ssyncset.done $0x0  }
0x1e: {  	[sflag:s13] =	ssyncadd.s32 $0xFFFFD8A0  }
0x1f: {  	[tilespmem:s15], [sflag:$0x9] =	stream.linear.gather [hbm4b:s9+s4], $0x2760, $0x38;
	[tilespmem:$0x1F780] =	vst v63  }
0x20: {  	_ =	swait.ge [sflag:s13], $0x2760  }
0x21: {  	[sflag:s13] =	ssyncset.done $0x0  }
0x22: {  	[sflag:s13] =	ssyncadd.s32 $0xFFFFD8A0  }
0x23: {  	[bflag:$0x0] =	sbarrier.arrive $0xFFFF  }
0x24: {  	[tilespmem:s17], [sflag:$0x1] =	stream.indirect.gather [spmem:s2], $0x40, s4, s16, $0xb8;
	[tilespmem:$0x1F780] =	vst v63  }
0x25: {  	_ = 	snop  }
0x26: {  	[tilespmem:s18], [sflag:$0x2] =	stream.indirect.gather [spmem:s2], $0x40, s16, s16, $0xb8;
	[tilespmem:$0x1F780] =	vst v63  }
0x27: {  	s19 =	simm.s32 $0xE0  }
0x28: {  	[tilespmem:s20], [sflag:$0x3] =	stream.indirect.gather [spmem:s2], $0x40, s19, s16, $0xb8;
	[tilespmem:$0x1F780] =	vst v63  }
0x29: {  	_ =	swait.ge [sflag:s21], $0x1C00  }
0x2a: {  	[sflag:s21] =	ssyncset.done $0x0  }
0x2b: {  	[sflag:s21] =	ssyncadd.s32 $0xFFFFE400  }
0x2c: {  	[spmem:s3] =	stream.indirect.scatter.add.f32 [tilespmem:s17], [sflag:$0x5], $0x40, s15, s16, $0xb8;
	[tilespmem:$0x1F780] =	vst v63  }
0x2d: {  	s30 =	simm.s32 $0x150  }
0x2e: {  	[tilespmem:s23], [sflag:$0x4] =	stream.indirect.gather [spmem:s2], $0x40, s30, s16, $0xb8;
	[tilespmem:$0x1F780] =	vst v63  }
0x2f: {  	_ =	swait.ge [sflag:s24], $0x1C00  }
0x30: {  	[sflag:s24] =	ssyncset.done $0x0  }
0x31: {  	s30 =	simm.s32 $0x27D0;
	[sflag:s24] =	ssyncadd.s32 $0xFFFFE400  }
0x32: {  	[spmem:s3] =	stream.indirect.scatter.add.f32 [tilespmem:s18], [sflag:$0x6], $0x40, s30, s16, $0xb8;
	[tilespmem:$0x1F780] =	vst v63  }
0x33: {  	_ =	swait.ge [sflag:s26], $0x1C00  }
0x34: {  	[sflag:s26] =	ssyncset.done $0x0  }
0x35: {  	s30 =	simm.s32 $0x1C0;
	[sflag:s26] =	ssyncadd.s32 $0xFFFFE400  }
0x36: {  	[tilespmem:s17], [sflag:$0x1] =	stream.indirect.gather [spmem:s2], $0x40, s30, s16, $0xb8;
	[tilespmem:$0x1F780] =	vst v63  }
0x37: {  	_ =	swait.ge [sflag:s29], $0x1C00  }
0x38: {  	[sflag:s29] =	ssyncset.done $0x0  }
0x39: {  	s30 =	simm.s32 $0x2840;
	[sflag:s29] =	ssyncadd.s32 $0xFFFFE400  }
0x3a: {  	[spmem:s3] =	stream.indirect.scatter.add.f32 [tilespmem:s20], [sflag:$0x7], $0x40, s30, s16, $0xb8;
	[tilespmem:$0x1F780] =	vst v63  }
0x3b: {  	_ =	swait.ge [sflag:s31], $0x1C00  }
0x3c: {  	[sflag:s31] =	ssyncset.done $0x0  }
0x3d: {  	s30 =	simm.s32 $0x230;
	[sflag:s31] =	ssyncadd.s32 $0xFFFFE400  }
0x3e: {  	[tilespmem:s18], [sflag:$0x2] =	stream.indirect.gather [spmem:s2], $0x40, s30, s16, $0xb8;
	[tilespmem:$0x1F780] =	vst v63  }
0x3f: {  	_ =	swait.ge [sflag:s0], $0x1C00  }
0x40: {  	[sflag:s0] =	ssyncset.done $0x0  }
0x41: {  	s30 =	simm.s32 $0x28B0;
	[sflag:s0] =	ssyncadd.s32 $0xFFFFE400  }
0x42: {  	[spmem:s3] =	stream.indirect.scatter.add.f32 [tilespmem:s23], [sflag:$0x8], $0x40, s30, s16, $0xb8;
	[tilespmem:$0x1F780] =	vst v63  }
0x43: {  	_ =	swait.ge [sflag:s22], $0x1C00  }
0x44: {  	[sflag:s22] =	ssyncset.done $0x0  }
0x45: {  	s30 =	simm.s32 $0x2A0;
	[sflag:s22] =	ssyncadd.s32 $0xFFFFE400  }
0x46: {  	[tilespmem:s20], [sflag:$0x3] =	stream.indirect.gather [spmem:s2], $0x40, s30, s16, $0xb8;
	[tilespmem:$0x1F780] =	vst v63  }
0x47: {  	_ =	swait.ge [sflag:s21], $0x1C00  }
0x48: {  	[sflag:s21] =	ssyncset.done $0x0  }
0x49: {  	s30 =	simm.s32 $0x2920;
	[sflag:s21] =	ssyncadd.s32 $0xFFFFE400  }
0x4a: {  	[spmem:s3] =	stream.indirect.scatter.add.f32 [tilespmem:s17], [sflag:$0x5], $0x40, s30, s16, $0xb8;
	[tilespmem:$0x1F780] =	vst v63  }
0x4b: {  	_ =	swait.ge [sflag:s25], $0x1C00  }
0x4c: {  	[sflag:s25] =	ssyncset.done $0x0  }
0x4d: {  	s30 =	simm.s32 $0x310;
	[sflag:s25] =	ssyncadd.s32 $0xFFFFE400  }
0x4e: {  	[tilespmem:s23], [sflag:$0x4] =	stream.indirect.gather [spmem:s2], $0x40, s30, s16, $0xb8;
	[tilespmem:$0x1F780] =	vst v63  }
0x4f: {  	_ =	swait.ge [sflag:s24], $0x1C00  }
0x50: {  	[sflag:s24] =	ssyncset.done $0x0  }
0x51: {  	s30 =	simm.s32 $0x2990;
	[sflag:s24] =	ssyncadd.s32 $0xFFFFE400  }
0x52: {  	[spmem:s3] =	stream.indirect.scatter.add.f32 [tilespmem:s18], [sflag:$0x6], $0x40, s30, s16, $0xb8;
	[tilespmem:$0x1F780] =	vst v63  }
0x53: {  	_ =	swait.ge [sflag:s26], $0x1C00  }
0x54: {  	[sflag:s26] =	ssyncset.done $0x0  }
0x55: {  	s30 =	simm.s32 $0x380;
	[sflag:s26] =	ssyncadd.s32 $0xFFFFE400  }
0x56: {  	[tilespmem:s17], [sflag:$0x1] =	stream.indirect.gather [spmem:s2], $0x40, s30, s16, $0xb8;
	[tilespmem:$0x1F780] =	vst v63  }
0x57: {  	_ =	swait.ge [sflag:s29], $0x1C00  }
0x58: {  	[sflag:s29] =	ssyncset.done $0x0  }
0x59: {  	s30 =	simm.s32 $0x2A00;
	[sflag:s29] =	ssyncadd.s32 $0xFFFFE400  }
0x5a: {  	[spmem:s3] =	stream.indirect.scatter.add.f32 [tilespmem:s20], [sflag:$0x7], $0x40, s30, s16, $0xb8;
	[tilespmem:$0x1F780] =	vst v63  }
0x5b: {  	_ =	swait.ge [sflag:s31], $0x1C00  }
0x5c: {  	[sflag:s31] =	ssyncset.done $0x0  }
0x5d: {  	s30 =	simm.s32 $0x3F0;
	[sflag:s31] =	ssyncadd.s32 $0xFFFFE400  }
0x5e: {  	[tilespmem:s18], [sflag:$0x2] =	stream.indirect.gather [spmem:s2], $0x40, s30, s16, $0xb8;
	[tilespmem:$0x1F780] =	vst v63  }
0x5f: {  	_ =	swait.ge [sflag:s0], $0x1C00  }
0x60: {  	[sflag:s0] =	ssyncset.done $0x0  }
0x61: {  	s28 =	simm.s32 $0x2A70;
	s19 =	simm.s32 $0x700;
	[sflag:s0] =	ssyncadd.s32 $0xFFFFE400  }
.LBB2_2:
0x62: {  	[spmem:s3] =	stream.indirect.scatter.add.f32 [tilespmem:s23], [sflag:$0x8], $0x40, s28, s16, $0xb8;
	[tilespmem:$0x1F780] =	vst v63  }
0x63: {  	s28 =	smov.u32 s19  }
0x64: {  	p0 =	sne.s32 s19, $0x8C00;
	s19 =	sadd.s32 $0x700, s19;
	_ =	swait.ge [sflag:s22], $0x1C00  }
0x65: {  	s28 =	sshra.s32 s28, $0x2;
	[sflag:s22] =	ssyncset.done $0x0  }
0x66: {  	s30 =	sadd.s32 $0x2A0, s28;
	[sflag:s22] =	ssyncadd.s32 $0xFFFFE400  }
0x67: {  	[tilespmem:s20], [sflag:$0x3] =	stream.indirect.gather [spmem:s2], $0x40, s30, s16, $0xb8;
	[tilespmem:$0x1F780] =	vst v63  }
0x68: {  	_ =	swait.ge [sflag:s21], $0x1C00  }
0x69: {  	[sflag:s21] =	ssyncset.done $0x0  }
0x6a: {  	s30 =	sadd.s32 $0x2920, s28;
	[sflag:s21] =	ssyncadd.s32 $0xFFFFE400  }
0x6b: {  	[spmem:s3] =	stream.indirect.scatter.add.f32 [tilespmem:s17], [sflag:$0x5], $0x40, s30, s16, $0xb8;
	[tilespmem:$0x1F780] =	vst v63  }
0x6c: {  	_ =	swait.ge [sflag:s25], $0x1C00  }
0x6d: {  	[sflag:s25] =	ssyncset.done $0x0  }
0x6e: {  	s30 =	sadd.s32 $0x310, s28;
	[sflag:s25] =	ssyncadd.s32 $0xFFFFE400  }
0x6f: {  	[tilespmem:s23], [sflag:$0x4] =	stream.indirect.gather [spmem:s2], $0x40, s30, s16, $0xb8;
	[tilespmem:$0x1F780] =	vst v63  }
0x70: {  	_ =	swait.ge [sflag:s24], $0x1C00  }
0x71: {  	[sflag:s24] =	ssyncset.done $0x0  }
0x72: {  	s30 =	sadd.s32 $0x2990, s28;
	[sflag:s24] =	ssyncadd.s32 $0xFFFFE400  }
0x73: {  	[spmem:s3] =	stream.indirect.scatter.add.f32 [tilespmem:s18], [sflag:$0x6], $0x40, s30, s16, $0xb8;
	[tilespmem:$0x1F780] =	vst v63  }
0x74: {  	_ =	swait.ge [sflag:s26], $0x1C00  }
0x75: {  	[sflag:s26] =	ssyncset.done $0x0  }
0x76: {  	s30 =	sadd.s32 $0x380, s28;
	[sflag:s26] =	ssyncadd.s32 $0xFFFFE400  }
0x77: {  	[tilespmem:s17], [sflag:$0x1] =	stream.indirect.gather [spmem:s2], $0x40, s30, s16, $0xb8;
	[tilespmem:$0x1F780] =	vst v63  }
0x78: {  	_ =	swait.ge [sflag:s29], $0x1C00  }
0x79: {  	[sflag:s29] =	ssyncset.done $0x0  }
0x7a: {  	s30 =	sadd.s32 $0x2A00, s28;
	[sflag:s29] =	ssyncadd.s32 $0xFFFFE400  }
0x7b: {  	[spmem:s3] =	stream.indirect.scatter.add.f32 [tilespmem:s20], [sflag:$0x7], $0x40, s30, s16, $0xb8;
	[tilespmem:$0x1F780] =	vst v63  }
0x7c: {  	_ =	swait.ge [sflag:s31], $0x1C00  }
0x7d: {  	[sflag:s31] =	ssyncset.done $0x0  }
.Ltmp0:
0x7e: {  	s30 =	sadd.s32 $0x3F0, s28;
	[sflag:s31] =	ssyncadd.s32 $0xFFFFE400;
	(pc) =	sbr.rel @p0 .LBB2_2-.Ltmp0, $4  }
0x7f: {  	[tilespmem:s18], [sflag:$0x2] =	stream.indirect.gather [spmem:s2], $0x40, s30, s16, $0xb8;
	[tilespmem:$0x1F780] =	vst v63  }
0x80: {  	_ =	swait.ge [sflag:s0], $0x1C00  }
0x81: {  	[sflag:s0] =	ssyncset.done $0x0  }
0x82: {  	s28 =	sadd.s32 $0x2A70, s28;
	[sflag:s0] =	ssyncadd.s32 $0xFFFFE400  }
0x83: {  	[spmem:s3] =	stream.indirect.scatter.add.f32 [tilespmem:s23], [sflag:$0x8], $0x40, s28, s16, $0xb8;
	[tilespmem:$0x1F780] =	vst v63  }
0x84: {  	_ =	swait.ge [sflag:s22], $0x1C00  }
0x85: {  	[sflag:s22] =	ssyncset.done $0x0  }
0x86: {  	[sflag:s22] =	ssyncadd.s32 $0xFFFFE400  }
0x87: {  	_ =	swait.ge [sflag:s21], $0x1C00  }
0x88: {  	[sflag:s21] =	ssyncset.done $0x0  }
0x89: {  	s19 =	simm.s32 $0x4DE0;
	[sflag:s21] =	ssyncadd.s32 $0xFFFFE400  }
0x8a: {  	[spmem:s3] =	stream.indirect.scatter.add.f32 [tilespmem:s17], [sflag:$0x5], $0x40, s19, s16, $0xb8;
	[tilespmem:$0x1F780] =	vst v63  }
0x8b: {  	_ =	swait.ge [sflag:s25], $0x1C00  }
0x8c: {  	[sflag:s25] =	ssyncset.done $0x0  }
0x8d: {  	[sflag:s25] =	ssyncadd.s32 $0xFFFFE400  }
0x8e: {  	_ =	swait.ge [sflag:s24], $0x1C00  }
0x8f: {  	[sflag:s24] =	ssyncset.done $0x0  }
0x90: {  	s30 =	simm.s32 $0x4E50;
	[sflag:s24] =	ssyncadd.s32 $0xFFFFE400  }
0x91: {  	[spmem:s3] =	stream.indirect.scatter.add.f32 [tilespmem:s18], [sflag:$0x6], $0x40, s30, s16, $0xb8;
	[tilespmem:$0x1F780] =	vst v63  }
0x92: {  	_ =	swait.ge [sflag:s26], $0x1C00  }
0x93: {  	[sflag:s26] =	ssyncset.done $0x0  }
0x94: {  	[sflag:s26] =	ssyncadd.s32 $0xFFFFE400  }
0x95: {  	_ =	swait.ge [sflag:s31], $0x1C00  }
0x96: {  	s1 =	sadd.s32 $0x1, s1;
	[sflag:s31] =	ssyncset.done $0x0  }
0x97: {  	p0 =	sne.s32 s1, s11;
	[sflag:s31] =	ssyncadd.s32 $0xFFFFE400  }
.Ltmp1:
0x98: {  	[bflag:$0x0] =	sbarrier.arrive $0xFFFF;
	(pc) =	sbr.rel @p0 .LBB2_1-.Ltmp1, $4  }
0x99: {  	[hbm:s10], [sflag:s7] =	dma.local [spmem:s14], $0x1390  }
0x9a: {  	_ =	swait.ge [sflag:s13], $0x1390  }
0x9b: {  	[sflag:s13] =	ssyncset.done $0x0  }
0x9c: {  	[sflag:s13] =	ssyncadd.s32 $0xFFFFEC70  }
0x9d: {  	_ =	sfence.sel $0x180000  }
0x9e: {  	[bflag:$0x0] =	sbarrier.arrive $0xFFFF  }
0x9f: {  	_ =	strace $0x9000004D  }
0xa0: {  	s0 =	stileid.u32;
	[bflag:$0x2] =	sbarrier.arrive $0xFFFF  }
0xa1: {  	p0 =	sne.s32 s0, $0x0;
	s0 =	rddreg [dreg:$0x4]  }
0xa2: {  	s0 =	sadd.s32 @!p0 $0x100000, s0  }
0xa3: {  	[sflag:s0] =	ssyncadd.tile.s32 @!p0 $0x1;
	_ =	shalt  }
.Lfunc_end2:
_tile_overlayer_lowered:
.L_overlay_start_2:
0xa4: {  	(tag) =	ssettag $0x2  }
0xa5: {  	s0 =	rddreg [dreg:$0x0];
	s2 =	stileid.u32  }
0xa6: {  	s1 =	rddreg [dreg:$0x1];
	p0 =	sne.s32 s2, $0x0  }
0xa7: {  	s3 =	rddreg [dreg:$0x2];
	[bflag:$0x3] =	sbarrier.arrive $0xFFFF;
	s2 =	simm.s32 @!p0 $0x1C09  }
0xa8: {  	[timem:s3], [sflag:s2] =	dma.local @!p0 [hbm:s0], s1  }
0xa9: {  	s0 =	simm.s32 @!p0 $0x9  }
0xaa: {  	_ =	swait.ge @!p0 [sflag:s0], s1  }
0xab: {  	s1 =	ssub.s32 @!p0 $0x0, s1;
	[sflag:s0] =	ssyncset.done @!p0 $0x0  }
0xac: {  	[sflag:s0] =	ssyncadd.s32 @!p0 s1  }
0xad: {  	[bflag:$0x3] =	sbarrier.arrive $0xFFFF  }
0xae: {  	_ =	shalt  }

// kernel: kernel.9.cloned.1.call-start
scs
__scs_entry_jumppad:
0x0: {  	(pc) =	sbr.rel $0x88, $3  }
0x1: {  	(tag) =	ssettag $0x0;
	lr =	simm.s32 $0x1  }
0x2: {  	[smem:$0x3F97] =	sst lr;
	_ =	strace $0xD0000000  }
0x3: {  	_ = 	snop  }
0x4: {  	_ = 	snop  }
0x5: {  	_ = 	snop  }
0x6: {  	_ = 	snop  }
0x7: {  	_ = 	snop  }
__scs_overlays_trampoline_lowered:
0x8: {  	[smem:$0x3FA6] =	sst s0  }
0x9: {  	[smem:$0x3FA7] =	sst s1  }
0xa: {  	[smem:$0x3FA8] =	sst s2  }
0xb: {  	[smem:$0x3FA9] =	sst s3  }
0xc: {  	[smem:$0x3FAA] =	sst s4  }
0xd: {  	[smem:$0x3FAB] =	sst s5  }
0xe: {  	[smem:$0x3FAC] =	sst s6  }
0xf: {  	[smem:$0x3FAD] =	sst s7  }
0x10: {  	[smem:$0x3FAE] =	sst s8  }
0x11: {  	[smem:$0x3FAF] =	sst s9;
	s0 =	simm.s32 @!p0 $0x0  }
0x12: {  	s1 =	sld [smem:$0x3F95];
	s0 =	simm.s32 @p0 $0x1  }
0x13: {  	[smem:$0x3FB0] =	sst s0;
	s0 =	simm.s32 @!p1 $0x0  }
0x14: {  	s2 =	sld [smem:$0x3F94];
	s0 =	simm.s32 @p1 $0x1  }
0x15: {  	[smem:$0x3FB1] =	sst s0;
	s0 =	simm.s32 @!p2 $0x0  }
0x16: {  	s3 =	sld [smem:$0x3FDB];
	s0 =	simm.s32 @p2 $0x1  }
0x17: {  	s4 =	simm.s32 $0x1BF5;
	[smem:$0x3FB3] =	sst s0  }
0x18: {  	s0 =	sld [smem:$0x3F96];
	_ =	swait.ge [sflag:s4], $0x0  }
0x19: {  	s7 =	sld [smem:$0x3F97]  }
0x1a: {  	s8 =	sadd.s32 $0xFFFFE003, lr  }
0x1b: {  	s9 =	sadd.s32 $0xFFFFFEF7, lr;
	s5 =	simm.s32 $0xFFFFFFFF;
	p2 =	slt.u32 s8, $0xFFFFF086  }
0x1c: {  	p1 =	slt.u32 s9, $0xF7A;
	s5 =	simm.s32 @!p2 $0x0  }
0x1d: {  	s5 =	simm.s32 @p1 $0x1;
	p0 =	seq.s32 s7, s2  }
0x1e: {  	s7 =	smul.u32 @!p0 $0xF7A, s2;
	p2 =	seq.s32 @!p0 s5, $0x0  }
0x1f: {  	s9 =	smul.u32 $0xF7A, s1;
	s8 =	simm.s32 @!p0 $0x1BF5;
	p2 =	por !p2, p0  }
0x20: {  	[sflag:s8] =	ssyncset.s32 @!p0 $0xFFFFF086;
	s6 =	sadd.s32 @!p0 s3, s7;
	s7 =	simm.s32 @!p0 $0x108  }
0x21: {  	s3 =	sadd.s32 s3, s9;
	s6 =	sadd.s32 @!p0 $0x88, s6;
	s7 =	simm.s32 @p2 $0x1082  }
0x22: {  	[simem:s7], [sflag:s8] =	dma.local @!p0 [hbm:s6], $0xF7A  }
0x23: {  	s9 =	sor.u32 $0xD0000000, s2;
	s6 =	simm.s32 $0x108;
	_ =	swait.ge @!p0 [sflag:s8], $0x0  }
0x24: {  	s3 =	sadd.s32 $0x88, s3;
	s6 =	simm.s32 @!p1 $0x1082;
	[sflag:s4] =	ssyncset.s32 $0xFFFFF086  }
0x25: {  	[simem:s6], [sflag:s4] =	dma.local [hbm:s3], $0xF7A  }
0x26: {  	[smem:$0x3F97] =	sst s1;
	(tag) =	ssettag s2;
	_ =	strace s9  }
0x27: {  	s1 =	sld [smem:$0x3FA7]  }
0x28: {  	s2 =	sld [smem:$0x3FA8]  }
0x29: {  	s4 =	sld [smem:$0x3FAA]  }
0x2a: {  	p0 =	seq.s32 s5, $0x0;
	s5 =	sld [smem:$0x3FAB]  }
0x2b: {  	s6 =	sld [smem:$0x3FAC]  }
0x2c: {  	s7 =	sld [smem:$0x3FAD]  }
0x2d: {  	s3 =	simm.s32 $0x108;
	s8 =	sld [smem:$0x3FAE]  }
0x2e: {  	s3 =	simm.s32 @!p0 $0x1082;
	s9 =	sld [smem:$0x3FAF]  }
0x2f: {  	lr =	sadd.s32 s0, s3;
	s0 =	sld [smem:$0x3FA6]  }
0x30: {  	s3 =	sld [smem:$0x3FA9]  }
0x31: {  	[smem:$0x3FB2] =	sst s10  }
0x32: {  	s10 =	sld [smem:$0x3FB0];
	_ =	sdelay $0x3  }
0x33: {  	p0 =	seq.s32 s10, $0x1;
	s10 =	sld [smem:$0x3FB2];
	_ =	sdelay $0x3  }
0x34: {  	[smem:$0x3FB2] =	sst s10  }
0x35: {  	s10 =	sld [smem:$0x3FB1];
	_ =	sdelay $0x3  }
0x36: {  	p1 =	seq.s32 s10, $0x1;
	s10 =	sld [smem:$0x3FB2];
	_ =	sdelay $0x3  }
0x37: {  	[smem:$0x3FB2] =	sst s10  }
0x38: {  	s10 =	sld [smem:$0x3FB3]  }
0x39: {  	_ = 	snop;
	(pc) =	sbr.ind lr, $3  }
0x3a: {  	_ = 	snop  }
0x3b: {  	_ = 	snop  }
0x3c: {  	p2 =	seq.s32 s10, $0x1;
	s10 =	sld [smem:$0x3FB2]  }
0x3d: {  	_ =	shalt  }
0x3e: {  	_ =	shalt  }
0x3f: {  	_ =	shalt  }
0x40: {  	_ =	shalt  }
0x41: {  	_ =	shalt  }
0x42: {  	_ =	shalt  }
0x43: {  	_ =	shalt  }
0x44: {  	_ =	shalt  }
0x45: {  	_ =	shalt  }
0x46: {  	_ =	shalt  }
0x47: {  	_ =	shalt  }
0x48: {  	_ =	shalt  }
0x49: {  	_ =	shalt  }
0x4a: {  	_ =	shalt  }
0x4b: {  	_ =	shalt  }
0x4c: {  	_ =	shalt  }
0x4d: {  	_ =	shalt  }
0x4e: {  	_ =	shalt  }
0x4f: {  	_ =	shalt  }
0x50: {  	_ =	shalt  }
0x51: {  	_ =	shalt  }
0x52: {  	_ =	shalt  }
0x53: {  	_ =	shalt  }
0x54: {  	_ =	shalt  }
0x55: {  	_ =	shalt  }
0x56: {  	_ =	shalt  }
0x57: {  	_ =	shalt  }
0x58: {  	_ =	shalt  }
0x59: {  	_ =	shalt  }
0x5a: {  	_ =	shalt  }
0x5b: {  	_ =	shalt  }
0x5c: {  	_ =	shalt  }
0x5d: {  	_ =	shalt  }
0x5e: {  	_ =	shalt  }
0x5f: {  	_ =	shalt  }
0x60: {  	_ =	shalt  }
0x61: {  	_ =	shalt  }
0x62: {  	_ =	shalt  }
0x63: {  	_ =	shalt  }
0x64: {  	_ =	shalt  }
0x65: {  	_ =	shalt  }
0x66: {  	_ =	shalt  }
0x67: {  	_ =	shalt  }
0x68: {  	_ =	shalt  }
0x69: {  	_ =	shalt  }
0x6a: {  	_ =	shalt  }
0x6b: {  	_ =	shalt  }
0x6c: {  	_ =	shalt  }
0x6d: {  	_ =	shalt  }
0x6e: {  	_ =	shalt  }
0x6f: {  	_ =	shalt  }
0x70: {  	_ =	shalt  }
0x71: {  	_ =	shalt  }
0x72: {  	_ =	shalt  }
0x73: {  	_ =	shalt  }
0x74: {  	_ =	shalt  }
0x75: {  	_ =	shalt  }
0x76: {  	_ =	shalt  }
0x77: {  	_ =	shalt  }
0x78: {  	_ =	shalt  }
0x79: {  	_ =	shalt  }
0x7a: {  	_ =	shalt  }
0x7b: {  	_ =	shalt  }
0x7c: {  	_ =	shalt  }
0x7d: {  	_ =	shalt  }
0x7e: {  	_ =	shalt  }
0x7f: {  	_ =	shalt  }
0x80: {  	_ =	shalt  }
0x81: {  	_ =	shalt  }
0x82: {  	_ =	shalt  }
0x83: {  	_ =	shalt  }
0x84: {  	_ =	shalt  }
0x85: {  	_ =	shalt  }
0x86: {  	_ =	shalt  }
0x87: {  	_ =	shalt  }
.Lfunc_end0:
.L_simem_size_0:
called_computation_lowered:
.L_overlay_start_0:
0x88: {  	s2 =	sld [smem:$0x3FD9]  }
0x89: {  	s3 =	sld [smem:$0x3FFE];
	_ =	sdelay $0x1  }
0x8a: {  	s1 =	srdreg.scid  }
0x8b: {  	s0 =	sand.u32 $0x1, s1  }
0x8c: {  	s17 =	sshll.u32 s0, $0xA;
	s2 =	sadd.s32 s3, s2  }
0x8d: {  	s2 =	sadd.s32 s2, s17  }
0x8e: {  	[smem:$0x3FBE] =	sst s2  }
0x8f: {  	_ = 	snop  }
0x90: {  	s2 =	sld [smem:$0x3FD0];
	(tm) =	ssettm $0x1  }
0x91: {  	s18 =	sld [smem:$0x3FFB];
	_ =	sdelay $0x3  }
0x92: {  	_ =	strace s18  }
0x93: {  	s3 =	sld [smem:$0x3FFC];
	_ =	sdelay $0x3  }
0x94: {  	_ =	strace s3  }
0x95: {  	s3 =	sld [smem:$0x3FFD];
	_ =	sdelay $0x3  }
0x96: {  	_ =	strace s3  }
0x97: {  	_ =	strace $0x8FFFFFFF  }
0x98: {  	s19 =	sld [smem:$0x3FDB];
	_ =	sdelay $0x1  }
0x99: {  	s4 =	simm.s32 $_scs_section_size  }
0x9a: {  	s5 =	simm.s32 $_size__tile_overlayer_lowered;
	s6 =	simm.s32 $_tile_overlayer_lowered  }
0x9b: {  	s22 =	simm.s32 $0x1BFF;
	s21 =	sshll.u32 s6, $0x1;
	s3 =	sadd.s32 s4, s19  }
0x9c: {  	s7 =	simm.s32 $0x0;
	s20 =	sshll.u32 s5, $0x1;
	s5 =	sadd.s32 s21, s3  }
0x9d: {  	[timem:s7], [sflag:s22] =	dma.local [hbm:s5], s20  }
0x9e: {  	_ =	swait.ge [sflag:s22], s20  }
0x9f: {  	s4 =	ssub.s32 $0x0, s20;
	[sflag:s22] =	ssyncset.done $0x0  }
0xa0: {  	[sflag:s22] =	ssyncadd.s32 s4;
	_ =	sdelay $0x1  }
0xa1: {  	s23 =	simm.s32 $0x1B8B  }
0xa2: {  	_ =	swait.ge [sflag:s23], $0x1  }
0xa3: {  	[sflag:s23] =	ssyncset.done $0x0  }
0xa4: {  	s25 =	simm.s32 $0x1B8E;
	s24 =	sld [smem:$0x3FFE];
	[sflag:s23] =	ssyncadd.s32 $0xFFFFFFFF  }
0xa5: {  	s26 =	simm.s32 $execute0_lowered;
	[smem:$0x3FD2] =	sst s25  }
0xa6: {  	s5 =	sshll.u32 s26, $0x1;
	_ =	strace $0x80000046;
	[dreg:$0x1] =	wrdreg $0xFFFFFFFF  }
0xa7: {  	s28 =	simm.s32 $_size_execute0_lowered;
	s3 =	sadd.s32 s3, s5;
	[dreg:$0x0] =	wrdreg $0x0  }
0xa8: {  	s5 =	sshll.u32 s28, $0x1;
	[dreg:$0x2] =	wrdreg s3  }
0xa9: {  	[dreg:$0x3] =	wrdreg s5  }
0xaa: {  	[dreg:$0x4] =	wrdreg $0xC0  }
0xab: {  	_ =	task [dreg:s7], $0x5FFFF  }
0xac: {  	[dreg:$0x1] =	wrdreg $0xFFFFFFFF  }
0xad: {  	[dreg:$0x0] =	wrdreg $0x60  }
0xae: {  	[dreg:$0x2] =	wrdreg s2  }
0xaf: {  	[dreg:$0x3] =	wrdreg s24  }
0xb0: {  	[dreg:$0x4] =	wrdreg $0x2B000  }
0xb1: {  	[dreg:$0x5] =	wrdreg $0x9  }
0xb2: {  	_ =	task.clear_ibuf [dreg:s7], $0x6FFFF;
	_ =	strace $0x90000046  }
0xb3: {  	s29 =	simm.s32 $0x9;
	_ =	strace $0x80000048  }
0xb4: {  	_ =	swait.ge [sflag:s29], $0x1  }
0xb5: {  	[sflag:s29] =	ssyncadd.s32 $0xFFFFFFFF  }
0xb6: {  	_ =	strace $0x90000048  }
0xb7: {  	_ =	sfence  }
0xb8: {  	s30 =	sld [smem:$0x0];
	_ =	sdelay $0x2  }
0xb9: {  	s31 =	sshll.u32 s1, $0xD;
	s1 =	sshrl.u32 s1, $0x2  }
0xba: {  	s3 =	sand.u32 $0x4000, s31;
	s1 =	sadd.s32 s1, s30  }
0xbb: {  	s0 =	sor.u32 s3, s0;
	s1 =	sshll.u32 s1, $0x11  }
0xbc: {  	s0 =	sor.u32 s1, s0  }
0xbd: {  	s0 =	sadd.s32 $0x8F2B, s0  }
0xbe: {  	[sflag:s0] =	ssyncadd.remote.s32 $0x1  }
0xbf: {  	_ =	sfence.sel $0xFFFF  }
0xc0: {  	[dreg:$0x0] =	wrdreg $0xFFFFFFFF;
	(pc) =	sbr.abs _section_cstart, $3  }
0xc1: {  	[dreg:$0x1] =	wrdreg $0xFFFFFFFF  }
0xc2: {  	_ =	task.clear_ibuf [dreg:s7], $0x2FFFF;
	_ =	strace $0x9FFFFFFF  }
0xc3: {  	(tm) =	ssettm $0x7FFFFFFF  }
tec
execute0_lowered:
.L_overlay_start_1:
0x0: {  	(tag) =	ssettag $0x1  }
0x1: {  	s7 =	rddreg [dreg:$0x0]  }
0x2: {  	s6 =	rddreg [dreg:$0x1]  }
0x3: {  	s2 =	rddreg [dreg:$0x2]  }
0x4: {  	s0 =	rddreg [dreg:$0x3];
	s4 =	srdreg.scid  }
0x5: {  	s1 =	stileid.u32;
	s3 =	simm.s32 $0x0;
	s13 =	simm.s32 $0x80  }
0x6: {  	s14 =	simm.s32 $0x0;
	s5 =	sand.u32 $0x1, s4;
	s8 =	smul.u32 $0x280, s1  }
0x7: {  	[smem:$0x7FF] =	sst s3;
	s4 =	sadd.s32 $0x2000, s6;
	s10 =	sshll.u32 s1, $0x1  }
0x8: {  	s9 =	smul.u32 $0x2800, s5;
	s11 =	ssub.s32 $0x2, s5;
	s5 =	sor.u32 s5, s10  }
0x9: {  	_ =	strace $0x80000047;
	s31 =	sshrl.u32 s11, $0x1;
	s12 =	smul.u32 $0x500, s5  }
0xa: {  	s5 =	sadd.s32 $0x1E00, s6;
	s9 =	sadd.s32 s8, s9;
	s10 =	ssub.s32 s11, s31  }
0xb: {  	s11 =	simm.s32 $0x1;
	s9 =	sshrl.u32 s9, $0x3;
	s7 =	sadd.s32 s7, s12  }
0xc: {  	s12 =	simm.s32 $0x2880;
	s9 =	sadd.s32 s9, s6;
	s6 =	sadd.s32 s8, s2  }
0xd: {  	s8 =	sadd.s32 $0x2200, s9;
	s9 =	smax.u32 s10, $0x1;
	s10 =	simm.s32 $0x2800  }
.LBB2_1:
0xe: {  	[tilespmem:s10], [sflag:$0x1] =	stream.linear.gather [hbm4b:s4+s3], $0x80, $0x38;
	[tilespmem:$0x2D80] =	vst v63  }
0xf: {  	_ =	swait.ge [sflag:s11], $0x80  }
0x10: {  	[sflag:s11] =	ssyncset.done $0x0  }
0x11: {  	[sflag:s11] =	ssyncadd.s32 $0xFFFFFF80  }
0x12: {  	[tilespmem:s12], [sflag:$0x1] =	stream.linear.gather [hbm4b:s5+s3], $0x280, $0x38;
	[tilespmem:$0x2D80] =	vst v63  }
0x13: {  	_ =	swait.ge [sflag:s11], $0x280  }
0x14: {  	[sflag:s11] =	ssyncset.done $0x0  }
0x15: {  	[sflag:s11] =	ssyncadd.s32 $0xFFFFFD80  }
0x16: {  	[spmem:s6] =	stream.linear.scatter [tilespmem:s12], [sflag:$0x1], $0x280, $0x38;
	[tilespmem:$0x2D80] =	vst v63  }
0x17: {  	_ =	swait.ge [sflag:s11], $0x280  }
0x18: {  	[sflag:s11] =	ssyncset.done $0x0  }
0x19: {  	[sflag:s11] =	ssyncadd.s32 $0xFFFFFD80  }
0x1a: {  	[tilespmem:s3], [sflag:$0x1] =	stream.linear.gather [hbm4b:s7+s3], $0x2800, $0x38;
	[tilespmem:$0x2D80] =	vst v63  }
0x1b: {  	_ =	swait.ge [sflag:s11], $0x2800  }
0x1c: {  	[sflag:s11] =	ssyncset.done $0x0  }
0x1d: {  	[sflag:s11] =	ssyncadd.s32 $0xFFFFD800  }
0x1e: {  	s15 =	simm.s32 $0x0;
	[bflag:$0x0] =	sbarrier.arrive $0xFFFF  }
0x1f: {  	[spmem:s2] =	stream.indirect.scatter.add.f32 [tilespmem:s10], [sflag:$0x1], $0x1, s15, s13, $0xb8;
	[tilespmem:$0x2D80] =	vst v63  }
0x20: {  	_ =	swait.ge [sflag:s11], $0x80  }
0x21: {  	s15 =	simm.s32 $0x200;
	[sflag:s11] =	ssyncset.done $0x0  }
.LBB2_2:
0x22: {  	s16 =	sshra.s32 s15, $0x2;
	[sflag:s11] =	ssyncadd.s32 $0xFFFFFF80;
	p0 =	sne.s32 s15, $0x9E00  }
0x23: {  	[spmem:s2] =	stream.indirect.scatter.add.f32 [tilespmem:s10], [sflag:$0x1], $0x1, s16, s13, $0xb8;
	[tilespmem:$0x2D80] =	vst v63  }
.Ltmp0:
0x24: {  	_ = 	snop;
	(pc) =	sbr.rel @p0 .LBB2_2-.Ltmp0, $4  }
0x25: {  	_ = 	snop  }
0x26: {  	s15 =	sadd.s32 $0x200, s15  }
0x27: {  	_ =	swait.ge [sflag:s11], $0x80  }
0x28: {  	[sflag:s11] =	ssyncset.done $0x0  }
0x29: {  	[sflag:s11] =	ssyncadd.s32 $0xFFFFFF80  }
0x2a: {  	[bflag:$0x0] =	sbarrier.arrive $0xFFFF  }
0x2b: {  	[tilespmem:s12], [sflag:$0x1] =	stream.linear.gather [spmem:s6], $0x280, $0x38;
	[tilespmem:$0x2D80] =	vst v63  }
0x2c: {  	s14 =	sadd.s32 $0x1, s14;
	_ =	swait.ge [sflag:s11], $0x280  }
0x2d: {  	p0 =	sne.s32 s14, s9;
	[sflag:s11] =	ssyncset.done $0x0  }
.Ltmp1:
0x2e: {  	[sflag:s11] =	ssyncadd.s32 $0xFFFFFD80;
	(pc) =	sbr.rel @p0 .LBB2_1-.Ltmp1, $4  }
0x2f: {  	[hbm4b:s8+s3] =	stream.linear.scatter [tilespmem:s12], [sflag:$0x1], $0x280, $0x38;
	[tilespmem:$0x2D80] =	vst v63  }
0x30: {  	_ =	swait.ge [sflag:s11], $0x280  }
0x31: {  	[sflag:s11] =	ssyncset.done $0x0  }
0x32: {  	[sflag:s11] =	ssyncadd.s32 $0xFFFFFD80  }
0x33: {  	_ =	sfence.sel $0x180000  }
0x34: {  	[bflag:$0x0] =	sbarrier.arrive $0xFFFF  }
0x35: {  	p0 =	sne.s32 s1, $0x0;
	_ =	strace $0x90000047  }
0x36: {  	s0 =	sadd.s32 @!p0 $0x100000, s0;
	[bflag:$0x2] =	sbarrier.arrive $0xFFFF  }
0x37: {  	[sflag:s0] =	ssyncadd.tile.s32 @!p0 $0x1;
	_ =	shalt  }
.Lfunc_end2:
_tile_overlayer_lowered:
.L_overlay_start_2:
0x38: {  	(tag) =	ssettag $0x2  }
0x39: {  	s0 =	rddreg [dreg:$0x0];
	s2 =	stileid.u32  }
0x3a: {  	s1 =	rddreg [dreg:$0x1];
	p0 =	sne.s32 s2, $0x0  }
0x3b: {  	s3 =	rddreg [dreg:$0x2];
	[bflag:$0x3] =	sbarrier.arrive $0xFFFF;
	s2 =	simm.s32 @!p0 $0x1C01  }
0x3c: {  	[timem:s3], [sflag:s2] =	dma.local @!p0 [hbm:s0], s1  }
0x3d: {  	s0 =	simm.s32 @!p0 $0x1  }
0x3e: {  	_ =	swait.ge @!p0 [sflag:s0], s1  }
0x3f: {  	s1 =	ssub.s32 @!p0 $0x0, s1;
	[sflag:s0] =	ssyncset.done @!p0 $0x0  }
0x40: {  	[sflag:s0] =	ssyncadd.s32 @!p0 s1  }
0x41: {  	[bflag:$0x3] =	sbarrier.arrive $0xFFFF  }
0x42: {  	_ =	shalt  }

</sc_bundles>
